<compile_context>
chip_gen: v7x
topology: tpu7x:2x2x1
jax: 0.10.2.dev20260603
libtpu: 0.0.44.dev20260713+nightly
codegen_flags: <defaults>
</compile_context>

<pallas_src>
import jax
import jax.numpy as jnp
from jax import lax
from jax.experimental import pallas as pl
from jax.experimental.pallas import tpu as pltpu
from jax.experimental.pallas import tpu_sc as plsc

B = 4096
L = 200
VOCAB = 100000
EMB = 100
PK = 50
PK_P = 64
SUM_P = 128
HID = 64
OUT = 5

NC = 2
NS = 16
NW = NC * NS
ROWS_PER_W = B // NW
HALF = 100
CHUNKS_PER_W = 2 * ROWS_PER_W

WOFFS = (0, 16, 32, 34)
IOFFS = (0, 16, 32, 48, 64, 80, 84)


def _pool_body(x2_hbm, emb_hbm, out_hbm, idx_v, idx2_v, buf_v, acc_v,
               sem0, sem1, sem2, sem3):
    cid = lax.axis_index("c")
    sid = lax.axis_index("s")
    wid = sid * NC + cid
    base2 = wid * CHUNKS_PER_W
    baseb = wid * ROWS_PER_W

    pltpu.sync_copy(x2_hbm.at[pl.ds(base2, CHUNKS_PER_W)], idx_v)

    def tbody(c, carry):
        for off in IOFFS:
            v = idx_v[c, pl.ds(off, 16)]
            v2 = v + v
            idx2_v[c, pl.ds(off, 16)] = jnp.where(
                v < VOCAB // 2, v2, v2 - (VOCAB - 1))
        return carry

    lax.fori_loop(0, CHUNKS_PER_W, tbody, 0)

    sems = (sem0, sem1, sem2, sem3)
    NPAIR = 4

    def issue(b, p):
        c = 2 * b
        pltpu.async_copy(emb_hbm.at[idx2_v.at[c]], buf_v.at[2 * p], sems[p])
        pltpu.async_copy(emb_hbm.at[idx2_v.at[c + 1]], buf_v.at[2 * p + 1], sems[p])

    def wait(p):
        pltpu.make_async_copy(emb_hbm.at[idx2_v.at[0]], buf_v.at[2 * p], sems[p]).wait()
        pltpu.make_async_copy(emb_hbm.at[idx2_v.at[0]], buf_v.at[2 * p + 1], sems[p]).wait()

    issue(0, 0)
    issue(1, 1)
    issue(2, 2)

    def proc(b, p):
        @pl.when(b + 3 < ROWS_PER_W)
        def _():
            issue(b + 3, (p + 3) % NPAIR)

        wait(p)

        b0 = buf_v.at[2 * p]
        b1 = buf_v.at[2 * p + 1]

        def rbody(i, accs):
            r = 2 * i
            out = list(accs)
            for u in range(2):
                for half in (b0, b1):
                    for k, off in enumerate(WOFFS):
                        w = half[r + u, pl.ds(off, 16)]
                        pair = plsc.bitcast(w, jnp.bfloat16)
                        lo, hi = plsc.unpack(
                            pair, format=plsc.PackFormat.INTERLEAVED,
                            preferred_element_type=jnp.float32)
                        out[2 * k] = out[2 * k] + lo
                        out[2 * k + 1] = out[2 * k + 1] + hi
            return tuple(out)

        z = jnp.zeros((16,), jnp.float32)
        accs = lax.fori_loop(0, HALF // 2, rbody, (z,) * (2 * len(WOFFS)))
        for k, off in enumerate(WOFFS):
            acc_v[b, pl.ds(off, 16)] = accs[2 * k]
            acc_v[b, pl.ds(PK + off, 16)] = accs[2 * k + 1]

    def outer(bb, carry):
        for p in range(NPAIR):
            proc(NPAIR * bb + p, p)
        return carry

    lax.fori_loop(0, ROWS_PER_W // NPAIR, outer, 0)

    pltpu.sync_copy(acc_v, out_hbm.at[pl.ds(baseb, ROWS_PER_W)])


def _pool(x2, emb_pk):
    f = pl.kernel(
        _pool_body,
        out_type=jax.ShapeDtypeStruct((B, SUM_P), jnp.float32),
        mesh=plsc.VectorSubcoreMesh(core_axis_name="c", subcore_axis_name="s"),
        scratch_types=[
            pltpu.VMEM((CHUNKS_PER_W, HALF), jnp.int32),
            pltpu.VMEM((CHUNKS_PER_W, HALF), jnp.int32),
            pltpu.VMEM((2 * 4, HALF, PK_P), jnp.int32),
            pltpu.VMEM((ROWS_PER_W, SUM_P), jnp.float32),
            pltpu.SemaphoreType.DMA,
            pltpu.SemaphoreType.DMA,
            pltpu.SemaphoreType.DMA,
            pltpu.SemaphoreType.DMA,
        ],
        compiler_params=pltpu.CompilerParams(
            use_tc_tiling_on_sc=False, needs_layout_passes=False),
    )
    return f(x2, emb_pk)


def _pack_table(emb):
    eb = emb.astype(jnp.bfloat16)
    lo_u = lax.bitcast_convert_type(eb[:, 0:PK], jnp.uint16).astype(jnp.uint32)
    hi_u = lax.bitcast_convert_type(eb[:, PK:EMB], jnp.uint16).astype(jnp.uint32)
    w = lax.bitcast_convert_type(lo_u | (hi_u << jnp.uint32(16)), jnp.int32)
    v2 = VOCAB // 2
    z = jnp.zeros((v2, PK_P - PK), jnp.int32)
    pairs = jnp.concatenate([w[:v2], z, w[v2:], z], axis=1)
    return pairs.reshape(VOCAB, PK_P)


def _mlp_body(s_ref, w1_ref, b1_ref, w2_ref, b2_ref, o_ref):
    h = s_ref[:, 0:EMB] * (1.0 / L)
    h = jnp.dot(h, w1_ref[...], preferred_element_type=jnp.float32) + b1_ref[...]
    h = jnp.maximum(h, 0.0)
    logits = jnp.dot(h, w2_ref[...], preferred_element_type=jnp.float32) + b2_ref[...]
    m = jnp.max(logits, axis=1, keepdims=True)
    e = jnp.exp(logits - m)
    o_ref[...] = e / jnp.sum(e, axis=1, keepdims=True)


def _mlp(sums, W1, b1, W2, b2):
    return pl.pallas_call(
        _mlp_body,
        out_shape=jax.ShapeDtypeStruct((B, OUT), jnp.float32),
    )(sums, W1, b1.reshape(1, HID), W2, b2.reshape(1, OUT))


def kernel(x, emb, W1, b1, W2, b2):
    x2 = x.reshape(B * 2, HALF)
    emb_pk = _pack_table(emb)
    sums = _pool(x2, emb_pk)
    return _mlp(sums, W1, b1, W2, b2)

# --- scband reference (transcript-rebuilt; emitter-appended) ---
"""Pipeline reference for scband-sentiment-model-66022237274297 (READ-ONLY COPY).

The authoritative reference and input builder live on the scoring server;
editing this copy changes nothing except your own understanding.
"""

import jax, jax.numpy as jnp
import numpy as np

VOCAB = 100000
EMB = 100
HID = 64
OUT = 5
B = 4096
L = 200

def setup_inputs(seed: int = 0) -> dict:
    key = jax.random.key(seed)
    k_idx, k_emb, k_w1, k_b1, k_w2, k_b2 = jax.random.split(key, 6)
    x = jax.random.randint(k_idx, (B, L), 0, VOCAB, dtype=jnp.int64 if jax.config.jax_enable_x64 else jnp.int32).astype(jnp.int32)
    emb = jax.random.normal(k_emb, (VOCAB, EMB), dtype=jnp.float32) * 0.02
    W1 = jax.random.normal(k_w1, (EMB, HID), dtype=jnp.float32) * (1.0 / np.sqrt(EMB))
    b1 = jax.random.normal(k_b1, (HID,), dtype=jnp.float32) * 0.01
    W2 = jax.random.normal(k_w2, (HID, OUT), dtype=jnp.float32) * (1.0 / np.sqrt(HID))
    b2 = jax.random.normal(k_b2, (OUT,), dtype=jnp.float32) * 0.01
    return {"x": x, "emb": emb, "W1": W1, "b1": b1, "W2": W2, "b2": b2}

def reference(x, emb, W1, b1, W2, b2):
    # embedding lookup (gather)
    e = jnp.take(emb, x, axis=0)          # [B, L, EMB]
    h = jnp.mean(e, axis=1)               # [B, EMB]
    h = jax.nn.relu(h @ W1 + b1)          # [B, HID]
    logits = h @ W2 + b2                  # [B, OUT]
    probs = jax.nn.softmax(logits, axis=1)
    return probs

if __name__ == "__main__":
    import jax
    _d = setup_inputs()
    print(jax.jit(kernel)(*tuple(_d.values())))

</pallas_src>

<mosaic_0001>
#map = affine_map<(d0, d1) -> (0, 0)>
module attributes {stable_mosaic.version = 14 : i64} {
  func.func @_pool_body(%arg0: i32, %arg1: i32, %arg2: memref<8192x100xi32, #tpu.memory_space<hbm>>, %arg3: memref<100000x64xi32, #tpu.memory_space<hbm>>, %arg4: memref<4096x128xf32, #tpu.memory_space<hbm>>, %arg5: memref<256x100xi32, #tpu.memory_space<vmem>>, %arg6: memref<256x100xi32, #tpu.memory_space<vmem>>, %arg7: memref<8x100x64xi32, #tpu.memory_space<vmem>>, %arg8: memref<128x128xf32, #tpu.memory_space<vmem>>, %arg9: memref<!tpu.dma_semaphore, #tpu.memory_space<semaphore_mem>>, %arg10: memref<!tpu.dma_semaphore, #tpu.memory_space<semaphore_mem>>, %arg11: memref<!tpu.dma_semaphore, #tpu.memory_space<semaphore_mem>>, %arg12: memref<!tpu.dma_semaphore, #tpu.memory_space<semaphore_mem>>) attributes {dimension_semantics = [#tpu.dimension_semantics<core_parallel>, #tpu.dimension_semantics<subcore_parallel>], iteration_bounds = array<i64: 2, 16>, scalar_prefetch = 0 : i64, scratch_operands = 8 : i64, tpu.core_type = #tpu.core_type<sc_vector_subcore>, window_params = [{transform_indices = #map}, {transform_indices = #map}, {transform_indices = #map}]} {
    %mul3A = arith.constant 2 : i32
    %mul3A_0 = arith.muli %arg1, %mul3A : i32
    %add3A = arith.addi %mul3A_0, %arg0 : i32
    %mul3A_1 = arith.constant 256 : i32
    %mul3A_2 = arith.muli %add3A, %mul3A_1 : i32
    %mul3A_3 = arith.constant 128 : i32
    %mul3A_4 = arith.muli %add3A, %mul3A_3 : i32
    "tpu.region"() ({
      %run_scoped3A = tpu.sem_alloc : memref<!tpu.dma_semaphore, #tpu.memory_space<semaphore_mem>>
      %dma_start3A_87 = arith.constant 0 : i32
      %dma_start3A_88 = tpu.memref_slice %arg2[%mul3A_2, %dma_start3A_87] : memref<8192x100xi32, #tpu.memory_space<hbm>> -> memref<256x100xi32, #tpu.memory_space<hbm>>
      %dma_start3A_89 = arith.constant 0 : i32
      %dma_start3A_90 = tpu.memref_slice %arg2[%mul3A_2, %dma_start3A_89] : memref<8192x100xi32, #tpu.memory_space<hbm>> -> memref<256x100xi32, #tpu.memory_space<hbm>>
      tpu.enqueue_dma source(%dma_start3A_90 : memref<256x100xi32, #tpu.memory_space<hbm>>) target(%arg5 : memref<256x100xi32, #tpu.memory_space<vmem>>) target_semaphore(%run_scoped3A : memref<!tpu.dma_semaphore, #tpu.memory_space<semaphore_mem>>)
      %dma_wait3A = arith.constant 0 : i32
      %dma_wait3A_91 = tpu.memref_slice %arg2[%mul3A_2, %dma_wait3A] : memref<8192x100xi32, #tpu.memory_space<hbm>> -> memref<256x100xi32, #tpu.memory_space<hbm>>
      %dma_wait3A_92 = arith.constant 0 : i32
      %dma_wait3A_93 = tpu.memref_slice %arg2[%mul3A_2, %dma_wait3A_92] : memref<8192x100xi32, #tpu.memory_space<hbm>> -> memref<256x100xi32, #tpu.memory_space<hbm>>
      tpu.wait_dma2 semaphore(%run_scoped3A : memref<!tpu.dma_semaphore, #tpu.memory_space<semaphore_mem>>) src(%dma_wait3A_93 : memref<256x100xi32, #tpu.memory_space<hbm>>) dst(%arg5 : memref<256x100xi32, #tpu.memory_space<vmem>>)
      tpu.yield
    }) : () -> ()
    %scan3A = arith.constant 0 : i32
    %scan3A_5 = arith.constant 0 : i32
    %scan3A_6 = arith.constant 256 : i32
    %scan3A_7 = arith.addi %scan3A_5, %scan3A_6 : i32
    %scan3A_8 = arith.constant 1 : i32
    scf.for %scan3A_87 = %scan3A_5 to %scan3A_7 step %scan3A_8  : i32 {
      %get3A = arith.index_cast %scan3A_87 : i32 to index
      %get3A_88 = arith.constant 0 : index
      %get3A_89 = tpu.vector_load %arg5[%get3A, %get3A_88] {strides = array<i32>} : memref<256x100xi32, #tpu.memory_space<vmem>>, vector<16xi32>,
      %add3A_90 = arith.addi %get3A_89, %get3A_89 : vector<16xi32>
      %lt3A = arith.constant 50000 : i32
      %lt3A_91 = vector.broadcast %lt3A : i32 to vector<16xi32>
      %lt3A_92 = arith.cmpi slt, %get3A_89, %lt3A_91 : vector<16xi32>
      %sub3A = arith.constant 99999 : i32
      %sub3A_93 = vector.broadcast %sub3A : i32 to vector<16xi32>
      %sub3A_94 = arith.subi %add3A_90, %sub3A_93 : vector<16xi32>
      %select_n3A = arith.select %lt3A_92, %add3A_90, %sub3A_94 : vector<16xi1>, vector<16xi32>
      %swap3A = arith.index_cast %scan3A_87 : i32 to index
      %swap3A_95 = arith.constant 0 : index
      %swap3A_96 = tpu.vector_load %arg6[%swap3A, %swap3A_95] {strides = array<i32>} : memref<256x100xi32, #tpu.memory_space<vmem>>, vector<16xi32>,
      tpu.vector_store %arg6[%swap3A, %swap3A_95], %select_n3A {strides = array<i32>} : memref<256x100xi32, #tpu.memory_space<vmem>>, vector<16xi32>,
      %get3A_97 = arith.index_cast %scan3A_87 : i32 to index
      %get3A_98 = arith.constant 16 : index
      %get3A_99 = tpu.vector_load %arg5[%get3A_97, %get3A_98] {strides = array<i32>} : memref<256x100xi32, #tpu.memory_space<vmem>>, vector<16xi32>,
      %add3A_100 = arith.addi %get3A_99, %get3A_99 : vector<16xi32>
      %lt3A_101 = arith.constant 50000 : i32
      %lt3A_102 = vector.broadcast %lt3A_101 : i32 to vector<16xi32>
      %lt3A_103 = arith.cmpi slt, %get3A_99, %lt3A_102 : vector<16xi32>
      %sub3A_104 = arith.constant 99999 : i32
      %sub3A_105 = vector.broadcast %sub3A_104 : i32 to vector<16xi32>
      %sub3A_106 = arith.subi %add3A_100, %sub3A_105 : vector<16xi32>
      %select_n3A_107 = arith.select %lt3A_103, %add3A_100, %sub3A_106 : vector<16xi1>, vector<16xi32>
      %swap3A_108 = arith.index_cast %scan3A_87 : i32 to index
      %swap3A_109 = arith.constant 16 : index
      %swap3A_110 = tpu.vector_load %arg6[%swap3A_108, %swap3A_109] {strides = array<i32>} : memref<256x100xi32, #tpu.memory_space<vmem>>, vector<16xi32>,
      tpu.vector_store %arg6[%swap3A_108, %swap3A_109], %select_n3A_107 {strides = array<i32>} : memref<256x100xi32, #tpu.memory_space<vmem>>, vector<16xi32>,
      %get3A_111 = arith.index_cast %scan3A_87 : i32 to index
      %get3A_112 = arith.constant 32 : index
      %get3A_113 = tpu.vector_load %arg5[%get3A_111, %get3A_112] {strides = array<i32>} : memref<256x100xi32, #tpu.memory_space<vmem>>, vector<16xi32>,
      %add3A_114 = arith.addi %get3A_113, %get3A_113 : vector<16xi32>
      %lt3A_115 = arith.constant 50000 : i32
      %lt3A_116 = vector.broadcast %lt3A_115 : i32 to vector<16xi32>
      %lt3A_117 = arith.cmpi slt, %get3A_113, %lt3A_116 : vector<16xi32>
      %sub3A_118 = arith.constant 99999 : i32
      %sub3A_119 = vector.broadcast %sub3A_118 : i32 to vector<16xi32>
      %sub3A_120 = arith.subi %add3A_114, %sub3A_119 : vector<16xi32>
      %select_n3A_121 = arith.select %lt3A_117, %add3A_114, %sub3A_120 : vector<16xi1>, vector<16xi32>
      %swap3A_122 = arith.index_cast %scan3A_87 : i32 to index
      %swap3A_123 = arith.constant 32 : index
      %swap3A_124 = tpu.vector_load %arg6[%swap3A_122, %swap3A_123] {strides = array<i32>} : memref<256x100xi32, #tpu.memory_space<vmem>>, vector<16xi32>,
      tpu.vector_store %arg6[%swap3A_122, %swap3A_123], %select_n3A_121 {strides = array<i32>} : memref<256x100xi32, #tpu.memory_space<vmem>>, vector<16xi32>,
      %get3A_125 = arith.index_cast %scan3A_87 : i32 to index
      %get3A_126 = arith.constant 48 : index
      %get3A_127 = tpu.vector_load %arg5[%get3A_125, %get3A_126] {strides = array<i32>} : memref<256x100xi32, #tpu.memory_space<vmem>>, vector<16xi32>,
      %add3A_128 = arith.addi %get3A_127, %get3A_127 : vector<16xi32>
      %lt3A_129 = arith.constant 50000 : i32
      %lt3A_130 = vector.broadcast %lt3A_129 : i32 to vector<16xi32>
      %lt3A_131 = arith.cmpi slt, %get3A_127, %lt3A_130 : vector<16xi32>
      %sub3A_132 = arith.constant 99999 : i32
      %sub3A_133 = vector.broadcast %sub3A_132 : i32 to vector<16xi32>
      %sub3A_134 = arith.subi %add3A_128, %sub3A_133 : vector<16xi32>
      %select_n3A_135 = arith.select %lt3A_131, %add3A_128, %sub3A_134 : vector<16xi1>, vector<16xi32>
      %swap3A_136 = arith.index_cast %scan3A_87 : i32 to index
      %swap3A_137 = arith.constant 48 : index
      %swap3A_138 = tpu.vector_load %arg6[%swap3A_136, %swap3A_137] {strides = array<i32>} : memref<256x100xi32, #tpu.memory_space<vmem>>, vector<16xi32>,
      tpu.vector_store %arg6[%swap3A_136, %swap3A_137], %select_n3A_135 {strides = array<i32>} : memref<256x100xi32, #tpu.memory_space<vmem>>, vector<16xi32>,
      %get3A_139 = arith.index_cast %scan3A_87 : i32 to index
      %get3A_140 = arith.constant 64 : index
      %get3A_141 = tpu.vector_load %arg5[%get3A_139, %get3A_140] {strides = array<i32>} : memref<256x100xi32, #tpu.memory_space<vmem>>, vector<16xi32>,
      %add3A_142 = arith.addi %get3A_141, %get3A_141 : vector<16xi32>
      %lt3A_143 = arith.constant 50000 : i32
      %lt3A_144 = vector.broadcast %lt3A_143 : i32 to vector<16xi32>
      %lt3A_145 = arith.cmpi slt, %get3A_141, %lt3A_144 : vector<16xi32>
      %sub3A_146 = arith.constant 99999 : i32
      %sub3A_147 = vector.broadcast %sub3A_146 : i32 to vector<16xi32>
      %sub3A_148 = arith.subi %add3A_142, %sub3A_147 : vector<16xi32>
      %select_n3A_149 = arith.select %lt3A_145, %add3A_142, %sub3A_148 : vector<16xi1>, vector<16xi32>
      %swap3A_150 = arith.index_cast %scan3A_87 : i32 to index
      %swap3A_151 = arith.constant 64 : index
      %swap3A_152 = tpu.vector_load %arg6[%swap3A_150, %swap3A_151] {strides = array<i32>} : memref<256x100xi32, #tpu.memory_space<vmem>>, vector<16xi32>,
      tpu.vector_store %arg6[%swap3A_150, %swap3A_151], %select_n3A_149 {strides = array<i32>} : memref<256x100xi32, #tpu.memory_space<vmem>>, vector<16xi32>,
      %get3A_153 = arith.index_cast %scan3A_87 : i32 to index
      %get3A_154 = arith.constant 80 : index
      %get3A_155 = tpu.vector_load %arg5[%get3A_153, %get3A_154] {strides = array<i32>} : memref<256x100xi32, #tpu.memory_space<vmem>>, vector<16xi32>,
      %add3A_156 = arith.addi %get3A_155, %get3A_155 : vector<16xi32>
      %lt3A_157 = arith.constant 50000 : i32
      %lt3A_158 = vector.broadcast %lt3A_157 : i32 to vector<16xi32>
      %lt3A_159 = arith.cmpi slt, %get3A_155, %lt3A_158 : vector<16xi32>
      %sub3A_160 = arith.constant 99999 : i32
      %sub3A_161 = vector.broadcast %sub3A_160 : i32 to vector<16xi32>
      %sub3A_162 = arith.subi %add3A_156, %sub3A_161 : vector<16xi32>
      %select_n3A_163 = arith.select %lt3A_159, %add3A_156, %sub3A_162 : vector<16xi1>, vector<16xi32>
      %swap3A_164 = arith.index_cast %scan3A_87 : i32 to index
      %swap3A_165 = arith.constant 80 : index
      %swap3A_166 = tpu.vector_load %arg6[%swap3A_164, %swap3A_165] {strides = array<i32>} : memref<256x100xi32, #tpu.memory_space<vmem>>, vector<16xi32>,
      tpu.vector_store %arg6[%swap3A_164, %swap3A_165], %select_n3A_163 {strides = array<i32>} : memref<256x100xi32, #tpu.memory_space<vmem>>, vector<16xi32>,
      %get3A_167 = arith.index_cast %scan3A_87 : i32 to index
      %get3A_168 = arith.constant 84 : index
      %get3A_169 = tpu.vector_load %arg5[%get3A_167, %get3A_168] {strides = array<i32>} : memref<256x100xi32, #tpu.memory_space<vmem>>, vector<16xi32>,
      %add3A_170 = arith.addi %get3A_169, %get3A_169 : vector<16xi32>
      %lt3A_171 = arith.constant 50000 : i32
      %lt3A_172 = vector.broadcast %lt3A_171 : i32 to vector<16xi32>
      %lt3A_173 = arith.cmpi slt, %get3A_169, %lt3A_172 : vector<16xi32>
      %sub3A_174 = arith.constant 99999 : i32
      %sub3A_175 = vector.broadcast %sub3A_174 : i32 to vector<16xi32>
      %sub3A_176 = arith.subi %add3A_170, %sub3A_175 : vector<16xi32>
      %select_n3A_177 = arith.select %lt3A_173, %add3A_170, %sub3A_176 : vector<16xi1>, vector<16xi32>
      %swap3A_178 = arith.index_cast %scan3A_87 : i32 to index
      %swap3A_179 = arith.constant 84 : index
      %swap3A_180 = tpu.vector_load %arg6[%swap3A_178, %swap3A_179] {strides = array<i32>} : memref<256x100xi32, #tpu.memory_space<vmem>>, vector<16xi32>,
      tpu.vector_store %arg6[%swap3A_178, %swap3A_179], %select_n3A_177 {strides = array<i32>} : memref<256x100xi32, #tpu.memory_space<vmem>>, vector<16xi32>,
    }
    %scan3A_9 = arith.constant 256 : i32
    %dma_start3A = arith.constant 0 : i32
    %dma_start3A_10 = arith.constant 0 : i32
    %dma_start3A_11 = arith.constant 0 : i32
    %dma_start3A_12 = arith.constant 0 : i32
    %dma_start3A_13 = tpu.memref_slice %arg7[%dma_start3A_10, %dma_start3A_11, %dma_start3A_12] : memref<8x100x64xi32, #tpu.memory_space<vmem>> -> memref<1x100x64xi32, #tpu.memory_space<vmem>>
    %dma_start3A_14 = tpu.memref_squeeze %dma_start3A_13 : memref<1x100x64xi32, #tpu.memory_space<vmem>> -> memref<100x64xi32, #tpu.memory_space<vmem>>
    %dma_start3A_15 = arith.constant 0 : i32
    %dma_start3A_16 = tpu.memref_slice %arg6[%dma_start3A, %dma_start3A_15] : memref<256x100xi32, #tpu.memory_space<vmem>> -> memref<1x100xi32, #tpu.memory_space<vmem>>
    %dma_start3A_17 = tpu.memref_squeeze %dma_start3A_16 : memref<1x100xi32, #tpu.memory_space<vmem>> -> memref<100xi32, #tpu.memory_space<vmem>>
    %dma_start3A_18 = arith.constant 0 : i32
    %dma_start3A_19 = arith.constant 0 : i32
    %dma_start3A_20 = tpu.memref_slice %arg3[%dma_start3A_18, %dma_start3A_19] : memref<100000x64xi32, #tpu.memory_space<hbm>> -> memref<100000x64xi32, #tpu.memory_space<hbm>>
    tpu.enqueue_indirect_dma source(%dma_start3A_20 : memref<100000x64xi32, #tpu.memory_space<hbm>>) target(%dma_start3A_14 : memref<100x64xi32, #tpu.memory_space<vmem>>) offsets(%dma_start3A_17 : memref<100xi32, #tpu.memory_space<vmem>>) semaphore(%arg9 : memref<!tpu.dma_semaphore, #tpu.memory_space<semaphore_mem>>)
    %dma_start3A_21 = arith.constant 1 : i32
    %dma_start3A_22 = arith.constant 1 : i32
    %dma_start3A_23 = arith.constant 0 : i32
    %dma_start3A_24 = arith.constant 0 : i32
    %dma_start3A_25 = tpu.memref_slice %arg7[%dma_start3A_22, %dma_start3A_23, %dma_start3A_24] : memref<8x100x64xi32, #tpu.memory_space<vmem>> -> memref<1x100x64xi32, #tpu.memory_space<vmem>>
    %dma_start3A_26 = tpu.memref_squeeze %dma_start3A_25 : memref<1x100x64xi32, #tpu.memory_space<vmem>> -> memref<100x64xi32, #tpu.memory_space<vmem>>
    %dma_start3A_27 = arith.constant 0 : i32
    %dma_start3A_28 = tpu.memref_slice %arg6[%dma_start3A_21, %dma_start3A_27] : memref<256x100xi32, #tpu.memory_space<vmem>> -> memref<1x100xi32, #tpu.memory_space<vmem>>
    %dma_start3A_29 = tpu.memref_squeeze %dma_start3A_28 : memref<1x100xi32, #tpu.memory_space<vmem>> -> memref<100xi32, #tpu.memory_space<vmem>>
    %dma_start3A_30 = arith.constant 0 : i32
    %dma_start3A_31 = arith.constant 0 : i32
    %dma_start3A_32 = tpu.memref_slice %arg3[%dma_start3A_30, %dma_start3A_31] : memref<100000x64xi32, #tpu.memory_space<hbm>> -> memref<100000x64xi32, #tpu.memory_space<hbm>>
    tpu.enqueue_indirect_dma source(%dma_start3A_32 : memref<100000x64xi32, #tpu.memory_space<hbm>>) target(%dma_start3A_26 : memref<100x64xi32, #tpu.memory_space<vmem>>) offsets(%dma_start3A_29 : memref<100xi32, #tpu.memory_space<vmem>>) semaphore(%arg9 : memref<!tpu.dma_semaphore, #tpu.memory_space<semaphore_mem>>)
    %dma_start3A_33 = arith.constant 2 : i32
    %dma_start3A_34 = arith.constant 2 : i32
    %dma_start3A_35 = arith.constant 0 : i32
    %dma_start3A_36 = arith.constant 0 : i32
    %dma_start3A_37 = tpu.memref_slice %arg7[%dma_start3A_34, %dma_start3A_35, %dma_start3A_36] : memref<8x100x64xi32, #tpu.memory_space<vmem>> -> memref<1x100x64xi32, #tpu.memory_space<vmem>>
    %dma_start3A_38 = tpu.memref_squeeze %dma_start3A_37 : memref<1x100x64xi32, #tpu.memory_space<vmem>> -> memref<100x64xi32, #tpu.memory_space<vmem>>
    %dma_start3A_39 = arith.constant 0 : i32
    %dma_start3A_40 = tpu.memref_slice %arg6[%dma_start3A_33, %dma_start3A_39] : memref<256x100xi32, #tpu.memory_space<vmem>> -> memref<1x100xi32, #tpu.memory_space<vmem>>
    %dma_start3A_41 = tpu.memref_squeeze %dma_start3A_40 : memref<1x100xi32, #tpu.memory_space<vmem>> -> memref<100xi32, #tpu.memory_space<vmem>>
    %dma_start3A_42 = arith.constant 0 : i32
    %dma_start3A_43 = arith.constant 0 : i32
    %dma_start3A_44 = tpu.memref_slice %arg3[%dma_start3A_42, %dma_start3A_43] : memref<100000x64xi32, #tpu.memory_space<hbm>> -> memref<100000x64xi32, #tpu.memory_space<hbm>>
    tpu.enqueue_indirect_dma source(%dma_start3A_44 : memref<100000x64xi32, #tpu.memory_space<hbm>>) target(%dma_start3A_38 : memref<100x64xi32, #tpu.memory_space<vmem>>) offsets(%dma_start3A_41 : memref<100xi32, #tpu.memory_space<vmem>>) semaphore(%arg10 : memref<!tpu.dma_semaphore, #tpu.memory_space<semaphore_mem>>)
    %dma_start3A_45 = arith.constant 3 : i32
    %dma_start3A_46 = arith.constant 3 : i32
    %dma_start3A_47 = arith.constant 0 : i32
    %dma_start3A_48 = arith.constant 0 : i32
    %dma_start3A_49 = tpu.memref_slice %arg7[%dma_start3A_46, %dma_start3A_47, %dma_start3A_48] : memref<8x100x64xi32, #tpu.memory_space<vmem>> -> memref<1x100x64xi32, #tpu.memory_space<vmem>>
    %dma_start3A_50 = tpu.memref_squeeze %dma_start3A_49 : memref<1x100x64xi32, #tpu.memory_space<vmem>> -> memref<100x64xi32, #tpu.memory_space<vmem>>
    %dma_start3A_51 = arith.constant 0 : i32
    %dma_start3A_52 = tpu.memref_slice %arg6[%dma_start3A_45, %dma_start3A_51] : memref<256x100xi32, #tpu.memory_space<vmem>> -> memref<1x100xi32, #tpu.memory_space<vmem>>
    %dma_start3A_53 = tpu.memref_squeeze %dma_start3A_52 : memref<1x100xi32, #tpu.memory_space<vmem>> -> memref<100xi32, #tpu.memory_space<vmem>>
    %dma_start3A_54 = arith.constant 0 : i32
    %dma_start3A_55 = arith.constant 0 : i32
    %dma_start3A_56 = tpu.memref_slice %arg3[%dma_start3A_54, %dma_start3A_55] : memref<100000x64xi32, #tpu.memory_space<hbm>> -> memref<100000x64xi32, #tpu.memory_space<hbm>>
    tpu.enqueue_indirect_dma source(%dma_start3A_56 : memref<100000x64xi32, #tpu.memory_space<hbm>>) target(%dma_start3A_50 : memref<100x64xi32, #tpu.memory_space<vmem>>) offsets(%dma_start3A_53 : memref<100xi32, #tpu.memory_space<vmem>>) semaphore(%arg10 : memref<!tpu.dma_semaphore, #tpu.memory_space<semaphore_mem>>)
    %dma_start3A_57 = arith.constant 4 : i32
    %dma_start3A_58 = arith.constant 4 : i32
    %dma_start3A_59 = arith.constant 0 : i32
    %dma_start3A_60 = arith.constant 0 : i32
    %dma_start3A_61 = tpu.memref_slice %arg7[%dma_start3A_58, %dma_start3A_59, %dma_start3A_60] : memref<8x100x64xi32, #tpu.memory_space<vmem>> -> memref<1x100x64xi32, #tpu.memory_space<vmem>>
    %dma_start3A_62 = tpu.memref_squeeze %dma_start3A_61 : memref<1x100x64xi32, #tpu.memory_space<vmem>> -> memref<100x64xi32, #tpu.memory_space<vmem>>
    %dma_start3A_63 = arith.constant 0 : i32
    %dma_start3A_64 = tpu.memref_slice %arg6[%dma_start3A_57, %dma_start3A_63] : memref<256x100xi32, #tpu.memory_space<vmem>> -> memref<1x100xi32, #tpu.memory_space<vmem>>
    %dma_start3A_65 = tpu.memref_squeeze %dma_start3A_64 : memref<1x100xi32, #tpu.memory_space<vmem>> -> memref<100xi32, #tpu.memory_space<vmem>>
    %dma_start3A_66 = arith.constant 0 : i32
    %dma_start3A_67 = arith.constant 0 : i32
    %dma_start3A_68 = tpu.memref_slice %arg3[%dma_start3A_66, %dma_start3A_67] : memref<100000x64xi32, #tpu.memory_space<hbm>> -> memref<100000x64xi32, #tpu.memory_space<hbm>>
    tpu.enqueue_indirect_dma source(%dma_start3A_68 : memref<100000x64xi32, #tpu.memory_space<hbm>>) target(%dma_start3A_62 : memref<100x64xi32, #tpu.memory_space<vmem>>) offsets(%dma_start3A_65 : memref<100xi32, #tpu.memory_space<vmem>>) semaphore(%arg11 : memref<!tpu.dma_semaphore, #tpu.memory_space<semaphore_mem>>)
    %dma_start3A_69 = arith.constant 5 : i32
    %dma_start3A_70 = arith.constant 5 : i32
    %dma_start3A_71 = arith.constant 0 : i32
    %dma_start3A_72 = arith.constant 0 : i32
    %dma_start3A_73 = tpu.memref_slice %arg7[%dma_start3A_70, %dma_start3A_71, %dma_start3A_72] : memref<8x100x64xi32, #tpu.memory_space<vmem>> -> memref<1x100x64xi32, #tpu.memory_space<vmem>>
    %dma_start3A_74 = tpu.memref_squeeze %dma_start3A_73 : memref<1x100x64xi32, #tpu.memory_space<vmem>> -> memref<100x64xi32, #tpu.memory_space<vmem>>
    %dma_start3A_75 = arith.constant 0 : i32
    %dma_start3A_76 = tpu.memref_slice %arg6[%dma_start3A_69, %dma_start3A_75] : memref<256x100xi32, #tpu.memory_space<vmem>> -> memref<1x100xi32, #tpu.memory_space<vmem>>
    %dma_start3A_77 = tpu.memref_squeeze %dma_start3A_76 : memref<1x100xi32, #tpu.memory_space<vmem>> -> memref<100xi32, #tpu.memory_space<vmem>>
    %dma_start3A_78 = arith.constant 0 : i32
    %dma_start3A_79 = arith.constant 0 : i32
    %dma_start3A_80 = tpu.memref_slice %arg3[%dma_start3A_78, %dma_start3A_79] : memref<100000x64xi32, #tpu.memory_space<hbm>> -> memref<100000x64xi32, #tpu.memory_space<hbm>>
    tpu.enqueue_indirect_dma source(%dma_start3A_80 : memref<100000x64xi32, #tpu.memory_space<hbm>>) target(%dma_start3A_74 : memref<100x64xi32, #tpu.memory_space<vmem>>) offsets(%dma_start3A_77 : memref<100xi32, #tpu.memory_space<vmem>>) semaphore(%arg11 : memref<!tpu.dma_semaphore, #tpu.memory_space<semaphore_mem>>)
    %scan3A_81 = arith.constant 0 : i32
    %scan3A_82 = arith.constant 0 : i32
    %scan3A_83 = arith.constant 32 : i32
    %scan3A_84 = arith.addi %scan3A_82, %scan3A_83 : i32
    %scan3A_85 = arith.constant 1 : i32
    scf.for %scan3A_87 = %scan3A_82 to %scan3A_84 step %scan3A_85  : i32 {
      %mul3A_88 = arith.constant 4 : i32
      %mul3A_89 = arith.muli %mul3A_88, %scan3A_87 : i32
      %add3A_90 = arith.constant 0 : i32
      %add3A_91 = arith.addi %mul3A_89, %add3A_90 : i32
      %add3A_92 = arith.constant 3 : i32
      %add3A_93 = arith.addi %add3A_91, %add3A_92 : i32
      %lt3A = arith.constant 128 : i32
      %lt3A_94 = arith.cmpi slt, %add3A_93, %lt3A : i32
      %convert_element_type3A = arith.extui %lt3A_94 : i1 to i32
      %cond3A = arith.constant 0 : i32
      %cond3A_95 = arith.cmpi ne, %convert_element_type3A, %cond3A : i32
      scf.if %cond3A_95 {
        %add3A_358 = arith.constant 3 : i32
        %add3A_359 = arith.addi %add3A_91, %add3A_358 : i32
        %mul3A_360 = arith.constant 2 : i32
        %mul3A_361 = arith.muli %mul3A_360, %add3A_359 : i32
        %dma_start3A_362 = arith.constant 6 : i32
        %dma_start3A_363 = arith.constant 0 : i32
        %dma_start3A_364 = arith.constant 0 : i32
        %dma_start3A_365 = tpu.memref_slice %arg7[%dma_start3A_362, %dma_start3A_363, %dma_start3A_364] : memref<8x100x64xi32, #tpu.memory_space<vmem>> -> memref<1x100x64xi32, #tpu.memory_space<vmem>>
        %dma_start3A_366 = tpu.memref_squeeze %dma_start3A_365 : memref<1x100x64xi32, #tpu.memory_space<vmem>> -> memref<100x64xi32, #tpu.memory_space<vmem>>
        %dma_start3A_367 = arith.constant 0 : i32
        %dma_start3A_368 = tpu.memref_slice %arg6[%mul3A_361, %dma_start3A_367] : memref<256x100xi32, #tpu.memory_space<vmem>> -> memref<1x100xi32, #tpu.memory_space<vmem>>
        %dma_start3A_369 = tpu.memref_squeeze %dma_start3A_368 : memref<1x100xi32, #tpu.memory_space<vmem>> -> memref<100xi32, #tpu.memory_space<vmem>>
        %dma_start3A_370 = arith.constant 0 : i32
        %dma_start3A_371 = arith.constant 0 : i32
        %dma_start3A_372 = tpu.memref_slice %arg3[%dma_start3A_370, %dma_start3A_371] : memref<100000x64xi32, #tpu.memory_space<hbm>> -> memref<100000x64xi32, #tpu.memory_space<hbm>>
        tpu.enqueue_indirect_dma source(%dma_start3A_372 : memref<100000x64xi32, #tpu.memory_space<hbm>>) target(%dma_start3A_366 : memref<100x64xi32, #tpu.memory_space<vmem>>) offsets(%dma_start3A_369 : memref<100xi32, #tpu.memory_space<vmem>>) semaphore(%arg12 : memref<!tpu.dma_semaphore, #tpu.memory_space<semaphore_mem>>)
        %add3A_373 = arith.constant 1 : i32
        %add3A_374 = arith.addi %mul3A_361, %add3A_373 : i32
        %dma_start3A_375 = arith.constant 7 : i32
        %dma_start3A_376 = arith.constant 0 : i32
        %dma_start3A_377 = arith.constant 0 : i32
        %dma_start3A_378 = tpu.memref_slice %arg7[%dma_start3A_375, %dma_start3A_376, %dma_start3A_377] : memref<8x100x64xi32, #tpu.memory_space<vmem>> -> memref<1x100x64xi32, #tpu.memory_space<vmem>>
        %dma_start3A_379 = tpu.memref_squeeze %dma_start3A_378 : memref<1x100x64xi32, #tpu.memory_space<vmem>> -> memref<100x64xi32, #tpu.memory_space<vmem>>
        %dma_start3A_380 = arith.constant 0 : i32
        %dma_start3A_381 = tpu.memref_slice %arg6[%add3A_374, %dma_start3A_380] : memref<256x100xi32, #tpu.memory_space<vmem>> -> memref<1x100xi32, #tpu.memory_space<vmem>>
        %dma_start3A_382 = tpu.memref_squeeze %dma_start3A_381 : memref<1x100xi32, #tpu.memory_space<vmem>> -> memref<100xi32, #tpu.memory_space<vmem>>
        %dma_start3A_383 = arith.constant 0 : i32
        %dma_start3A_384 = arith.constant 0 : i32
        %dma_start3A_385 = tpu.memref_slice %arg3[%dma_start3A_383, %dma_start3A_384] : memref<100000x64xi32, #tpu.memory_space<hbm>> -> memref<100000x64xi32, #tpu.memory_space<hbm>>
        tpu.enqueue_indirect_dma source(%dma_start3A_385 : memref<100000x64xi32, #tpu.memory_space<hbm>>) target(%dma_start3A_379 : memref<100x64xi32, #tpu.memory_space<vmem>>) offsets(%dma_start3A_382 : memref<100xi32, #tpu.memory_space<vmem>>) semaphore(%arg12 : memref<!tpu.dma_semaphore, #tpu.memory_space<semaphore_mem>>)
      } else {
      }
      %dma_wait3A = arith.constant 0 : i32
      %dma_wait3A_96 = arith.constant 0 : i32
      %dma_wait3A_97 = arith.constant 0 : i32
      %dma_wait3A_98 = arith.constant 0 : i32
      %dma_wait3A_99 = tpu.memref_slice %arg7[%dma_wait3A_96, %dma_wait3A_97, %dma_wait3A_98] : memref<8x100x64xi32, #tpu.memory_space<vmem>> -> memref<1x100x64xi32, #tpu.memory_space<vmem>>
      %dma_wait3A_100 = tpu.memref_squeeze %dma_wait3A_99 : memref<1x100x64xi32, #tpu.memory_space<vmem>> -> memref<100x64xi32, #tpu.memory_space<vmem>>
      %dma_wait3A_101 = arith.constant 0 : i32
      %dma_wait3A_102 = tpu.memref_slice %arg6[%dma_wait3A, %dma_wait3A_101] : memref<256x100xi32, #tpu.memory_space<vmem>> -> memref<1x100xi32, #tpu.memory_space<vmem>>
      %dma_wait3A_103 = tpu.memref_squeeze %dma_wait3A_102 : memref<1x100xi32, #tpu.memory_space<vmem>> -> memref<100xi32, #tpu.memory_space<vmem>>
      %dma_wait3A_104 = arith.constant 0 : i32
      %dma_wait3A_105 = arith.constant 0 : i32
      %dma_wait3A_106 = tpu.memref_slice %arg3[%dma_wait3A_104, %dma_wait3A_105] : memref<100000x64xi32, #tpu.memory_space<hbm>> -> memref<100000x64xi32, #tpu.memory_space<hbm>>
      tpu.wait_indirect_dma semaphore(%arg9 : memref<!tpu.dma_semaphore, #tpu.memory_space<semaphore_mem>>) src(%dma_wait3A_106 : memref<100000x64xi32, #tpu.memory_space<hbm>>) dst(%dma_wait3A_100 : memref<100x64xi32, #tpu.memory_space<vmem>>)
      %dma_wait3A_107 = arith.constant 0 : i32
      %dma_wait3A_108 = arith.constant 1 : i32
      %dma_wait3A_109 = arith.constant 0 : i32
      %dma_wait3A_110 = arith.constant 0 : i32
      %dma_wait3A_111 = tpu.memref_slice %arg7[%dma_wait3A_108, %dma_wait3A_109, %dma_wait3A_110] : memref<8x100x64xi32, #tpu.memory_space<vmem>> -> memref<1x100x64xi32, #tpu.memory_space<vmem>>
      %dma_wait3A_112 = tpu.memref_squeeze %dma_wait3A_111 : memref<1x100x64xi32, #tpu.memory_space<vmem>> -> memref<100x64xi32, #tpu.memory_space<vmem>>
      %dma_wait3A_113 = arith.constant 0 : i32
      %dma_wait3A_114 = tpu.memref_slice %arg6[%dma_wait3A_107, %dma_wait3A_113] : memref<256x100xi32, #tpu.memory_space<vmem>> -> memref<1x100xi32, #tpu.memory_space<vmem>>
      %dma_wait3A_115 = tpu.memref_squeeze %dma_wait3A_114 : memref<1x100xi32, #tpu.memory_space<vmem>> -> memref<100xi32, #tpu.memory_space<vmem>>
      %dma_wait3A_116 = arith.constant 0 : i32
      %dma_wait3A_117 = arith.constant 0 : i32
      %dma_wait3A_118 = tpu.memref_slice %arg3[%dma_wait3A_116, %dma_wait3A_117] : memref<100000x64xi32, #tpu.memory_space<hbm>> -> memref<100000x64xi32, #tpu.memory_space<hbm>>
      tpu.wait_indirect_dma semaphore(%arg9 : memref<!tpu.dma_semaphore, #tpu.memory_space<semaphore_mem>>) src(%dma_wait3A_118 : memref<100000x64xi32, #tpu.memory_space<hbm>>) dst(%dma_wait3A_112 : memref<100x64xi32, #tpu.memory_space<vmem>>)
      %broadcast_in_dim3A = arith.constant 0.000000e+00 : f32
      %broadcast_in_dim3A_119 = vector.broadcast %broadcast_in_dim3A : f32 to vector<16xf32>
      %scan3A_120 = arith.constant 0 : i32
      %scan3A_121 = arith.constant 1 : i32
      %scan3A_122 = arith.constant 0 : i32
      %scan3A_123 = arith.constant 50 : i32
      %scan3A_124 = arith.addi %scan3A_122, %scan3A_123 : i32
      %scan3A_125 = arith.constant 1 : i32
      %scan3A_126:8 = scf.for %scan3A_358 = %scan3A_122 to %scan3A_124 step %scan3A_125 iter_args(%scan3A_359 = %broadcast_in_dim3A_119, %scan3A_360 = %broadcast_in_dim3A_119, %scan3A_361 = %broadcast_in_dim3A_119, %scan3A_362 = %broadcast_in_dim3A_119, %scan3A_363 = %broadcast_in_dim3A_119, %scan3A_364 = %broadcast_in_dim3A_119, %scan3A_365 = %broadcast_in_dim3A_119, %scan3A_366 = %broadcast_in_dim3A_119) -> (vector<16xf32>, vector<16xf32>, vector<16xf32>, vector<16xf32>, vector<16xf32>, vector<16xf32>, vector<16xf32>, vector<16xf32>)  : i32 {
        %mul3A_367 = arith.constant 2 : i32
        %mul3A_368 = arith.muli %mul3A_367, %scan3A_358 : i32
        %add3A_369 = arith.constant 0 : i32
        %add3A_370 = arith.addi %mul3A_368, %add3A_369 : i32
        %get3A = arith.constant 0 : i32
        %get3A_371 = arith.constant 0 : i32
        %get3A_372 = tpu.memref_slice %arg7[%scan3A_120, %get3A, %get3A_371] : memref<8x100x64xi32, #tpu.memory_space<vmem>> -> memref<1x100x64xi32, #tpu.memory_space<vmem>>
        %get3A_373 = tpu.memref_squeeze %get3A_372 : memref<1x100x64xi32, #tpu.memory_space<vmem>> -> memref<100x64xi32, #tpu.memory_space<vmem>>
        %get3A_374 = arith.index_cast %add3A_370 : i32 to index
        %get3A_375 = arith.constant 0 : index
        %get3A_376 = tpu.vector_load %get3A_373[%get3A_374, %get3A_375] {strides = array<i32>} : memref<100x64xi32, #tpu.memory_space<vmem>>, vector<16xi32>,
        %bitcast3A = vector.bitcast %get3A_376 : vector<16xi32> to vector<32xbf16>
        %unpack3A = tpu.unpack_subelements %bitcast3A, 0 {pack_format = #tpu.pack_format<interleaved>} : vector<32xbf16> -> vector<16xf32>
        %unpack3A_377 = tpu.unpack_subelements %bitcast3A, 1 {pack_format = #tpu.pack_format<interleaved>} : vector<32xbf16> -> vector<16xf32>
        %add3A_378 = arith.addf %scan3A_359, %unpack3A : vector<16xf32>
        %add3A_379 = arith.addf %scan3A_360, %unpack3A_377 : vector<16xf32>
        %add3A_380 = arith.constant 0 : i32
        %add3A_381 = arith.addi %mul3A_368, %add3A_380 : i32
        %get3A_382 = arith.constant 0 : i32
        %get3A_383 = arith.constant 0 : i32
        %get3A_384 = tpu.memref_slice %arg7[%scan3A_120, %get3A_382, %get3A_383] : memref<8x100x64xi32, #tpu.memory_space<vmem>> -> memref<1x100x64xi32, #tpu.memory_space<vmem>>
        %get3A_385 = tpu.memref_squeeze %get3A_384 : memref<1x100x64xi32, #tpu.memory_space<vmem>> -> memref<100x64xi32, #tpu.memory_space<vmem>>
        %get3A_386 = arith.index_cast %add3A_381 : i32 to index
        %get3A_387 = arith.constant 16 : index
        %get3A_388 = tpu.vector_load %get3A_385[%get3A_386, %get3A_387] {strides = array<i32>} : memref<100x64xi32, #tpu.memory_space<vmem>>, vector<16xi32>,
        %bitcast3A_389 = vector.bitcast %get3A_388 : vector<16xi32> to vector<32xbf16>
        %unpack3A_390 = tpu.unpack_subelements %bitcast3A_389, 0 {pack_format = #tpu.pack_format<interleaved>} : vector<32xbf16> -> vector<16xf32>
        %unpack3A_391 = tpu.unpack_subelements %bitcast3A_389, 1 {pack_format = #tpu.pack_format<interleaved>} : vector<32xbf16> -> vector<16xf32>
        %add3A_392 = arith.addf %scan3A_361, %unpack3A_390 : vector<16xf32>
        %add3A_393 = arith.addf %scan3A_362, %unpack3A_391 : vector<16xf32>
        %add3A_394 = arith.constant 0 : i32
        %add3A_395 = arith.addi %mul3A_368, %add3A_394 : i32
        %get3A_396 = arith.constant 0 : i32
        %get3A_397 = arith.constant 0 : i32
        %get3A_398 = tpu.memref_slice %arg7[%scan3A_120, %get3A_396, %get3A_397] : memref<8x100x64xi32, #tpu.memory_space<vmem>> -> memref<1x100x64xi32, #tpu.memory_space<vmem>>
        %get3A_399 = tpu.memref_squeeze %get3A_398 : memref<1x100x64xi32, #tpu.memory_space<vmem>> -> memref<100x64xi32, #tpu.memory_space<vmem>>
        %get3A_400 = arith.index_cast %add3A_395 : i32 to index
        %get3A_401 = arith.constant 32 : index
        %get3A_402 = tpu.vector_load %get3A_399[%get3A_400, %get3A_401] {strides = array<i32>} : memref<100x64xi32, #tpu.memory_space<vmem>>, vector<16xi32>,
        %bitcast3A_403 = vector.bitcast %get3A_402 : vector<16xi32> to vector<32xbf16>
        %unpack3A_404 = tpu.unpack_subelements %bitcast3A_403, 0 {pack_format = #tpu.pack_format<interleaved>} : vector<32xbf16> -> vector<16xf32>
        %unpack3A_405 = tpu.unpack_subelements %bitcast3A_403, 1 {pack_format = #tpu.pack_format<interleaved>} : vector<32xbf16> -> vector<16xf32>
        %add3A_406 = arith.addf %scan3A_363, %unpack3A_404 : vector<16xf32>
        %add3A_407 = arith.addf %scan3A_364, %unpack3A_405 : vector<16xf32>
        %add3A_408 = arith.constant 0 : i32
        %add3A_409 = arith.addi %mul3A_368, %add3A_408 : i32
        %get3A_410 = arith.constant 0 : i32
        %get3A_411 = arith.constant 0 : i32
        %get3A_412 = tpu.memref_slice %arg7[%scan3A_120, %get3A_410, %get3A_411] : memref<8x100x64xi32, #tpu.memory_space<vmem>> -> memref<1x100x64xi32, #tpu.memory_space<vmem>>
        %get3A_413 = tpu.memref_squeeze %get3A_412 : memref<1x100x64xi32, #tpu.memory_space<vmem>> -> memref<100x64xi32, #tpu.memory_space<vmem>>
        %get3A_414 = arith.index_cast %add3A_409 : i32 to index
        %get3A_415 = arith.constant 34 : index
        %get3A_416 = tpu.vector_load %get3A_413[%get3A_414, %get3A_415] {strides = array<i32>} : memref<100x64xi32, #tpu.memory_space<vmem>>, vector<16xi32>,
        %bitcast3A_417 = vector.bitcast %get3A_416 : vector<16xi32> to vector<32xbf16>
        %unpack3A_418 = tpu.unpack_subelements %bitcast3A_417, 0 {pack_format = #tpu.pack_format<interleaved>} : vector<32xbf16> -> vector<16xf32>
        %unpack3A_419 = tpu.unpack_subelements %bitcast3A_417, 1 {pack_format = #tpu.pack_format<interleaved>} : vector<32xbf16> -> vector<16xf32>
        %add3A_420 = arith.addf %scan3A_365, %unpack3A_418 : vector<16xf32>
        %add3A_421 = arith.addf %scan3A_366, %unpack3A_419 : vector<16xf32>
        %add3A_422 = arith.constant 0 : i32
        %add3A_423 = arith.addi %mul3A_368, %add3A_422 : i32
        %get3A_424 = arith.constant 0 : i32
        %get3A_425 = arith.constant 0 : i32
        %get3A_426 = tpu.memref_slice %arg7[%scan3A_121, %get3A_424, %get3A_425] : memref<8x100x64xi32, #tpu.memory_space<vmem>> -> memref<1x100x64xi32, #tpu.memory_space<vmem>>
        %get3A_427 = tpu.memref_squeeze %get3A_426 : memref<1x100x64xi32, #tpu.memory_space<vmem>> -> memref<100x64xi32, #tpu.memory_space<vmem>>
        %get3A_428 = arith.index_cast %add3A_423 : i32 to index
        %get3A_429 = arith.constant 0 : index
        %get3A_430 = tpu.vector_load %get3A_427[%get3A_428, %get3A_429] {strides = array<i32>} : memref<100x64xi32, #tpu.memory_space<vmem>>, vector<16xi32>,
        %bitcast3A_431 = vector.bitcast %get3A_430 : vector<16xi32> to vector<32xbf16>
        %unpack3A_432 = tpu.unpack_subelements %bitcast3A_431, 0 {pack_format = #tpu.pack_format<interleaved>} : vector<32xbf16> -> vector<16xf32>
        %unpack3A_433 = tpu.unpack_subelements %bitcast3A_431, 1 {pack_format = #tpu.pack_format<interleaved>} : vector<32xbf16> -> vector<16xf32>
        %add3A_434 = arith.addf %add3A_378, %unpack3A_432 : vector<16xf32>
        %add3A_435 = arith.addf %add3A_379, %unpack3A_433 : vector<16xf32>
        %add3A_436 = arith.constant 0 : i32
        %add3A_437 = arith.addi %mul3A_368, %add3A_436 : i32
        %get3A_438 = arith.constant 0 : i32
        %get3A_439 = arith.constant 0 : i32
        %get3A_440 = tpu.memref_slice %arg7[%scan3A_121, %get3A_438, %get3A_439] : memref<8x100x64xi32, #tpu.memory_space<vmem>> -> memref<1x100x64xi32, #tpu.memory_space<vmem>>
        %get3A_441 = tpu.memref_squeeze %get3A_440 : memref<1x100x64xi32, #tpu.memory_space<vmem>> -> memref<100x64xi32, #tpu.memory_space<vmem>>
        %get3A_442 = arith.index_cast %add3A_437 : i32 to index
        %get3A_443 = arith.constant 16 : index
        %get3A_444 = tpu.vector_load %get3A_441[%get3A_442, %get3A_443] {strides = array<i32>} : memref<100x64xi32, #tpu.memory_space<vmem>>, vector<16xi32>,
        %bitcast3A_445 = vector.bitcast %get3A_444 : vector<16xi32> to vector<32xbf16>
        %unpack3A_446 = tpu.unpack_subelements %bitcast3A_445, 0 {pack_format = #tpu.pack_format<interleaved>} : vector<32xbf16> -> vector<16xf32>
        %unpack3A_447 = tpu.unpack_subelements %bitcast3A_445, 1 {pack_format = #tpu.pack_format<interleaved>} : vector<32xbf16> -> vector<16xf32>
        %add3A_448 = arith.addf %add3A_392, %unpack3A_446 : vector<16xf32>
        %add3A_449 = arith.addf %add3A_393, %unpack3A_447 : vector<16xf32>
        %add3A_450 = arith.constant 0 : i32
        %add3A_451 = arith.addi %mul3A_368, %add3A_450 : i32
        %get3A_452 = arith.constant 0 : i32
        %get3A_453 = arith.constant 0 : i32
        %get3A_454 = tpu.memref_slice %arg7[%scan3A_121, %get3A_452, %get3A_453] : memref<8x100x64xi32, #tpu.memory_space<vmem>> -> memref<1x100x64xi32, #tpu.memory_space<vmem>>
        %get3A_455 = tpu.memref_squeeze %get3A_454 : memref<1x100x64xi32, #tpu.memory_space<vmem>> -> memref<100x64xi32, #tpu.memory_space<vmem>>
        %get3A_456 = arith.index_cast %add3A_451 : i32 to index
        %get3A_457 = arith.constant 32 : index
        %get3A_458 = tpu.vector_load %get3A_455[%get3A_456, %get3A_457] {strides = array<i32>} : memref<100x64xi32, #tpu.memory_space<vmem>>, vector<16xi32>,
        %bitcast3A_459 = vector.bitcast %get3A_458 : vector<16xi32> to vector<32xbf16>
        %unpack3A_460 = tpu.unpack_subelements %bitcast3A_459, 0 {pack_format = #tpu.pack_format<interleaved>} : vector<32xbf16> -> vector<16xf32>
        %unpack3A_461 = tpu.unpack_subelements %bitcast3A_459, 1 {pack_format = #tpu.pack_format<interleaved>} : vector<32xbf16> -> vector<16xf32>
        %add3A_462 = arith.addf %add3A_406, %unpack3A_460 : vector<16xf32>
        %add3A_463 = arith.addf %add3A_407, %unpack3A_461 : vector<16xf32>
        %add3A_464 = arith.constant 0 : i32
        %add3A_465 = arith.addi %mul3A_368, %add3A_464 : i32
        %get3A_466 = arith.constant 0 : i32
        %get3A_467 = arith.constant 0 : i32
        %get3A_468 = tpu.memref_slice %arg7[%scan3A_121, %get3A_466, %get3A_467] : memref<8x100x64xi32, #tpu.memory_space<vmem>> -> memref<1x100x64xi32, #tpu.memory_space<vmem>>
        %get3A_469 = tpu.memref_squeeze %get3A_468 : memref<1x100x64xi32, #tpu.memory_space<vmem>> -> memref<100x64xi32, #tpu.memory_space<vmem>>
        %get3A_470 = arith.index_cast %add3A_465 : i32 to index
        %get3A_471 = arith.constant 34 : index
        %get3A_472 = tpu.vector_load %get3A_469[%get3A_470, %get3A_471] {strides = array<i32>} : memref<100x64xi32, #tpu.memory_space<vmem>>, vector<16xi32>,
        %bitcast3A_473 = vector.bitcast %get3A_472 : vector<16xi32> to vector<32xbf16>
        %unpack3A_474 = tpu.unpack_subelements %bitcast3A_473, 0 {pack_format = #tpu.pack_format<interleaved>} : vector<32xbf16> -> vector<16xf32>
        %unpack3A_475 = tpu.unpack_subelements %bitcast3A_473, 1 {pack_format = #tpu.pack_format<interleaved>} : vector<32xbf16> -> vector<16xf32>
        %add3A_476 = arith.addf %add3A_420, %unpack3A_474 : vector<16xf32>
        %add3A_477 = arith.addf %add3A_421, %unpack3A_475 : vector<16xf32>
        %add3A_478 = arith.constant 1 : i32
        %add3A_479 = arith.addi %mul3A_368, %add3A_478 : i32
        %get3A_480 = arith.constant 0 : i32
        %get3A_481 = arith.constant 0 : i32
        %get3A_482 = tpu.memref_slice %arg7[%scan3A_120, %get3A_480, %get3A_481] : memref<8x100x64xi32, #tpu.memory_space<vmem>> -> memref<1x100x64xi32, #tpu.memory_space<vmem>>
        %get3A_483 = tpu.memref_squeeze %get3A_482 : memref<1x100x64xi32, #tpu.memory_space<vmem>> -> memref<100x64xi32, #tpu.memory_space<vmem>>
        %get3A_484 = arith.index_cast %add3A_479 : i32 to index
        %get3A_485 = arith.constant 0 : index
        %get3A_486 = tpu.vector_load %get3A_483[%get3A_484, %get3A_485] {strides = array<i32>} : memref<100x64xi32, #tpu.memory_space<vmem>>, vector<16xi32>,
        %bitcast3A_487 = vector.bitcast %get3A_486 : vector<16xi32> to vector<32xbf16>
        %unpack3A_488 = tpu.unpack_subelements %bitcast3A_487, 0 {pack_format = #tpu.pack_format<interleaved>} : vector<32xbf16> -> vector<16xf32>
        %unpack3A_489 = tpu.unpack_subelements %bitcast3A_487, 1 {pack_format = #tpu.pack_format<interleaved>} : vector<32xbf16> -> vector<16xf32>
        %add3A_490 = arith.addf %add3A_434, %unpack3A_488 : vector<16xf32>
        %add3A_491 = arith.addf %add3A_435, %unpack3A_489 : vector<16xf32>
        %add3A_492 = arith.constant 1 : i32
        %add3A_493 = arith.addi %mul3A_368, %add3A_492 : i32
        %get3A_494 = arith.constant 0 : i32
        %get3A_495 = arith.constant 0 : i32
        %get3A_496 = tpu.memref_slice %arg7[%scan3A_120, %get3A_494, %get3A_495] : memref<8x100x64xi32, #tpu.memory_space<vmem>> -> memref<1x100x64xi32, #tpu.memory_space<vmem>>
        %get3A_497 = tpu.memref_squeeze %get3A_496 : memref<1x100x64xi32, #tpu.memory_space<vmem>> -> memref<100x64xi32, #tpu.memory_space<vmem>>
        %get3A_498 = arith.index_cast %add3A_493 : i32 to index
        %get3A_499 = arith.constant 16 : index
        %get3A_500 = tpu.vector_load %get3A_497[%get3A_498, %get3A_499] {strides = array<i32>} : memref<100x64xi32, #tpu.memory_space<vmem>>, vector<16xi32>,
        %bitcast3A_501 = vector.bitcast %get3A_500 : vector<16xi32> to vector<32xbf16>
        %unpack3A_502 = tpu.unpack_subelements %bitcast3A_501, 0 {pack_format = #tpu.pack_format<interleaved>} : vector<32xbf16> -> vector<16xf32>
        %unpack3A_503 = tpu.unpack_subelements %bitcast3A_501, 1 {pack_format = #tpu.pack_format<interleaved>} : vector<32xbf16> -> vector<16xf32>
        %add3A_504 = arith.addf %add3A_448, %unpack3A_502 : vector<16xf32>
        %add3A_505 = arith.addf %add3A_449, %unpack3A_503 : vector<16xf32>
        %add3A_506 = arith.constant 1 : i32
        %add3A_507 = arith.addi %mul3A_368, %add3A_506 : i32
        %get3A_508 = arith.constant 0 : i32
        %get3A_509 = arith.constant 0 : i32
        %get3A_510 = tpu.memref_slice %arg7[%scan3A_120, %get3A_508, %get3A_509] : memref<8x100x64xi32, #tpu.memory_space<vmem>> -> memref<1x100x64xi32, #tpu.memory_space<vmem>>
        %get3A_511 = tpu.memref_squeeze %get3A_510 : memref<1x100x64xi32, #tpu.memory_space<vmem>> -> memref<100x64xi32, #tpu.memory_space<vmem>>
        %get3A_512 = arith.index_cast %add3A_507 : i32 to index
        %get3A_513 = arith.constant 32 : index
        %get3A_514 = tpu.vector_load %get3A_511[%get3A_512, %get3A_513] {strides = array<i32>} : memref<100x64xi32, #tpu.memory_space<vmem>>, vector<16xi32>,
        %bitcast3A_515 = vector.bitcast %get3A_514 : vector<16xi32> to vector<32xbf16>
        %unpack3A_516 = tpu.unpack_subelements %bitcast3A_515, 0 {pack_format = #tpu.pack_format<interleaved>} : vector<32xbf16> -> vector<16xf32>
        %unpack3A_517 = tpu.unpack_subelements %bitcast3A_515, 1 {pack_format = #tpu.pack_format<interleaved>} : vector<32xbf16> -> vector<16xf32>
        %add3A_518 = arith.addf %add3A_462, %unpack3A_516 : vector<16xf32>
        %add3A_519 = arith.addf %add3A_463, %unpack3A_517 : vector<16xf32>
        %add3A_520 = arith.constant 1 : i32
        %add3A_521 = arith.addi %mul3A_368, %add3A_520 : i32
        %get3A_522 = arith.constant 0 : i32
        %get3A_523 = arith.constant 0 : i32
        %get3A_524 = tpu.memref_slice %arg7[%scan3A_120, %get3A_522, %get3A_523] : memref<8x100x64xi32, #tpu.memory_space<vmem>> -> memref<1x100x64xi32, #tpu.memory_space<vmem>>
        %get3A_525 = tpu.memref_squeeze %get3A_524 : memref<1x100x64xi32, #tpu.memory_space<vmem>> -> memref<100x64xi32, #tpu.memory_space<vmem>>
        %get3A_526 = arith.index_cast %add3A_521 : i32 to index
        %get3A_527 = arith.constant 34 : index
        %get3A_528 = tpu.vector_load %get3A_525[%get3A_526, %get3A_527] {strides = array<i32>} : memref<100x64xi32, #tpu.memory_space<vmem>>, vector<16xi32>,
        %bitcast3A_529 = vector.bitcast %get3A_528 : vector<16xi32> to vector<32xbf16>
        %unpack3A_530 = tpu.unpack_subelements %bitcast3A_529, 0 {pack_format = #tpu.pack_format<interleaved>} : vector<32xbf16> -> vector<16xf32>
        %unpack3A_531 = tpu.unpack_subelements %bitcast3A_529, 1 {pack_format = #tpu.pack_format<interleaved>} : vector<32xbf16> -> vector<16xf32>
        %add3A_532 = arith.addf %add3A_476, %unpack3A_530 : vector<16xf32>
        %add3A_533 = arith.addf %add3A_477, %unpack3A_531 : vector<16xf32>
        %add3A_534 = arith.constant 1 : i32
        %add3A_535 = arith.addi %mul3A_368, %add3A_534 : i32
        %get3A_536 = arith.constant 0 : i32
        %get3A_537 = arith.constant 0 : i32
        %get3A_538 = tpu.memref_slice %arg7[%scan3A_121, %get3A_536, %get3A_537] : memref<8x100x64xi32, #tpu.memory_space<vmem>> -> memref<1x100x64xi32, #tpu.memory_space<vmem>>
        %get3A_539 = tpu.memref_squeeze %get3A_538 : memref<1x100x64xi32, #tpu.memory_space<vmem>> -> memref<100x64xi32, #tpu.memory_space<vmem>>
        %get3A_540 = arith.index_cast %add3A_535 : i32 to index
        %get3A_541 = arith.constant 0 : index
        %get3A_542 = tpu.vector_load %get3A_539[%get3A_540, %get3A_541] {strides = array<i32>} : memref<100x64xi32, #tpu.memory_space<vmem>>, vector<16xi32>,
        %bitcast3A_543 = vector.bitcast %get3A_542 : vector<16xi32> to vector<32xbf16>
        %unpack3A_544 = tpu.unpack_subelements %bitcast3A_543, 0 {pack_format = #tpu.pack_format<interleaved>} : vector<32xbf16> -> vector<16xf32>
        %unpack3A_545 = tpu.unpack_subelements %bitcast3A_543, 1 {pack_format = #tpu.pack_format<interleaved>} : vector<32xbf16> -> vector<16xf32>
        %add3A_546 = arith.addf %add3A_490, %unpack3A_544 : vector<16xf32>
        %add3A_547 = arith.addf %add3A_491, %unpack3A_545 : vector<16xf32>
        %add3A_548 = arith.constant 1 : i32
        %add3A_549 = arith.addi %mul3A_368, %add3A_548 : i32
        %get3A_550 = arith.constant 0 : i32
        %get3A_551 = arith.constant 0 : i32
        %get3A_552 = tpu.memref_slice %arg7[%scan3A_121, %get3A_550, %get3A_551] : memref<8x100x64xi32, #tpu.memory_space<vmem>> -> memref<1x100x64xi32, #tpu.memory_space<vmem>>
        %get3A_553 = tpu.memref_squeeze %get3A_552 : memref<1x100x64xi32, #tpu.memory_space<vmem>> -> memref<100x64xi32, #tpu.memory_space<vmem>>
        %get3A_554 = arith.index_cast %add3A_549 : i32 to index
        %get3A_555 = arith.constant 16 : index
        %get3A_556 = tpu.vector_load %get3A_553[%get3A_554, %get3A_555] {strides = array<i32>} : memref<100x64xi32, #tpu.memory_space<vmem>>, vector<16xi32>,
        %bitcast3A_557 = vector.bitcast %get3A_556 : vector<16xi32> to vector<32xbf16>
        %unpack3A_558 = tpu.unpack_subelements %bitcast3A_557, 0 {pack_format = #tpu.pack_format<interleaved>} : vector<32xbf16> -> vector<16xf32>
        %unpack3A_559 = tpu.unpack_subelements %bitcast3A_557, 1 {pack_format = #tpu.pack_format<interleaved>} : vector<32xbf16> -> vector<16xf32>
        %add3A_560 = arith.addf %add3A_504, %unpack3A_558 : vector<16xf32>
        %add3A_561 = arith.addf %add3A_505, %unpack3A_559 : vector<16xf32>
        %add3A_562 = arith.constant 1 : i32
        %add3A_563 = arith.addi %mul3A_368, %add3A_562 : i32
        %get3A_564 = arith.constant 0 : i32
        %get3A_565 = arith.constant 0 : i32
        %get3A_566 = tpu.memref_slice %arg7[%scan3A_121, %get3A_564, %get3A_565] : memref<8x100x64xi32, #tpu.memory_space<vmem>> -> memref<1x100x64xi32, #tpu.memory_space<vmem>>
        %get3A_567 = tpu.memref_squeeze %get3A_566 : memref<1x100x64xi32, #tpu.memory_space<vmem>> -> memref<100x64xi32, #tpu.memory_space<vmem>>
        %get3A_568 = arith.index_cast %add3A_563 : i32 to index
        %get3A_569 = arith.constant 32 : index
        %get3A_570 = tpu.vector_load %get3A_567[%get3A_568, %get3A_569] {strides = array<i32>} : memref<100x64xi32, #tpu.memory_space<vmem>>, vector<16xi32>,
        %bitcast3A_571 = vector.bitcast %get3A_570 : vector<16xi32> to vector<32xbf16>
        %unpack3A_572 = tpu.unpack_subelements %bitcast3A_571, 0 {pack_format = #tpu.pack_format<interleaved>} : vector<32xbf16> -> vector<16xf32>
        %unpack3A_573 = tpu.unpack_subelements %bitcast3A_571, 1 {pack_format = #tpu.pack_format<interleaved>} : vector<32xbf16> -> vector<16xf32>
        %add3A_574 = arith.addf %add3A_518, %unpack3A_572 : vector<16xf32>
        %add3A_575 = arith.addf %add3A_519, %unpack3A_573 : vector<16xf32>
        %add3A_576 = arith.constant 1 : i32
        %add3A_577 = arith.addi %mul3A_368, %add3A_576 : i32
        %get3A_578 = arith.constant 0 : i32
        %get3A_579 = arith.constant 0 : i32
        %get3A_580 = tpu.memref_slice %arg7[%scan3A_121, %get3A_578, %get3A_579] : memref<8x100x64xi32, #tpu.memory_space<vmem>> -> memref<1x100x64xi32, #tpu.memory_space<vmem>>
        %get3A_581 = tpu.memref_squeeze %get3A_580 : memref<1x100x64xi32, #tpu.memory_space<vmem>> -> memref<100x64xi32, #tpu.memory_space<vmem>>
        %get3A_582 = arith.index_cast %add3A_577 : i32 to index
        %get3A_583 = arith.constant 34 : index
        %get3A_584 = tpu.vector_load %get3A_581[%get3A_582, %get3A_583] {strides = array<i32>} : memref<100x64xi32, #tpu.memory_space<vmem>>, vector<16xi32>,
        %bitcast3A_585 = vector.bitcast %get3A_584 : vector<16xi32> to vector<32xbf16>
        %unpack3A_586 = tpu.unpack_subelements %bitcast3A_585, 0 {pack_format = #tpu.pack_format<interleaved>} : vector<32xbf16> -> vector<16xf32>
        %unpack3A_587 = tpu.unpack_subelements %bitcast3A_585, 1 {pack_format = #tpu.pack_format<interleaved>} : vector<32xbf16> -> vector<16xf32>
        %add3A_588 = arith.addf %add3A_532, %unpack3A_586 : vector<16xf32>
        %add3A_589 = arith.addf %add3A_533, %unpack3A_587 : vector<16xf32>
        scf.yield %add3A_546, %add3A_547, %add3A_560, %add3A_561, %add3A_574, %add3A_575, %add3A_588, %add3A_589 : vector<16xf32>, vector<16xf32>, vector<16xf32>, vector<16xf32>, vector<16xf32>, vector<16xf32>, vector<16xf32>, vector<16xf32>
      }
      %scan3A_127 = arith.constant 50 : i32
      %swap3A = arith.index_cast %add3A_91 : i32 to index
      %swap3A_128 = arith.constant 0 : index
      %swap3A_129 = tpu.vector_load %arg8[%swap3A, %swap3A_128] {strides = array<i32>} : memref<128x128xf32, #tpu.memory_space<vmem>>, vector<16xf32>,
      tpu.vector_store %arg8[%swap3A, %swap3A_128], %scan3A_126#0 {strides = array<i32>} : memref<128x128xf32, #tpu.memory_space<vmem>>, vector<16xf32>,
      %swap3A_130 = arith.index_cast %add3A_91 : i32 to index
      %swap3A_131 = arith.constant 50 : index
      %swap3A_132 = tpu.vector_load %arg8[%swap3A_130, %swap3A_131] {strides = array<i32>} : memref<128x128xf32, #tpu.memory_space<vmem>>, vector<16xf32>,
      tpu.vector_store %arg8[%swap3A_130, %swap3A_131], %scan3A_126#1 {strides = array<i32>} : memref<128x128xf32, #tpu.memory_space<vmem>>, vector<16xf32>,
      %swap3A_133 = arith.index_cast %add3A_91 : i32 to index
      %swap3A_134 = arith.constant 16 : index
      %swap3A_135 = tpu.vector_load %arg8[%swap3A_133, %swap3A_134] {strides = array<i32>} : memref<128x128xf32, #tpu.memory_space<vmem>>, vector<16xf32>,
      tpu.vector_store %arg8[%swap3A_133, %swap3A_134], %scan3A_126#2 {strides = array<i32>} : memref<128x128xf32, #tpu.memory_space<vmem>>, vector<16xf32>,
      %swap3A_136 = arith.index_cast %add3A_91 : i32 to index
      %swap3A_137 = arith.constant 66 : index
      %swap3A_138 = tpu.vector_load %arg8[%swap3A_136, %swap3A_137] {strides = array<i32>} : memref<128x128xf32, #tpu.memory_space<vmem>>, vector<16xf32>,
      tpu.vector_store %arg8[%swap3A_136, %swap3A_137], %scan3A_126#3 {strides = array<i32>} : memref<128x128xf32, #tpu.memory_space<vmem>>, vector<16xf32>,
      %swap3A_139 = arith.index_cast %add3A_91 : i32 to index
      %swap3A_140 = arith.constant 32 : index
      %swap3A_141 = tpu.vector_load %arg8[%swap3A_139, %swap3A_140] {strides = array<i32>} : memref<128x128xf32, #tpu.memory_space<vmem>>, vector<16xf32>,
      tpu.vector_store %arg8[%swap3A_139, %swap3A_140], %scan3A_126#4 {strides = array<i32>} : memref<128x128xf32, #tpu.memory_space<vmem>>, vector<16xf32>,
      %swap3A_142 = arith.index_cast %add3A_91 : i32 to index
      %swap3A_143 = arith.constant 82 : index
      %swap3A_144 = tpu.vector_load %arg8[%swap3A_142, %swap3A_143] {strides = array<i32>} : memref<128x128xf32, #tpu.memory_space<vmem>>, vector<16xf32>,
      tpu.vector_store %arg8[%swap3A_142, %swap3A_143], %scan3A_126#5 {strides = array<i32>} : memref<128x128xf32, #tpu.memory_space<vmem>>, vector<16xf32>,
      %swap3A_145 = arith.index_cast %add3A_91 : i32 to index
      %swap3A_146 = arith.constant 34 : index
      %swap3A_147 = tpu.vector_load %arg8[%swap3A_145, %swap3A_146] {strides = array<i32>} : memref<128x128xf32, #tpu.memory_space<vmem>>, vector<16xf32>,
      tpu.vector_store %arg8[%swap3A_145, %swap3A_146], %scan3A_126#6 {strides = array<i32>} : memref<128x128xf32, #tpu.memory_space<vmem>>, vector<16xf32>,
      %swap3A_148 = arith.index_cast %add3A_91 : i32 to index
      %swap3A_149 = arith.constant 84 : index
      %swap3A_150 = tpu.vector_load %arg8[%swap3A_148, %swap3A_149] {strides = array<i32>} : memref<128x128xf32, #tpu.memory_space<vmem>>, vector<16xf32>,
      tpu.vector_store %arg8[%swap3A_148, %swap3A_149], %scan3A_126#7 {strides = array<i32>} : memref<128x128xf32, #tpu.memory_space<vmem>>, vector<16xf32>,
      %mul3A_151 = arith.constant 4 : i32
      %mul3A_152 = arith.muli %mul3A_151, %scan3A_87 : i32
      %add3A_153 = arith.constant 1 : i32
      %add3A_154 = arith.addi %mul3A_152, %add3A_153 : i32
      %add3A_155 = arith.constant 3 : i32
      %add3A_156 = arith.addi %add3A_154, %add3A_155 : i32
      %lt3A_157 = arith.constant 128 : i32
      %lt3A_158 = arith.cmpi slt, %add3A_156, %lt3A_157 : i32
      %convert_element_type3A_159 = arith.extui %lt3A_158 : i1 to i32
      %cond3A_160 = arith.constant 0 : i32
      %cond3A_161 = arith.cmpi ne, %convert_element_type3A_159, %cond3A_160 : i32
      scf.if %cond3A_161 {
        %add3A_358 = arith.constant 3 : i32
        %add3A_359 = arith.addi %add3A_154, %add3A_358 : i32
        %mul3A_360 = arith.constant 2 : i32
        %mul3A_361 = arith.muli %mul3A_360, %add3A_359 : i32
        %dma_start3A_362 = arith.constant 0 : i32
        %dma_start3A_363 = arith.constant 0 : i32
        %dma_start3A_364 = arith.constant 0 : i32
        %dma_start3A_365 = tpu.memref_slice %arg7[%dma_start3A_362, %dma_start3A_363, %dma_start3A_364] : memref<8x100x64xi32, #tpu.memory_space<vmem>> -> memref<1x100x64xi32, #tpu.memory_space<vmem>>
        %dma_start3A_366 = tpu.memref_squeeze %dma_start3A_365 : memref<1x100x64xi32, #tpu.memory_space<vmem>> -> memref<100x64xi32, #tpu.memory_space<vmem>>
        %dma_start3A_367 = arith.constant 0 : i32
        %dma_start3A_368 = tpu.memref_slice %arg6[%mul3A_361, %dma_start3A_367] : memref<256x100xi32, #tpu.memory_space<vmem>> -> memref<1x100xi32, #tpu.memory_space<vmem>>
        %dma_start3A_369 = tpu.memref_squeeze %dma_start3A_368 : memref<1x100xi32, #tpu.memory_space<vmem>> -> memref<100xi32, #tpu.memory_space<vmem>>
        %dma_start3A_370 = arith.constant 0 : i32
        %dma_start3A_371 = arith.constant 0 : i32
        %dma_start3A_372 = tpu.memref_slice %arg3[%dma_start3A_370, %dma_start3A_371] : memref<100000x64xi32, #tpu.memory_space<hbm>> -> memref<100000x64xi32, #tpu.memory_space<hbm>>
        tpu.enqueue_indirect_dma source(%dma_start3A_372 : memref<100000x64xi32, #tpu.memory_space<hbm>>) target(%dma_start3A_366 : memref<100x64xi32, #tpu.memory_space<vmem>>) offsets(%dma_start3A_369 : memref<100xi32, #tpu.memory_space<vmem>>) semaphore(%arg9 : memref<!tpu.dma_semaphore, #tpu.memory_space<semaphore_mem>>)
        %add3A_373 = arith.constant 1 : i32
        %add3A_374 = arith.addi %mul3A_361, %add3A_373 : i32
        %dma_start3A_375 = arith.constant 1 : i32
        %dma_start3A_376 = arith.constant 0 : i32
        %dma_start3A_377 = arith.constant 0 : i32
        %dma_start3A_378 = tpu.memref_slice %arg7[%dma_start3A_375, %dma_start3A_376, %dma_start3A_377] : memref<8x100x64xi32, #tpu.memory_space<vmem>> -> memref<1x100x64xi32, #tpu.memory_space<vmem>>
        %dma_start3A_379 = tpu.memref_squeeze %dma_start3A_378 : memref<1x100x64xi32, #tpu.memory_space<vmem>> -> memref<100x64xi32, #tpu.memory_space<vmem>>
        %dma_start3A_380 = arith.constant 0 : i32
        %dma_start3A_381 = tpu.memref_slice %arg6[%add3A_374, %dma_start3A_380] : memref<256x100xi32, #tpu.memory_space<vmem>> -> memref<1x100xi32, #tpu.memory_space<vmem>>
        %dma_start3A_382 = tpu.memref_squeeze %dma_start3A_381 : memref<1x100xi32, #tpu.memory_space<vmem>> -> memref<100xi32, #tpu.memory_space<vmem>>
        %dma_start3A_383 = arith.constant 0 : i32
        %dma_start3A_384 = arith.constant 0 : i32
        %dma_start3A_385 = tpu.memref_slice %arg3[%dma_start3A_383, %dma_start3A_384] : memref<100000x64xi32, #tpu.memory_space<hbm>> -> memref<100000x64xi32, #tpu.memory_space<hbm>>
        tpu.enqueue_indirect_dma source(%dma_start3A_385 : memref<100000x64xi32, #tpu.memory_space<hbm>>) target(%dma_start3A_379 : memref<100x64xi32, #tpu.memory_space<vmem>>) offsets(%dma_start3A_382 : memref<100xi32, #tpu.memory_space<vmem>>) semaphore(%arg9 : memref<!tpu.dma_semaphore, #tpu.memory_space<semaphore_mem>>)
      } else {
      }
      %dma_wait3A_162 = arith.constant 0 : i32
      %dma_wait3A_163 = arith.constant 2 : i32
      %dma_wait3A_164 = arith.constant 0 : i32
      %dma_wait3A_165 = arith.constant 0 : i32
      %dma_wait3A_166 = tpu.memref_slice %arg7[%dma_wait3A_163, %dma_wait3A_164, %dma_wait3A_165] : memref<8x100x64xi32, #tpu.memory_space<vmem>> -> memref<1x100x64xi32, #tpu.memory_space<vmem>>
      %dma_wait3A_167 = tpu.memref_squeeze %dma_wait3A_166 : memref<1x100x64xi32, #tpu.memory_space<vmem>> -> memref<100x64xi32, #tpu.memory_space<vmem>>
      %dma_wait3A_168 = arith.constant 0 : i32
      %dma_wait3A_169 = tpu.memref_slice %arg6[%dma_wait3A_162, %dma_wait3A_168] : memref<256x100xi32, #tpu.memory_space<vmem>> -> memref<1x100xi32, #tpu.memory_space<vmem>>
      %dma_wait3A_170 = tpu.memref_squeeze %dma_wait3A_169 : memref<1x100xi32, #tpu.memory_space<vmem>> -> memref<100xi32, #tpu.memory_space<vmem>>
      %dma_wait3A_171 = arith.constant 0 : i32
      %dma_wait3A_172 = arith.constant 0 : i32
      %dma_wait3A_173 = tpu.memref_slice %arg3[%dma_wait3A_171, %dma_wait3A_172] : memref<100000x64xi32, #tpu.memory_space<hbm>> -> memref<100000x64xi32, #tpu.memory_space<hbm>>
      tpu.wait_indirect_dma semaphore(%arg10 : memref<!tpu.dma_semaphore, #tpu.memory_space<semaphore_mem>>) src(%dma_wait3A_173 : memref<100000x64xi32, #tpu.memory_space<hbm>>) dst(%dma_wait3A_167 : memref<100x64xi32, #tpu.memory_space<vmem>>)
      %dma_wait3A_174 = arith.constant 0 : i32
      %dma_wait3A_175 = arith.constant 3 : i32
      %dma_wait3A_176 = arith.constant 0 : i32
      %dma_wait3A_177 = arith.constant 0 : i32
      %dma_wait3A_178 = tpu.memref_slice %arg7[%dma_wait3A_175, %dma_wait3A_176, %dma_wait3A_177] : memref<8x100x64xi32, #tpu.memory_space<vmem>> -> memref<1x100x64xi32, #tpu.memory_space<vmem>>
      %dma_wait3A_179 = tpu.memref_squeeze %dma_wait3A_178 : memref<1x100x64xi32, #tpu.memory_space<vmem>> -> memref<100x64xi32, #tpu.memory_space<vmem>>
      %dma_wait3A_180 = arith.constant 0 : i32
      %dma_wait3A_181 = tpu.memref_slice %arg6[%dma_wait3A_174, %dma_wait3A_180] : memref<256x100xi32, #tpu.memory_space<vmem>> -> memref<1x100xi32, #tpu.memory_space<vmem>>
      %dma_wait3A_182 = tpu.memref_squeeze %dma_wait3A_181 : memref<1x100xi32, #tpu.memory_space<vmem>> -> memref<100xi32, #tpu.memory_space<vmem>>
      %dma_wait3A_183 = arith.constant 0 : i32
      %dma_wait3A_184 = arith.constant 0 : i32
      %dma_wait3A_185 = tpu.memref_slice %arg3[%dma_wait3A_183, %dma_wait3A_184] : memref<100000x64xi32, #tpu.memory_space<hbm>> -> memref<100000x64xi32, #tpu.memory_space<hbm>>
      tpu.wait_indirect_dma semaphore(%arg10 : memref<!tpu.dma_semaphore, #tpu.memory_space<semaphore_mem>>) src(%dma_wait3A_185 : memref<100000x64xi32, #tpu.memory_space<hbm>>) dst(%dma_wait3A_179 : memref<100x64xi32, #tpu.memory_space<vmem>>)
      %broadcast_in_dim3A_186 = arith.constant 0.000000e+00 : f32
      %broadcast_in_dim3A_187 = vector.broadcast %broadcast_in_dim3A_186 : f32 to vector<16xf32>
      %scan3A_188 = arith.constant 2 : i32
      %scan3A_189 = arith.constant 3 : i32
      %scan3A_190 = arith.constant 0 : i32
      %scan3A_191 = arith.constant 50 : i32
      %scan3A_192 = arith.addi %scan3A_190, %scan3A_191 : i32
      %scan3A_193 = arith.constant 1 : i32
      %scan3A_194:8 = scf.for %scan3A_358 = %scan3A_190 to %scan3A_192 step %scan3A_193 iter_args(%scan3A_359 = %broadcast_in_dim3A_187, %scan3A_360 = %broadcast_in_dim3A_187, %scan3A_361 = %broadcast_in_dim3A_187, %scan3A_362 = %broadcast_in_dim3A_187, %scan3A_363 = %broadcast_in_dim3A_187, %scan3A_364 = %broadcast_in_dim3A_187, %scan3A_365 = %broadcast_in_dim3A_187, %scan3A_366 = %broadcast_in_dim3A_187) -> (vector<16xf32>, vector<16xf32>, vector<16xf32>, vector<16xf32>, vector<16xf32>, vector<16xf32>, vector<16xf32>, vector<16xf32>)  : i32 {
        %mul3A_367 = arith.constant 2 : i32
        %mul3A_368 = arith.muli %mul3A_367, %scan3A_358 : i32
        %add3A_369 = arith.constant 0 : i32
        %add3A_370 = arith.addi %mul3A_368, %add3A_369 : i32
        %get3A = arith.constant 0 : i32
        %get3A_371 = arith.constant 0 : i32
        %get3A_372 = tpu.memref_slice %arg7[%scan3A_188, %get3A, %get3A_371] : memref<8x100x64xi32, #tpu.memory_space<vmem>> -> memref<1x100x64xi32, #tpu.memory_space<vmem>>
        %get3A_373 = tpu.memref_squeeze %get3A_372 : memref<1x100x64xi32, #tpu.memory_space<vmem>> -> memref<100x64xi32, #tpu.memory_space<vmem>>
        %get3A_374 = arith.index_cast %add3A_370 : i32 to index
        %get3A_375 = arith.constant 0 : index
        %get3A_376 = tpu.vector_load %get3A_373[%get3A_374, %get3A_375] {strides = array<i32>} : memref<100x64xi32, #tpu.memory_space<vmem>>, vector<16xi32>,
        %bitcast3A = vector.bitcast %get3A_376 : vector<16xi32> to vector<32xbf16>
        %unpack3A = tpu.unpack_subelements %bitcast3A, 0 {pack_format = #tpu.pack_format<interleaved>} : vector<32xbf16> -> vector<16xf32>
        %unpack3A_377 = tpu.unpack_subelements %bitcast3A, 1 {pack_format = #tpu.pack_format<interleaved>} : vector<32xbf16> -> vector<16xf32>
        %add3A_378 = arith.addf %scan3A_359, %unpack3A : vector<16xf32>
        %add3A_379 = arith.addf %scan3A_360, %unpack3A_377 : vector<16xf32>
        %add3A_380 = arith.constant 0 : i32
        %add3A_381 = arith.addi %mul3A_368, %add3A_380 : i32
        %get3A_382 = arith.constant 0 : i32
        %get3A_383 = arith.constant 0 : i32
        %get3A_384 = tpu.memref_slice %arg7[%scan3A_188, %get3A_382, %get3A_383] : memref<8x100x64xi32, #tpu.memory_space<vmem>> -> memref<1x100x64xi32, #tpu.memory_space<vmem>>
        %get3A_385 = tpu.memref_squeeze %get3A_384 : memref<1x100x64xi32, #tpu.memory_space<vmem>> -> memref<100x64xi32, #tpu.memory_space<vmem>>
        %get3A_386 = arith.index_cast %add3A_381 : i32 to index
        %get3A_387 = arith.constant 16 : index
        %get3A_388 = tpu.vector_load %get3A_385[%get3A_386, %get3A_387] {strides = array<i32>} : memref<100x64xi32, #tpu.memory_space<vmem>>, vector<16xi32>,
        %bitcast3A_389 = vector.bitcast %get3A_388 : vector<16xi32> to vector<32xbf16>
        %unpack3A_390 = tpu.unpack_subelements %bitcast3A_389, 0 {pack_format = #tpu.pack_format<interleaved>} : vector<32xbf16> -> vector<16xf32>
        %unpack3A_391 = tpu.unpack_subelements %bitcast3A_389, 1 {pack_format = #tpu.pack_format<interleaved>} : vector<32xbf16> -> vector<16xf32>
        %add3A_392 = arith.addf %scan3A_361, %unpack3A_390 : vector<16xf32>
        %add3A_393 = arith.addf %scan3A_362, %unpack3A_391 : vector<16xf32>
        %add3A_394 = arith.constant 0 : i32
        %add3A_395 = arith.addi %mul3A_368, %add3A_394 : i32
        %get3A_396 = arith.constant 0 : i32
        %get3A_397 = arith.constant 0 : i32
        %get3A_398 = tpu.memref_slice %arg7[%scan3A_188, %get3A_396, %get3A_397] : memref<8x100x64xi32, #tpu.memory_space<vmem>> -> memref<1x100x64xi32, #tpu.memory_space<vmem>>
        %get3A_399 = tpu.memref_squeeze %get3A_398 : memref<1x100x64xi32, #tpu.memory_space<vmem>> -> memref<100x64xi32, #tpu.memory_space<vmem>>
        %get3A_400 = arith.index_cast %add3A_395 : i32 to index
        %get3A_401 = arith.constant 32 : index
        %get3A_402 = tpu.vector_load %get3A_399[%get3A_400, %get3A_401] {strides = array<i32>} : memref<100x64xi32, #tpu.memory_space<vmem>>, vector<16xi32>,
        %bitcast3A_403 = vector.bitcast %get3A_402 : vector<16xi32> to vector<32xbf16>
        %unpack3A_404 = tpu.unpack_subelements %bitcast3A_403, 0 {pack_format = #tpu.pack_format<interleaved>} : vector<32xbf16> -> vector<16xf32>
        %unpack3A_405 = tpu.unpack_subelements %bitcast3A_403, 1 {pack_format = #tpu.pack_format<interleaved>} : vector<32xbf16> -> vector<16xf32>
        %add3A_406 = arith.addf %scan3A_363, %unpack3A_404 : vector<16xf32>
        %add3A_407 = arith.addf %scan3A_364, %unpack3A_405 : vector<16xf32>
        %add3A_408 = arith.constant 0 : i32
        %add3A_409 = arith.addi %mul3A_368, %add3A_408 : i32
        %get3A_410 = arith.constant 0 : i32
        %get3A_411 = arith.constant 0 : i32
        %get3A_412 = tpu.memref_slice %arg7[%scan3A_188, %get3A_410, %get3A_411] : memref<8x100x64xi32, #tpu.memory_space<vmem>> -> memref<1x100x64xi32, #tpu.memory_space<vmem>>
        %get3A_413 = tpu.memref_squeeze %get3A_412 : memref<1x100x64xi32, #tpu.memory_space<vmem>> -> memref<100x64xi32, #tpu.memory_space<vmem>>
        %get3A_414 = arith.index_cast %add3A_409 : i32 to index
        %get3A_415 = arith.constant 34 : index
        %get3A_416 = tpu.vector_load %get3A_413[%get3A_414, %get3A_415] {strides = array<i32>} : memref<100x64xi32, #tpu.memory_space<vmem>>, vector<16xi32>,
        %bitcast3A_417 = vector.bitcast %get3A_416 : vector<16xi32> to vector<32xbf16>
        %unpack3A_418 = tpu.unpack_subelements %bitcast3A_417, 0 {pack_format = #tpu.pack_format<interleaved>} : vector<32xbf16> -> vector<16xf32>
        %unpack3A_419 = tpu.unpack_subelements %bitcast3A_417, 1 {pack_format = #tpu.pack_format<interleaved>} : vector<32xbf16> -> vector<16xf32>
        %add3A_420 = arith.addf %scan3A_365, %unpack3A_418 : vector<16xf32>
        %add3A_421 = arith.addf %scan3A_366, %unpack3A_419 : vector<16xf32>
        %add3A_422 = arith.constant 0 : i32
        %add3A_423 = arith.addi %mul3A_368, %add3A_422 : i32
        %get3A_424 = arith.constant 0 : i32
        %get3A_425 = arith.constant 0 : i32
        %get3A_426 = tpu.memref_slice %arg7[%scan3A_189, %get3A_424, %get3A_425] : memref<8x100x64xi32, #tpu.memory_space<vmem>> -> memref<1x100x64xi32, #tpu.memory_space<vmem>>
        %get3A_427 = tpu.memref_squeeze %get3A_426 : memref<1x100x64xi32, #tpu.memory_space<vmem>> -> memref<100x64xi32, #tpu.memory_space<vmem>>
        %get3A_428 = arith.index_cast %add3A_423 : i32 to index
        %get3A_429 = arith.constant 0 : index
        %get3A_430 = tpu.vector_load %get3A_427[%get3A_428, %get3A_429] {strides = array<i32>} : memref<100x64xi32, #tpu.memory_space<vmem>>, vector<16xi32>,
        %bitcast3A_431 = vector.bitcast %get3A_430 : vector<16xi32> to vector<32xbf16>
        %unpack3A_432 = tpu.unpack_subelements %bitcast3A_431, 0 {pack_format = #tpu.pack_format<interleaved>} : vector<32xbf16> -> vector<16xf32>
        %unpack3A_433 = tpu.unpack_subelements %bitcast3A_431, 1 {pack_format = #tpu.pack_format<interleaved>} : vector<32xbf16> -> vector<16xf32>
        %add3A_434 = arith.addf %add3A_378, %unpack3A_432 : vector<16xf32>
        %add3A_435 = arith.addf %add3A_379, %unpack3A_433 : vector<16xf32>
        %add3A_436 = arith.constant 0 : i32
        %add3A_437 = arith.addi %mul3A_368, %add3A_436 : i32
        %get3A_438 = arith.constant 0 : i32
        %get3A_439 = arith.constant 0 : i32
        %get3A_440 = tpu.memref_slice %arg7[%scan3A_189, %get3A_438, %get3A_439] : memref<8x100x64xi32, #tpu.memory_space<vmem>> -> memref<1x100x64xi32, #tpu.memory_space<vmem>>
        %get3A_441 = tpu.memref_squeeze %get3A_440 : memref<1x100x64xi32, #tpu.memory_space<vmem>> -> memref<100x64xi32, #tpu.memory_space<vmem>>
        %get3A_442 = arith.index_cast %add3A_437 : i32 to index
        %get3A_443 = arith.constant 16 : index
        %get3A_444 = tpu.vector_load %get3A_441[%get3A_442, %get3A_443] {strides = array<i32>} : memref<100x64xi32, #tpu.memory_space<vmem>>, vector<16xi32>,
        %bitcast3A_445 = vector.bitcast %get3A_444 : vector<16xi32> to vector<32xbf16>
        %unpack3A_446 = tpu.unpack_subelements %bitcast3A_445, 0 {pack_format = #tpu.pack_format<interleaved>} : vector<32xbf16> -> vector<16xf32>
        %unpack3A_447 = tpu.unpack_subelements %bitcast3A_445, 1 {pack_format = #tpu.pack_format<interleaved>} : vector<32xbf16> -> vector<16xf32>
        %add3A_448 = arith.addf %add3A_392, %unpack3A_446 : vector<16xf32>
        %add3A_449 = arith.addf %add3A_393, %unpack3A_447 : vector<16xf32>
        %add3A_450 = arith.constant 0 : i32
        %add3A_451 = arith.addi %mul3A_368, %add3A_450 : i32
        %get3A_452 = arith.constant 0 : i32
        %get3A_453 = arith.constant 0 : i32
        %get3A_454 = tpu.memref_slice %arg7[%scan3A_189, %get3A_452, %get3A_453] : memref<8x100x64xi32, #tpu.memory_space<vmem>> -> memref<1x100x64xi32, #tpu.memory_space<vmem>>
        %get3A_455 = tpu.memref_squeeze %get3A_454 : memref<1x100x64xi32, #tpu.memory_space<vmem>> -> memref<100x64xi32, #tpu.memory_space<vmem>>
        %get3A_456 = arith.index_cast %add3A_451 : i32 to index
        %get3A_457 = arith.constant 32 : index
        %get3A_458 = tpu.vector_load %get3A_455[%get3A_456, %get3A_457] {strides = array<i32>} : memref<100x64xi32, #tpu.memory_space<vmem>>, vector<16xi32>,
        %bitcast3A_459 = vector.bitcast %get3A_458 : vector<16xi32> to vector<32xbf16>
        %unpack3A_460 = tpu.unpack_subelements %bitcast3A_459, 0 {pack_format = #tpu.pack_format<interleaved>} : vector<32xbf16> -> vector<16xf32>
        %unpack3A_461 = tpu.unpack_subelements %bitcast3A_459, 1 {pack_format = #tpu.pack_format<interleaved>} : vector<32xbf16> -> vector<16xf32>
        %add3A_462 = arith.addf %add3A_406, %unpack3A_460 : vector<16xf32>
        %add3A_463 = arith.addf %add3A_407, %unpack3A_461 : vector<16xf32>
        %add3A_464 = arith.constant 0 : i32
        %add3A_465 = arith.addi %mul3A_368, %add3A_464 : i32
        %get3A_466 = arith.constant 0 : i32
        %get3A_467 = arith.constant 0 : i32
        %get3A_468 = tpu.memref_slice %arg7[%scan3A_189, %get3A_466, %get3A_467] : memref<8x100x64xi32, #tpu.memory_space<vmem>> -> memref<1x100x64xi32, #tpu.memory_space<vmem>>
        %get3A_469 = tpu.memref_squeeze %get3A_468 : memref<1x100x64xi32, #tpu.memory_space<vmem>> -> memref<100x64xi32, #tpu.memory_space<vmem>>
        %get3A_470 = arith.index_cast %add3A_465 : i32 to index
        %get3A_471 = arith.constant 34 : index
        %get3A_472 = tpu.vector_load %get3A_469[%get3A_470, %get3A_471] {strides = array<i32>} : memref<100x64xi32, #tpu.memory_space<vmem>>, vector<16xi32>,
        %bitcast3A_473 = vector.bitcast %get3A_472 : vector<16xi32> to vector<32xbf16>
        %unpack3A_474 = tpu.unpack_subelements %bitcast3A_473, 0 {pack_format = #tpu.pack_format<interleaved>} : vector<32xbf16> -> vector<16xf32>
        %unpack3A_475 = tpu.unpack_subelements %bitcast3A_473, 1 {pack_format = #tpu.pack_format<interleaved>} : vector<32xbf16> -> vector<16xf32>
        %add3A_476 = arith.addf %add3A_420, %unpack3A_474 : vector<16xf32>
        %add3A_477 = arith.addf %add3A_421, %unpack3A_475 : vector<16xf32>
        %add3A_478 = arith.constant 1 : i32
        %add3A_479 = arith.addi %mul3A_368, %add3A_478 : i32
        %get3A_480 = arith.constant 0 : i32
        %get3A_481 = arith.constant 0 : i32
        %get3A_482 = tpu.memref_slice %arg7[%scan3A_188, %get3A_480, %get3A_481] : memref<8x100x64xi32, #tpu.memory_space<vmem>> -> memref<1x100x64xi32, #tpu.memory_space<vmem>>
        %get3A_483 = tpu.memref_squeeze %get3A_482 : memref<1x100x64xi32, #tpu.memory_space<vmem>> -> memref<100x64xi32, #tpu.memory_space<vmem>>
        %get3A_484 = arith.index_cast %add3A_479 : i32 to index
        %get3A_485 = arith.constant 0 : index
        %get3A_486 = tpu.vector_load %get3A_483[%get3A_484, %get3A_485] {strides = array<i32>} : memref<100x64xi32, #tpu.memory_space<vmem>>, vector<16xi32>,
        %bitcast3A_487 = vector.bitcast %get3A_486 : vector<16xi32> to vector<32xbf16>
        %unpack3A_488 = tpu.unpack_subelements %bitcast3A_487, 0 {pack_format = #tpu.pack_format<interleaved>} : vector<32xbf16> -> vector<16xf32>
        %unpack3A_489 = tpu.unpack_subelements %bitcast3A_487, 1 {pack_format = #tpu.pack_format<interleaved>} : vector<32xbf16> -> vector<16xf32>
        %add3A_490 = arith.addf %add3A_434, %unpack3A_488 : vector<16xf32>
        %add3A_491 = arith.addf %add3A_435, %unpack3A_489 : vector<16xf32>
        %add3A_492 = arith.constant 1 : i32
        %add3A_493 = arith.addi %mul3A_368, %add3A_492 : i32
        %get3A_494 = arith.constant 0 : i32
        %get3A_495 = arith.constant 0 : i32
        %get3A_496 = tpu.memref_slice %arg7[%scan3A_188, %get3A_494, %get3A_495] : memref<8x100x64xi32, #tpu.memory_space<vmem>> -> memref<1x100x64xi32, #tpu.memory_space<vmem>>
        %get3A_497 = tpu.memref_squeeze %get3A_496 : memref<1x100x64xi32, #tpu.memory_space<vmem>> -> memref<100x64xi32, #tpu.memory_space<vmem>>
        %get3A_498 = arith.index_cast %add3A_493 : i32 to index
        %get3A_499 = arith.constant 16 : index
        %get3A_500 = tpu.vector_load %get3A_497[%get3A_498, %get3A_499] {strides = array<i32>} : memref<100x64xi32, #tpu.memory_space<vmem>>, vector<16xi32>,
        %bitcast3A_501 = vector.bitcast %get3A_500 : vector<16xi32> to vector<32xbf16>
        %unpack3A_502 = tpu.unpack_subelements %bitcast3A_501, 0 {pack_format = #tpu.pack_format<interleaved>} : vector<32xbf16> -> vector<16xf32>
        %unpack3A_503 = tpu.unpack_subelements %bitcast3A_501, 1 {pack_format = #tpu.pack_format<interleaved>} : vector<32xbf16> -> vector<16xf32>
        %add3A_504 = arith.addf %add3A_448, %unpack3A_502 : vector<16xf32>
        %add3A_505 = arith.addf %add3A_449, %unpack3A_503 : vector<16xf32>
        %add3A_506 = arith.constant 1 : i32
        %add3A_507 = arith.addi %mul3A_368, %add3A_506 : i32
        %get3A_508 = arith.constant 0 : i32
        %get3A_509 = arith.constant 0 : i32
        %get3A_510 = tpu.memref_slice %arg7[%scan3A_188, %get3A_508, %get3A_509] : memref<8x100x64xi32, #tpu.memory_space<vmem>> -> memref<1x100x64xi32, #tpu.memory_space<vmem>>
        %get3A_511 = tpu.memref_squeeze %get3A_510 : memref<1x100x64xi32, #tpu.memory_space<vmem>> -> memref<100x64xi32, #tpu.memory_space<vmem>>
        %get3A_512 = arith.index_cast %add3A_507 : i32 to index
        %get3A_513 = arith.constant 32 : index
        %get3A_514 = tpu.vector_load %get3A_511[%get3A_512, %get3A_513] {strides = array<i32>} : memref<100x64xi32, #tpu.memory_space<vmem>>, vector<16xi32>,
        %bitcast3A_515 = vector.bitcast %get3A_514 : vector<16xi32> to vector<32xbf16>
        %unpack3A_516 = tpu.unpack_subelements %bitcast3A_515, 0 {pack_format = #tpu.pack_format<interleaved>} : vector<32xbf16> -> vector<16xf32>
        %unpack3A_517 = tpu.unpack_subelements %bitcast3A_515, 1 {pack_format = #tpu.pack_format<interleaved>} : vector<32xbf16> -> vector<16xf32>
        %add3A_518 = arith.addf %add3A_462, %unpack3A_516 : vector<16xf32>
        %add3A_519 = arith.addf %add3A_463, %unpack3A_517 : vector<16xf32>
        %add3A_520 = arith.constant 1 : i32
        %add3A_521 = arith.addi %mul3A_368, %add3A_520 : i32
        %get3A_522 = arith.constant 0 : i32
        %get3A_523 = arith.constant 0 : i32
        %get3A_524 = tpu.memref_slice %arg7[%scan3A_188, %get3A_522, %get3A_523] : memref<8x100x64xi32, #tpu.memory_space<vmem>> -> memref<1x100x64xi32, #tpu.memory_space<vmem>>
        %get3A_525 = tpu.memref_squeeze %get3A_524 : memref<1x100x64xi32, #tpu.memory_space<vmem>> -> memref<100x64xi32, #tpu.memory_space<vmem>>
        %get3A_526 = arith.index_cast %add3A_521 : i32 to index
        %get3A_527 = arith.constant 34 : index
        %get3A_528 = tpu.vector_load %get3A_525[%get3A_526, %get3A_527] {strides = array<i32>} : memref<100x64xi32, #tpu.memory_space<vmem>>, vector<16xi32>,
        %bitcast3A_529 = vector.bitcast %get3A_528 : vector<16xi32> to vector<32xbf16>
        %unpack3A_530 = tpu.unpack_subelements %bitcast3A_529, 0 {pack_format = #tpu.pack_format<interleaved>} : vector<32xbf16> -> vector<16xf32>
        %unpack3A_531 = tpu.unpack_subelements %bitcast3A_529, 1 {pack_format = #tpu.pack_format<interleaved>} : vector<32xbf16> -> vector<16xf32>
        %add3A_532 = arith.addf %add3A_476, %unpack3A_530 : vector<16xf32>
        %add3A_533 = arith.addf %add3A_477, %unpack3A_531 : vector<16xf32>
        %add3A_534 = arith.constant 1 : i32
        %add3A_535 = arith.addi %mul3A_368, %add3A_534 : i32
        %get3A_536 = arith.constant 0 : i32
        %get3A_537 = arith.constant 0 : i32
        %get3A_538 = tpu.memref_slice %arg7[%scan3A_189, %get3A_536, %get3A_537] : memref<8x100x64xi32, #tpu.memory_space<vmem>> -> memref<1x100x64xi32, #tpu.memory_space<vmem>>
        %get3A_539 = tpu.memref_squeeze %get3A_538 : memref<1x100x64xi32, #tpu.memory_space<vmem>> -> memref<100x64xi32, #tpu.memory_space<vmem>>
        %get3A_540 = arith.index_cast %add3A_535 : i32 to index
        %get3A_541 = arith.constant 0 : index
        %get3A_542 = tpu.vector_load %get3A_539[%get3A_540, %get3A_541] {strides = array<i32>} : memref<100x64xi32, #tpu.memory_space<vmem>>, vector<16xi32>,
        %bitcast3A_543 = vector.bitcast %get3A_542 : vector<16xi32> to vector<32xbf16>
        %unpack3A_544 = tpu.unpack_subelements %bitcast3A_543, 0 {pack_format = #tpu.pack_format<interleaved>} : vector<32xbf16> -> vector<16xf32>
        %unpack3A_545 = tpu.unpack_subelements %bitcast3A_543, 1 {pack_format = #tpu.pack_format<interleaved>} : vector<32xbf16> -> vector<16xf32>
        %add3A_546 = arith.addf %add3A_490, %unpack3A_544 : vector<16xf32>
        %add3A_547 = arith.addf %add3A_491, %unpack3A_545 : vector<16xf32>
        %add3A_548 = arith.constant 1 : i32
        %add3A_549 = arith.addi %mul3A_368, %add3A_548 : i32
        %get3A_550 = arith.constant 0 : i32
        %get3A_551 = arith.constant 0 : i32
        %get3A_552 = tpu.memref_slice %arg7[%scan3A_189, %get3A_550, %get3A_551] : memref<8x100x64xi32, #tpu.memory_space<vmem>> -> memref<1x100x64xi32, #tpu.memory_space<vmem>>
        %get3A_553 = tpu.memref_squeeze %get3A_552 : memref<1x100x64xi32, #tpu.memory_space<vmem>> -> memref<100x64xi32, #tpu.memory_space<vmem>>
        %get3A_554 = arith.index_cast %add3A_549 : i32 to index
        %get3A_555 = arith.constant 16 : index
        %get3A_556 = tpu.vector_load %get3A_553[%get3A_554, %get3A_555] {strides = array<i32>} : memref<100x64xi32, #tpu.memory_space<vmem>>, vector<16xi32>,
        %bitcast3A_557 = vector.bitcast %get3A_556 : vector<16xi32> to vector<32xbf16>
        %unpack3A_558 = tpu.unpack_subelements %bitcast3A_557, 0 {pack_format = #tpu.pack_format<interleaved>} : vector<32xbf16> -> vector<16xf32>
        %unpack3A_559 = tpu.unpack_subelements %bitcast3A_557, 1 {pack_format = #tpu.pack_format<interleaved>} : vector<32xbf16> -> vector<16xf32>
        %add3A_560 = arith.addf %add3A_504, %unpack3A_558 : vector<16xf32>
        %add3A_561 = arith.addf %add3A_505, %unpack3A_559 : vector<16xf32>
        %add3A_562 = arith.constant 1 : i32
        %add3A_563 = arith.addi %mul3A_368, %add3A_562 : i32
        %get3A_564 = arith.constant 0 : i32
        %get3A_565 = arith.constant 0 : i32
        %get3A_566 = tpu.memref_slice %arg7[%scan3A_189, %get3A_564, %get3A_565] : memref<8x100x64xi32, #tpu.memory_space<vmem>> -> memref<1x100x64xi32, #tpu.memory_space<vmem>>
        %get3A_567 = tpu.memref_squeeze %get3A_566 : memref<1x100x64xi32, #tpu.memory_space<vmem>> -> memref<100x64xi32, #tpu.memory_space<vmem>>
        %get3A_568 = arith.index_cast %add3A_563 : i32 to index
        %get3A_569 = arith.constant 32 : index
        %get3A_570 = tpu.vector_load %get3A_567[%get3A_568, %get3A_569] {strides = array<i32>} : memref<100x64xi32, #tpu.memory_space<vmem>>, vector<16xi32>,
        %bitcast3A_571 = vector.bitcast %get3A_570 : vector<16xi32> to vector<32xbf16>
        %unpack3A_572 = tpu.unpack_subelements %bitcast3A_571, 0 {pack_format = #tpu.pack_format<interleaved>} : vector<32xbf16> -> vector<16xf32>
        %unpack3A_573 = tpu.unpack_subelements %bitcast3A_571, 1 {pack_format = #tpu.pack_format<interleaved>} : vector<32xbf16> -> vector<16xf32>
        %add3A_574 = arith.addf %add3A_518, %unpack3A_572 : vector<16xf32>
        %add3A_575 = arith.addf %add3A_519, %unpack3A_573 : vector<16xf32>
        %add3A_576 = arith.constant 1 : i32
        %add3A_577 = arith.addi %mul3A_368, %add3A_576 : i32
        %get3A_578 = arith.constant 0 : i32
        %get3A_579 = arith.constant 0 : i32
        %get3A_580 = tpu.memref_slice %arg7[%scan3A_189, %get3A_578, %get3A_579] : memref<8x100x64xi32, #tpu.memory_space<vmem>> -> memref<1x100x64xi32, #tpu.memory_space<vmem>>
        %get3A_581 = tpu.memref_squeeze %get3A_580 : memref<1x100x64xi32, #tpu.memory_space<vmem>> -> memref<100x64xi32, #tpu.memory_space<vmem>>
        %get3A_582 = arith.index_cast %add3A_577 : i32 to index
        %get3A_583 = arith.constant 34 : index
        %get3A_584 = tpu.vector_load %get3A_581[%get3A_582, %get3A_583] {strides = array<i32>} : memref<100x64xi32, #tpu.memory_space<vmem>>, vector<16xi32>,
        %bitcast3A_585 = vector.bitcast %get3A_584 : vector<16xi32> to vector<32xbf16>
        %unpack3A_586 = tpu.unpack_subelements %bitcast3A_585, 0 {pack_format = #tpu.pack_format<interleaved>} : vector<32xbf16> -> vector<16xf32>
        %unpack3A_587 = tpu.unpack_subelements %bitcast3A_585, 1 {pack_format = #tpu.pack_format<interleaved>} : vector<32xbf16> -> vector<16xf32>
        %add3A_588 = arith.addf %add3A_532, %unpack3A_586 : vector<16xf32>
        %add3A_589 = arith.addf %add3A_533, %unpack3A_587 : vector<16xf32>
        scf.yield %add3A_546, %add3A_547, %add3A_560, %add3A_561, %add3A_574, %add3A_575, %add3A_588, %add3A_589 : vector<16xf32>, vector<16xf32>, vector<16xf32>, vector<16xf32>, vector<16xf32>, vector<16xf32>, vector<16xf32>, vector<16xf32>
      }
      %scan3A_195 = arith.constant 50 : i32
      %swap3A_196 = arith.index_cast %add3A_154 : i32 to index
      %swap3A_197 = arith.constant 0 : index
      %swap3A_198 = tpu.vector_load %arg8[%swap3A_196, %swap3A_197] {strides = array<i32>} : memref<128x128xf32, #tpu.memory_space<vmem>>, vector<16xf32>,
      tpu.vector_store %arg8[%swap3A_196, %swap3A_197], %scan3A_194#0 {strides = array<i32>} : memref<128x128xf32, #tpu.memory_space<vmem>>, vector<16xf32>,
      %swap3A_199 = arith.index_cast %add3A_154 : i32 to index
      %swap3A_200 = arith.constant 50 : index
      %swap3A_201 = tpu.vector_load %arg8[%swap3A_199, %swap3A_200] {strides = array<i32>} : memref<128x128xf32, #tpu.memory_space<vmem>>, vector<16xf32>,
      tpu.vector_store %arg8[%swap3A_199, %swap3A_200], %scan3A_194#1 {strides = array<i32>} : memref<128x128xf32, #tpu.memory_space<vmem>>, vector<16xf32>,
      %swap3A_202 = arith.index_cast %add3A_154 : i32 to index
      %swap3A_203 = arith.constant 16 : index
      %swap3A_204 = tpu.vector_load %arg8[%swap3A_202, %swap3A_203] {strides = array<i32>} : memref<128x128xf32, #tpu.memory_space<vmem>>, vector<16xf32>,
      tpu.vector_store %arg8[%swap3A_202, %swap3A_203], %scan3A_194#2 {strides = array<i32>} : memref<128x128xf32, #tpu.memory_space<vmem>>, vector<16xf32>,
      %swap3A_205 = arith.index_cast %add3A_154 : i32 to index
      %swap3A_206 = arith.constant 66 : index
      %swap3A_207 = tpu.vector_load %arg8[%swap3A_205, %swap3A_206] {strides = array<i32>} : memref<128x128xf32, #tpu.memory_space<vmem>>, vector<16xf32>,
      tpu.vector_store %arg8[%swap3A_205, %swap3A_206], %scan3A_194#3 {strides = array<i32>} : memref<128x128xf32, #tpu.memory_space<vmem>>, vector<16xf32>,
      %swap3A_208 = arith.index_cast %add3A_154 : i32 to index
      %swap3A_209 = arith.constant 32 : index
      %swap3A_210 = tpu.vector_load %arg8[%swap3A_208, %swap3A_209] {strides = array<i32>} : memref<128x128xf32, #tpu.memory_space<vmem>>, vector<16xf32>,
      tpu.vector_store %arg8[%swap3A_208, %swap3A_209], %scan3A_194#4 {strides = array<i32>} : memref<128x128xf32, #tpu.memory_space<vmem>>, vector<16xf32>,
      %swap3A_211 = arith.index_cast %add3A_154 : i32 to index
      %swap3A_212 = arith.constant 82 : index
      %swap3A_213 = tpu.vector_load %arg8[%swap3A_211, %swap3A_212] {strides = array<i32>} : memref<128x128xf32, #tpu.memory_space<vmem>>, vector<16xf32>,
      tpu.vector_store %arg8[%swap3A_211, %swap3A_212], %scan3A_194#5 {strides = array<i32>} : memref<128x128xf32, #tpu.memory_space<vmem>>, vector<16xf32>,
      %swap3A_214 = arith.index_cast %add3A_154 : i32 to index
      %swap3A_215 = arith.constant 34 : index
      %swap3A_216 = tpu.vector_load %arg8[%swap3A_214, %swap3A_215] {strides = array<i32>} : memref<128x128xf32, #tpu.memory_space<vmem>>, vector<16xf32>,
      tpu.vector_store %arg8[%swap3A_214, %swap3A_215], %scan3A_194#6 {strides = array<i32>} : memref<128x128xf32, #tpu.memory_space<vmem>>, vector<16xf32>,
      %swap3A_217 = arith.index_cast %add3A_154 : i32 to index
      %swap3A_218 = arith.constant 84 : index
      %swap3A_219 = tpu.vector_load %arg8[%swap3A_217, %swap3A_218] {strides = array<i32>} : memref<128x128xf32, #tpu.memory_space<vmem>>, vector<16xf32>,
      tpu.vector_store %arg8[%swap3A_217, %swap3A_218], %scan3A_194#7 {strides = array<i32>} : memref<128x128xf32, #tpu.memory_space<vmem>>, vector<16xf32>,
      %mul3A_220 = arith.constant 4 : i32
      %mul3A_221 = arith.muli %mul3A_220, %scan3A_87 : i32
      %add3A_222 = arith.constant 2 : i32
      %add3A_223 = arith.addi %mul3A_221, %add3A_222 : i32
      %add3A_224 = arith.constant 3 : i32
      %add3A_225 = arith.addi %add3A_223, %add3A_224 : i32
      %lt3A_226 = arith.constant 128 : i32
      %lt3A_227 = arith.cmpi slt, %add3A_225, %lt3A_226 : i32
      %convert_element_type3A_228 = arith.extui %lt3A_227 : i1 to i32
      %cond3A_229 = arith.constant 0 : i32
      %cond3A_230 = arith.cmpi ne, %convert_element_type3A_228, %cond3A_229 : i32
      scf.if %cond3A_230 {
        %add3A_358 = arith.constant 3 : i32
        %add3A_359 = arith.addi %add3A_223, %add3A_358 : i32
        %mul3A_360 = arith.constant 2 : i32
        %mul3A_361 = arith.muli %mul3A_360, %add3A_359 : i32
        %dma_start3A_362 = arith.constant 2 : i32
        %dma_start3A_363 = arith.constant 0 : i32
        %dma_start3A_364 = arith.constant 0 : i32
        %dma_start3A_365 = tpu.memref_slice %arg7[%dma_start3A_362, %dma_start3A_363, %dma_start3A_364] : memref<8x100x64xi32, #tpu.memory_space<vmem>> -> memref<1x100x64xi32, #tpu.memory_space<vmem>>
        %dma_start3A_366 = tpu.memref_squeeze %dma_start3A_365 : memref<1x100x64xi32, #tpu.memory_space<vmem>> -> memref<100x64xi32, #tpu.memory_space<vmem>>
        %dma_start3A_367 = arith.constant 0 : i32
        %dma_start3A_368 = tpu.memref_slice %arg6[%mul3A_361, %dma_start3A_367] : memref<256x100xi32, #tpu.memory_space<vmem>> -> memref<1x100xi32, #tpu.memory_space<vmem>>
        %dma_start3A_369 = tpu.memref_squeeze %dma_start3A_368 : memref<1x100xi32, #tpu.memory_space<vmem>> -> memref<100xi32, #tpu.memory_space<vmem>>
        %dma_start3A_370 = arith.constant 0 : i32
        %dma_start3A_371 = arith.constant 0 : i32
        %dma_start3A_372 = tpu.memref_slice %arg3[%dma_start3A_370, %dma_start3A_371] : memref<100000x64xi32, #tpu.memory_space<hbm>> -> memref<100000x64xi32, #tpu.memory_space<hbm>>
        tpu.enqueue_indirect_dma source(%dma_start3A_372 : memref<100000x64xi32, #tpu.memory_space<hbm>>) target(%dma_start3A_366 : memref<100x64xi32, #tpu.memory_space<vmem>>) offsets(%dma_start3A_369 : memref<100xi32, #tpu.memory_space<vmem>>) semaphore(%arg10 : memref<!tpu.dma_semaphore, #tpu.memory_space<semaphore_mem>>)
        %add3A_373 = arith.constant 1 : i32
        %add3A_374 = arith.addi %mul3A_361, %add3A_373 : i32
        %dma_start3A_375 = arith.constant 3 : i32
        %dma_start3A_376 = arith.constant 0 : i32
        %dma_start3A_377 = arith.constant 0 : i32
        %dma_start3A_378 = tpu.memref_slice %arg7[%dma_start3A_375, %dma_start3A_376, %dma_start3A_377] : memref<8x100x64xi32, #tpu.memory_space<vmem>> -> memref<1x100x64xi32, #tpu.memory_space<vmem>>
        %dma_start3A_379 = tpu.memref_squeeze %dma_start3A_378 : memref<1x100x64xi32, #tpu.memory_space<vmem>> -> memref<100x64xi32, #tpu.memory_space<vmem>>
        %dma_start3A_380 = arith.constant 0 : i32
        %dma_start3A_381 = tpu.memref_slice %arg6[%add3A_374, %dma_start3A_380] : memref<256x100xi32, #tpu.memory_space<vmem>> -> memref<1x100xi32, #tpu.memory_space<vmem>>
        %dma_start3A_382 = tpu.memref_squeeze %dma_start3A_381 : memref<1x100xi32, #tpu.memory_space<vmem>> -> memref<100xi32, #tpu.memory_space<vmem>>
        %dma_start3A_383 = arith.constant 0 : i32
        %dma_start3A_384 = arith.constant 0 : i32
        %dma_start3A_385 = tpu.memref_slice %arg3[%dma_start3A_383, %dma_start3A_384] : memref<100000x64xi32, #tpu.memory_space<hbm>> -> memref<100000x64xi32, #tpu.memory_space<hbm>>
        tpu.enqueue_indirect_dma source(%dma_start3A_385 : memref<100000x64xi32, #tpu.memory_space<hbm>>) target(%dma_start3A_379 : memref<100x64xi32, #tpu.memory_space<vmem>>) offsets(%dma_start3A_382 : memref<100xi32, #tpu.memory_space<vmem>>) semaphore(%arg10 : memref<!tpu.dma_semaphore, #tpu.memory_space<semaphore_mem>>)
      } else {
      }
      %dma_wait3A_231 = arith.constant 0 : i32
      %dma_wait3A_232 = arith.constant 4 : i32
      %dma_wait3A_233 = arith.constant 0 : i32
      %dma_wait3A_234 = arith.constant 0 : i32
      %dma_wait3A_235 = tpu.memref_slice %arg7[%dma_wait3A_232, %dma_wait3A_233, %dma_wait3A_234] : memref<8x100x64xi32, #tpu.memory_space<vmem>> -> memref<1x100x64xi32, #tpu.memory_space<vmem>>
      %dma_wait3A_236 = tpu.memref_squeeze %dma_wait3A_235 : memref<1x100x64xi32, #tpu.memory_space<vmem>> -> memref<100x64xi32, #tpu.memory_space<vmem>>
      %dma_wait3A_237 = arith.constant 0 : i32
      %dma_wait3A_238 = tpu.memref_slice %arg6[%dma_wait3A_231, %dma_wait3A_237] : memref<256x100xi32, #tpu.memory_space<vmem>> -> memref<1x100xi32, #tpu.memory_space<vmem>>
      %dma_wait3A_239 = tpu.memref_squeeze %dma_wait3A_238 : memref<1x100xi32, #tpu.memory_space<vmem>> -> memref<100xi32, #tpu.memory_space<vmem>>
      %dma_wait3A_240 = arith.constant 0 : i32
      %dma_wait3A_241 = arith.constant 0 : i32
      %dma_wait3A_242 = tpu.memref_slice %arg3[%dma_wait3A_240, %dma_wait3A_241] : memref<100000x64xi32, #tpu.memory_space<hbm>> -> memref<100000x64xi32, #tpu.memory_space<hbm>>
      tpu.wait_indirect_dma semaphore(%arg11 : memref<!tpu.dma_semaphore, #tpu.memory_space<semaphore_mem>>) src(%dma_wait3A_242 : memref<100000x64xi32, #tpu.memory_space<hbm>>) dst(%dma_wait3A_236 : memref<100x64xi32, #tpu.memory_space<vmem>>)
      %dma_wait3A_243 = arith.constant 0 : i32
      %dma_wait3A_244 = arith.constant 5 : i32
      %dma_wait3A_245 = arith.constant 0 : i32
      %dma_wait3A_246 = arith.constant 0 : i32
      %dma_wait3A_247 = tpu.memref_slice %arg7[%dma_wait3A_244, %dma_wait3A_245, %dma_wait3A_246] : memref<8x100x64xi32, #tpu.memory_space<vmem>> -> memref<1x100x64xi32, #tpu.memory_space<vmem>>
      %dma_wait3A_248 = tpu.memref_squeeze %dma_wait3A_247 : memref<1x100x64xi32, #tpu.memory_space<vmem>> -> memref<100x64xi32, #tpu.memory_space<vmem>>
      %dma_wait3A_249 = arith.constant 0 : i32
      %dma_wait3A_250 = tpu.memref_slice %arg6[%dma_wait3A_243, %dma_wait3A_249] : memref<256x100xi32, #tpu.memory_space<vmem>> -> memref<1x100xi32, #tpu.memory_space<vmem>>
      %dma_wait3A_251 = tpu.memref_squeeze %dma_wait3A_250 : memref<1x100xi32, #tpu.memory_space<vmem>> -> memref<100xi32, #tpu.memory_space<vmem>>
      %dma_wait3A_252 = arith.constant 0 : i32
      %dma_wait3A_253 = arith.constant 0 : i32
      %dma_wait3A_254 = tpu.memref_slice %arg3[%dma_wait3A_252, %dma_wait3A_253] : memref<100000x64xi32, #tpu.memory_space<hbm>> -> memref<100000x64xi32, #tpu.memory_space<hbm>>
      tpu.wait_indirect_dma semaphore(%arg11 : memref<!tpu.dma_semaphore, #tpu.memory_space<semaphore_mem>>) src(%dma_wait3A_254 : memref<100000x64xi32, #tpu.memory_space<hbm>>) dst(%dma_wait3A_248 : memref<100x64xi32, #tpu.memory_space<vmem>>)
      %broadcast_in_dim3A_255 = arith.constant 0.000000e+00 : f32
      %broadcast_in_dim3A_256 = vector.broadcast %broadcast_in_dim3A_255 : f32 to vector<16xf32>
      %scan3A_257 = arith.constant 4 : i32
      %scan3A_258 = arith.constant 5 : i32
      %scan3A_259 = arith.constant 0 : i32
      %scan3A_260 = arith.constant 50 : i32
      %scan3A_261 = arith.addi %scan3A_259, %scan3A_260 : i32
      %scan3A_262 = arith.constant 1 : i32
      %scan3A_263:8 = scf.for %scan3A_358 = %scan3A_259 to %scan3A_261 step %scan3A_262 iter_args(%scan3A_359 = %broadcast_in_dim3A_256, %scan3A_360 = %broadcast_in_dim3A_256, %scan3A_361 = %broadcast_in_dim3A_256, %scan3A_362 = %broadcast_in_dim3A_256, %scan3A_363 = %broadcast_in_dim3A_256, %scan3A_364 = %broadcast_in_dim3A_256, %scan3A_365 = %broadcast_in_dim3A_256, %scan3A_366 = %broadcast_in_dim3A_256) -> (vector<16xf32>, vector<16xf32>, vector<16xf32>, vector<16xf32>, vector<16xf32>, vector<16xf32>, vector<16xf32>, vector<16xf32>)  : i32 {
        %mul3A_367 = arith.constant 2 : i32
        %mul3A_368 = arith.muli %mul3A_367, %scan3A_358 : i32
        %add3A_369 = arith.constant 0 : i32
        %add3A_370 = arith.addi %mul3A_368, %add3A_369 : i32
        %get3A = arith.constant 0 : i32
        %get3A_371 = arith.constant 0 : i32
        %get3A_372 = tpu.memref_slice %arg7[%scan3A_257, %get3A, %get3A_371] : memref<8x100x64xi32, #tpu.memory_space<vmem>> -> memref<1x100x64xi32, #tpu.memory_space<vmem>>
        %get3A_373 = tpu.memref_squeeze %get3A_372 : memref<1x100x64xi32, #tpu.memory_space<vmem>> -> memref<100x64xi32, #tpu.memory_space<vmem>>
        %get3A_374 = arith.index_cast %add3A_370 : i32 to index
        %get3A_375 = arith.constant 0 : index
        %get3A_376 = tpu.vector_load %get3A_373[%get3A_374, %get3A_375] {strides = array<i32>} : memref<100x64xi32, #tpu.memory_space<vmem>>, vector<16xi32>,
        %bitcast3A = vector.bitcast %get3A_376 : vector<16xi32> to vector<32xbf16>
        %unpack3A = tpu.unpack_subelements %bitcast3A, 0 {pack_format = #tpu.pack_format<interleaved>} : vector<32xbf16> -> vector<16xf32>
        %unpack3A_377 = tpu.unpack_subelements %bitcast3A, 1 {pack_format = #tpu.pack_format<interleaved>} : vector<32xbf16> -> vector<16xf32>
        %add3A_378 = arith.addf %scan3A_359, %unpack3A : vector<16xf32>
        %add3A_379 = arith.addf %scan3A_360, %unpack3A_377 : vector<16xf32>
        %add3A_380 = arith.constant 0 : i32
        %add3A_381 = arith.addi %mul3A_368, %add3A_380 : i32
        %get3A_382 = arith.constant 0 : i32
        %get3A_383 = arith.constant 0 : i32
        %get3A_384 = tpu.memref_slice %arg7[%scan3A_257, %get3A_382, %get3A_383] : memref<8x100x64xi32, #tpu.memory_space<vmem>> -> memref<1x100x64xi32, #tpu.memory_space<vmem>>
        %get3A_385 = tpu.memref_squeeze %get3A_384 : memref<1x100x64xi32, #tpu.memory_space<vmem>> -> memref<100x64xi32, #tpu.memory_space<vmem>>
        %get3A_386 = arith.index_cast %add3A_381 : i32 to index
        %get3A_387 = arith.constant 16 : index
        %get3A_388 = tpu.vector_load %get3A_385[%get3A_386, %get3A_387] {strides = array<i32>} : memref<100x64xi32, #tpu.memory_space<vmem>>, vector<16xi32>,
        %bitcast3A_389 = vector.bitcast %get3A_388 : vector<16xi32> to vector<32xbf16>
        %unpack3A_390 = tpu.unpack_subelements %bitcast3A_389, 0 {pack_format = #tpu.pack_format<interleaved>} : vector<32xbf16> -> vector<16xf32>
        %unpack3A_391 = tpu.unpack_subelements %bitcast3A_389, 1 {pack_format = #tpu.pack_format<interleaved>} : vector<32xbf16> -> vector<16xf32>
        %add3A_392 = arith.addf %scan3A_361, %unpack3A_390 : vector<16xf32>
        %add3A_393 = arith.addf %scan3A_362, %unpack3A_391 : vector<16xf32>
        %add3A_394 = arith.constant 0 : i32
        %add3A_395 = arith.addi %mul3A_368, %add3A_394 : i32
        %get3A_396 = arith.constant 0 : i32
        %get3A_397 = arith.constant 0 : i32
        %get3A_398 = tpu.memref_slice %arg7[%scan3A_257, %get3A_396, %get3A_397] : memref<8x100x64xi32, #tpu.memory_space<vmem>> -> memref<1x100x64xi32, #tpu.memory_space<vmem>>
        %get3A_399 = tpu.memref_squeeze %get3A_398 : memref<1x100x64xi32, #tpu.memory_space<vmem>> -> memref<100x64xi32, #tpu.memory_space<vmem>>
        %get3A_400 = arith.index_cast %add3A_395 : i32 to index
        %get3A_401 = arith.constant 32 : index
        %get3A_402 = tpu.vector_load %get3A_399[%get3A_400, %get3A_401] {strides = array<i32>} : memref<100x64xi32, #tpu.memory_space<vmem>>, vector<16xi32>,
        %bitcast3A_403 = vector.bitcast %get3A_402 : vector<16xi32> to vector<32xbf16>
        %unpack3A_404 = tpu.unpack_subelements %bitcast3A_403, 0 {pack_format = #tpu.pack_format<interleaved>} : vector<32xbf16> -> vector<16xf32>
        %unpack3A_405 = tpu.unpack_subelements %bitcast3A_403, 1 {pack_format = #tpu.pack_format<interleaved>} : vector<32xbf16> -> vector<16xf32>
        %add3A_406 = arith.addf %scan3A_363, %unpack3A_404 : vector<16xf32>
        %add3A_407 = arith.addf %scan3A_364, %unpack3A_405 : vector<16xf32>
        %add3A_408 = arith.constant 0 : i32
        %add3A_409 = arith.addi %mul3A_368, %add3A_408 : i32
        %get3A_410 = arith.constant 0 : i32
        %get3A_411 = arith.constant 0 : i32
        %get3A_412 = tpu.memref_slice %arg7[%scan3A_257, %get3A_410, %get3A_411] : memref<8x100x64xi32, #tpu.memory_space<vmem>> -> memref<1x100x64xi32, #tpu.memory_space<vmem>>
        %get3A_413 = tpu.memref_squeeze %get3A_412 : memref<1x100x64xi32, #tpu.memory_space<vmem>> -> memref<100x64xi32, #tpu.memory_space<vmem>>
        %get3A_414 = arith.index_cast %add3A_409 : i32 to index
        %get3A_415 = arith.constant 34 : index
        %get3A_416 = tpu.vector_load %get3A_413[%get3A_414, %get3A_415] {strides = array<i32>} : memref<100x64xi32, #tpu.memory_space<vmem>>, vector<16xi32>,
        %bitcast3A_417 = vector.bitcast %get3A_416 : vector<16xi32> to vector<32xbf16>
        %unpack3A_418 = tpu.unpack_subelements %bitcast3A_417, 0 {pack_format = #tpu.pack_format<interleaved>} : vector<32xbf16> -> vector<16xf32>
        %unpack3A_419 = tpu.unpack_subelements %bitcast3A_417, 1 {pack_format = #tpu.pack_format<interleaved>} : vector<32xbf16> -> vector<16xf32>
        %add3A_420 = arith.addf %scan3A_365, %unpack3A_418 : vector<16xf32>
        %add3A_421 = arith.addf %scan3A_366, %unpack3A_419 : vector<16xf32>
        %add3A_422 = arith.constant 0 : i32
        %add3A_423 = arith.addi %mul3A_368, %add3A_422 : i32
        %get3A_424 = arith.constant 0 : i32
        %get3A_425 = arith.constant 0 : i32
        %get3A_426 = tpu.memref_slice %arg7[%scan3A_258, %get3A_424, %get3A_425] : memref<8x100x64xi32, #tpu.memory_space<vmem>> -> memref<1x100x64xi32, #tpu.memory_space<vmem>>
        %get3A_427 = tpu.memref_squeeze %get3A_426 : memref<1x100x64xi32, #tpu.memory_space<vmem>> -> memref<100x64xi32, #tpu.memory_space<vmem>>
        %get3A_428 = arith.index_cast %add3A_423 : i32 to index
        %get3A_429 = arith.constant 0 : index
        %get3A_430 = tpu.vector_load %get3A_427[%get3A_428, %get3A_429] {strides = array<i32>} : memref<100x64xi32, #tpu.memory_space<vmem>>, vector<16xi32>,
        %bitcast3A_431 = vector.bitcast %get3A_430 : vector<16xi32> to vector<32xbf16>
        %unpack3A_432 = tpu.unpack_subelements %bitcast3A_431, 0 {pack_format = #tpu.pack_format<interleaved>} : vector<32xbf16> -> vector<16xf32>
        %unpack3A_433 = tpu.unpack_subelements %bitcast3A_431, 1 {pack_format = #tpu.pack_format<interleaved>} : vector<32xbf16> -> vector<16xf32>
        %add3A_434 = arith.addf %add3A_378, %unpack3A_432 : vector<16xf32>
        %add3A_435 = arith.addf %add3A_379, %unpack3A_433 : vector<16xf32>
        %add3A_436 = arith.constant 0 : i32
        %add3A_437 = arith.addi %mul3A_368, %add3A_436 : i32
        %get3A_438 = arith.constant 0 : i32
        %get3A_439 = arith.constant 0 : i32
        %get3A_440 = tpu.memref_slice %arg7[%scan3A_258, %get3A_438, %get3A_439] : memref<8x100x64xi32, #tpu.memory_space<vmem>> -> memref<1x100x64xi32, #tpu.memory_space<vmem>>
        %get3A_441 = tpu.memref_squeeze %get3A_440 : memref<1x100x64xi32, #tpu.memory_space<vmem>> -> memref<100x64xi32, #tpu.memory_space<vmem>>
        %get3A_442 = arith.index_cast %add3A_437 : i32 to index
        %get3A_443 = arith.constant 16 : index
        %get3A_444 = tpu.vector_load %get3A_441[%get3A_442, %get3A_443] {strides = array<i32>} : memref<100x64xi32, #tpu.memory_space<vmem>>, vector<16xi32>,
        %bitcast3A_445 = vector.bitcast %get3A_444 : vector<16xi32> to vector<32xbf16>
        %unpack3A_446 = tpu.unpack_subelements %bitcast3A_445, 0 {pack_format = #tpu.pack_format<interleaved>} : vector<32xbf16> -> vector<16xf32>
        %unpack3A_447 = tpu.unpack_subelements %bitcast3A_445, 1 {pack_format = #tpu.pack_format<interleaved>} : vector<32xbf16> -> vector<16xf32>
        %add3A_448 = arith.addf %add3A_392, %unpack3A_446 : vector<16xf32>
        %add3A_449 = arith.addf %add3A_393, %unpack3A_447 : vector<16xf32>
        %add3A_450 = arith.constant 0 : i32
        %add3A_451 = arith.addi %mul3A_368, %add3A_450 : i32
        %get3A_452 = arith.constant 0 : i32
        %get3A_453 = arith.constant 0 : i32
        %get3A_454 = tpu.memref_slice %arg7[%scan3A_258, %get3A_452, %get3A_453] : memref<8x100x64xi32, #tpu.memory_space<vmem>> -> memref<1x100x64xi32, #tpu.memory_space<vmem>>
        %get3A_455 = tpu.memref_squeeze %get3A_454 : memref<1x100x64xi32, #tpu.memory_space<vmem>> -> memref<100x64xi32, #tpu.memory_space<vmem>>
        %get3A_456 = arith.index_cast %add3A_451 : i32 to index
        %get3A_457 = arith.constant 32 : index
        %get3A_458 = tpu.vector_load %get3A_455[%get3A_456, %get3A_457] {strides = array<i32>} : memref<100x64xi32, #tpu.memory_space<vmem>>, vector<16xi32>,
        %bitcast3A_459 = vector.bitcast %get3A_458 : vector<16xi32> to vector<32xbf16>
        %unpack3A_460 = tpu.unpack_subelements %bitcast3A_459, 0 {pack_format = #tpu.pack_format<interleaved>} : vector<32xbf16> -> vector<16xf32>
        %unpack3A_461 = tpu.unpack_subelements %bitcast3A_459, 1 {pack_format = #tpu.pack_format<interleaved>} : vector<32xbf16> -> vector<16xf32>
        %add3A_462 = arith.addf %add3A_406, %unpack3A_460 : vector<16xf32>
        %add3A_463 = arith.addf %add3A_407, %unpack3A_461 : vector<16xf32>
        %add3A_464 = arith.constant 0 : i32
        %add3A_465 = arith.addi %mul3A_368, %add3A_464 : i32
        %get3A_466 = arith.constant 0 : i32
        %get3A_467 = arith.constant 0 : i32
        %get3A_468 = tpu.memref_slice %arg7[%scan3A_258, %get3A_466, %get3A_467] : memref<8x100x64xi32, #tpu.memory_space<vmem>> -> memref<1x100x64xi32, #tpu.memory_space<vmem>>
        %get3A_469 = tpu.memref_squeeze %get3A_468 : memref<1x100x64xi32, #tpu.memory_space<vmem>> -> memref<100x64xi32, #tpu.memory_space<vmem>>
        %get3A_470 = arith.index_cast %add3A_465 : i32 to index
        %get3A_471 = arith.constant 34 : index
        %get3A_472 = tpu.vector_load %get3A_469[%get3A_470, %get3A_471] {strides = array<i32>} : memref<100x64xi32, #tpu.memory_space<vmem>>, vector<16xi32>,
        %bitcast3A_473 = vector.bitcast %get3A_472 : vector<16xi32> to vector<32xbf16>
        %unpack3A_474 = tpu.unpack_subelements %bitcast3A_473, 0 {pack_format = #tpu.pack_format<interleaved>} : vector<32xbf16> -> vector<16xf32>
        %unpack3A_475 = tpu.unpack_subelements %bitcast3A_473, 1 {pack_format = #tpu.pack_format<interleaved>} : vector<32xbf16> -> vector<16xf32>
        %add3A_476 = arith.addf %add3A_420, %unpack3A_474 : vector<16xf32>
        %add3A_477 = arith.addf %add3A_421, %unpack3A_475 : vector<16xf32>
        %add3A_478 = arith.constant 1 : i32
        %add3A_479 = arith.addi %mul3A_368, %add3A_478 : i32
        %get3A_480 = arith.constant 0 : i32
        %get3A_481 = arith.constant 0 : i32
        %get3A_482 = tpu.memref_slice %arg7[%scan3A_257, %get3A_480, %get3A_481] : memref<8x100x64xi32, #tpu.memory_space<vmem>> -> memref<1x100x64xi32, #tpu.memory_space<vmem>>
        %get3A_483 = tpu.memref_squeeze %get3A_482 : memref<1x100x64xi32, #tpu.memory_space<vmem>> -> memref<100x64xi32, #tpu.memory_space<vmem>>
        %get3A_484 = arith.index_cast %add3A_479 : i32 to index
        %get3A_485 = arith.constant 0 : index
        %get3A_486 = tpu.vector_load %get3A_483[%get3A_484, %get3A_485] {strides = array<i32>} : memref<100x64xi32, #tpu.memory_space<vmem>>, vector<16xi32>,
        %bitcast3A_487 = vector.bitcast %get3A_486 : vector<16xi32> to vector<32xbf16>
        %unpack3A_488 = tpu.unpack_subelements %bitcast3A_487, 0 {pack_format = #tpu.pack_format<interleaved>} : vector<32xbf16> -> vector<16xf32>
        %unpack3A_489 = tpu.unpack_subelements %bitcast3A_487, 1 {pack_format = #tpu.pack_format<interleaved>} : vector<32xbf16> -> vector<16xf32>
        %add3A_490 = arith.addf %add3A_434, %unpack3A_488 : vector<16xf32>
        %add3A_491 = arith.addf %add3A_435, %unpack3A_489 : vector<16xf32>
        %add3A_492 = arith.constant 1 : i32
        %add3A_493 = arith.addi %mul3A_368, %add3A_492 : i32
        %get3A_494 = arith.constant 0 : i32
        %get3A_495 = arith.constant 0 : i32
        %get3A_496 = tpu.memref_slice %arg7[%scan3A_257, %get3A_494, %get3A_495] : memref<8x100x64xi32, #tpu.memory_space<vmem>> -> memref<1x100x64xi32, #tpu.memory_space<vmem>>
        %get3A_497 = tpu.memref_squeeze %get3A_496 : memref<1x100x64xi32, #tpu.memory_space<vmem>> -> memref<100x64xi32, #tpu.memory_space<vmem>>
        %get3A_498 = arith.index_cast %add3A_493 : i32 to index
        %get3A_499 = arith.constant 16 : index
        %get3A_500 = tpu.vector_load %get3A_497[%get3A_498, %get3A_499] {strides = array<i32>} : memref<100x64xi32, #tpu.memory_space<vmem>>, vector<16xi32>,
        %bitcast3A_501 = vector.bitcast %get3A_500 : vector<16xi32> to vector<32xbf16>
        %unpack3A_502 = tpu.unpack_subelements %bitcast3A_501, 0 {pack_format = #tpu.pack_format<interleaved>} : vector<32xbf16> -> vector<16xf32>
        %unpack3A_503 = tpu.unpack_subelements %bitcast3A_501, 1 {pack_format = #tpu.pack_format<interleaved>} : vector<32xbf16> -> vector<16xf32>
        %add3A_504 = arith.addf %add3A_448, %unpack3A_502 : vector<16xf32>
        %add3A_505 = arith.addf %add3A_449, %unpack3A_503 : vector<16xf32>
        %add3A_506 = arith.constant 1 : i32
        %add3A_507 = arith.addi %mul3A_368, %add3A_506 : i32
        %get3A_508 = arith.constant 0 : i32
        %get3A_509 = arith.constant 0 : i32
        %get3A_510 = tpu.memref_slice %arg7[%scan3A_257, %get3A_508, %get3A_509] : memref<8x100x64xi32, #tpu.memory_space<vmem>> -> memref<1x100x64xi32, #tpu.memory_space<vmem>>
        %get3A_511 = tpu.memref_squeeze %get3A_510 : memref<1x100x64xi32, #tpu.memory_space<vmem>> -> memref<100x64xi32, #tpu.memory_space<vmem>>
        %get3A_512 = arith.index_cast %add3A_507 : i32 to index
        %get3A_513 = arith.constant 32 : index
        %get3A_514 = tpu.vector_load %get3A_511[%get3A_512, %get3A_513] {strides = array<i32>} : memref<100x64xi32, #tpu.memory_space<vmem>>, vector<16xi32>,
        %bitcast3A_515 = vector.bitcast %get3A_514 : vector<16xi32> to vector<32xbf16>
        %unpack3A_516 = tpu.unpack_subelements %bitcast3A_515, 0 {pack_format = #tpu.pack_format<interleaved>} : vector<32xbf16> -> vector<16xf32>
        %unpack3A_517 = tpu.unpack_subelements %bitcast3A_515, 1 {pack_format = #tpu.pack_format<interleaved>} : vector<32xbf16> -> vector<16xf32>
        %add3A_518 = arith.addf %add3A_462, %unpack3A_516 : vector<16xf32>
        %add3A_519 = arith.addf %add3A_463, %unpack3A_517 : vector<16xf32>
        %add3A_520 = arith.constant 1 : i32
        %add3A_521 = arith.addi %mul3A_368, %add3A_520 : i32
        %get3A_522 = arith.constant 0 : i32
        %get3A_523 = arith.constant 0 : i32
        %get3A_524 = tpu.memref_slice %arg7[%scan3A_257, %get3A_522, %get3A_523] : memref<8x100x64xi32, #tpu.memory_space<vmem>> -> memref<1x100x64xi32, #tpu.memory_space<vmem>>
        %get3A_525 = tpu.memref_squeeze %get3A_524 : memref<1x100x64xi32, #tpu.memory_space<vmem>> -> memref<100x64xi32, #tpu.memory_space<vmem>>
        %get3A_526 = arith.index_cast %add3A_521 : i32 to index
        %get3A_527 = arith.constant 34 : index
        %get3A_528 = tpu.vector_load %get3A_525[%get3A_526, %get3A_527] {strides = array<i32>} : memref<100x64xi32, #tpu.memory_space<vmem>>, vector<16xi32>,
        %bitcast3A_529 = vector.bitcast %get3A_528 : vector<16xi32> to vector<32xbf16>
        %unpack3A_530 = tpu.unpack_subelements %bitcast3A_529, 0 {pack_format = #tpu.pack_format<interleaved>} : vector<32xbf16> -> vector<16xf32>
        %unpack3A_531 = tpu.unpack_subelements %bitcast3A_529, 1 {pack_format = #tpu.pack_format<interleaved>} : vector<32xbf16> -> vector<16xf32>
        %add3A_532 = arith.addf %add3A_476, %unpack3A_530 : vector<16xf32>
        %add3A_533 = arith.addf %add3A_477, %unpack3A_531 : vector<16xf32>
        %add3A_534 = arith.constant 1 : i32
        %add3A_535 = arith.addi %mul3A_368, %add3A_534 : i32
        %get3A_536 = arith.constant 0 : i32
        %get3A_537 = arith.constant 0 : i32
        %get3A_538 = tpu.memref_slice %arg7[%scan3A_258, %get3A_536, %get3A_537] : memref<8x100x64xi32, #tpu.memory_space<vmem>> -> memref<1x100x64xi32, #tpu.memory_space<vmem>>
        %get3A_539 = tpu.memref_squeeze %get3A_538 : memref<1x100x64xi32, #tpu.memory_space<vmem>> -> memref<100x64xi32, #tpu.memory_space<vmem>>
        %get3A_540 = arith.index_cast %add3A_535 : i32 to index
        %get3A_541 = arith.constant 0 : index
        %get3A_542 = tpu.vector_load %get3A_539[%get3A_540, %get3A_541] {strides = array<i32>} : memref<100x64xi32, #tpu.memory_space<vmem>>, vector<16xi32>,
        %bitcast3A_543 = vector.bitcast %get3A_542 : vector<16xi32> to vector<32xbf16>
        %unpack3A_544 = tpu.unpack_subelements %bitcast3A_543, 0 {pack_format = #tpu.pack_format<interleaved>} : vector<32xbf16> -> vector<16xf32>
        %unpack3A_545 = tpu.unpack_subelements %bitcast3A_543, 1 {pack_format = #tpu.pack_format<interleaved>} : vector<32xbf16> -> vector<16xf32>
        %add3A_546 = arith.addf %add3A_490, %unpack3A_544 : vector<16xf32>
        %add3A_547 = arith.addf %add3A_491, %unpack3A_545 : vector<16xf32>
        %add3A_548 = arith.constant 1 : i32
        %add3A_549 = arith.addi %mul3A_368, %add3A_548 : i32
        %get3A_550 = arith.constant 0 : i32
        %get3A_551 = arith.constant 0 : i32
        %get3A_552 = tpu.memref_slice %arg7[%scan3A_258, %get3A_550, %get3A_551] : memref<8x100x64xi32, #tpu.memory_space<vmem>> -> memref<1x100x64xi32, #tpu.memory_space<vmem>>
        %get3A_553 = tpu.memref_squeeze %get3A_552 : memref<1x100x64xi32, #tpu.memory_space<vmem>> -> memref<100x64xi32, #tpu.memory_space<vmem>>
        %get3A_554 = arith.index_cast %add3A_549 : i32 to index
        %get3A_555 = arith.constant 16 : index
        %get3A_556 = tpu.vector_load %get3A_553[%get3A_554, %get3A_555] {strides = array<i32>} : memref<100x64xi32, #tpu.memory_space<vmem>>, vector<16xi32>,
        %bitcast3A_557 = vector.bitcast %get3A_556 : vector<16xi32> to vector<32xbf16>
        %unpack3A_558 = tpu.unpack_subelements %bitcast3A_557, 0 {pack_format = #tpu.pack_format<interleaved>} : vector<32xbf16> -> vector<16xf32>
        %unpack3A_559 = tpu.unpack_subelements %bitcast3A_557, 1 {pack_format = #tpu.pack_format<interleaved>} : vector<32xbf16> -> vector<16xf32>
        %add3A_560 = arith.addf %add3A_504, %unpack3A_558 : vector<16xf32>
        %add3A_561 = arith.addf %add3A_505, %unpack3A_559 : vector<16xf32>
        %add3A_562 = arith.constant 1 : i32
        %add3A_563 = arith.addi %mul3A_368, %add3A_562 : i32
        %get3A_564 = arith.constant 0 : i32
        %get3A_565 = arith.constant 0 : i32
        %get3A_566 = tpu.memref_slice %arg7[%scan3A_258, %get3A_564, %get3A_565] : memref<8x100x64xi32, #tpu.memory_space<vmem>> -> memref<1x100x64xi32, #tpu.memory_space<vmem>>
        %get3A_567 = tpu.memref_squeeze %get3A_566 : memref<1x100x64xi32, #tpu.memory_space<vmem>> -> memref<100x64xi32, #tpu.memory_space<vmem>>
        %get3A_568 = arith.index_cast %add3A_563 : i32 to index
        %get3A_569 = arith.constant 32 : index
        %get3A_570 = tpu.vector_load %get3A_567[%get3A_568, %get3A_569] {strides = array<i32>} : memref<100x64xi32, #tpu.memory_space<vmem>>, vector<16xi32>,
        %bitcast3A_571 = vector.bitcast %get3A_570 : vector<16xi32> to vector<32xbf16>
        %unpack3A_572 = tpu.unpack_subelements %bitcast3A_571, 0 {pack_format = #tpu.pack_format<interleaved>} : vector<32xbf16> -> vector<16xf32>
        %unpack3A_573 = tpu.unpack_subelements %bitcast3A_571, 1 {pack_format = #tpu.pack_format<interleaved>} : vector<32xbf16> -> vector<16xf32>
        %add3A_574 = arith.addf %add3A_518, %unpack3A_572 : vector<16xf32>
        %add3A_575 = arith.addf %add3A_519, %unpack3A_573 : vector<16xf32>
        %add3A_576 = arith.constant 1 : i32
        %add3A_577 = arith.addi %mul3A_368, %add3A_576 : i32
        %get3A_578 = arith.constant 0 : i32
        %get3A_579 = arith.constant 0 : i32
        %get3A_580 = tpu.memref_slice %arg7[%scan3A_258, %get3A_578, %get3A_579] : memref<8x100x64xi32, #tpu.memory_space<vmem>> -> memref<1x100x64xi32, #tpu.memory_space<vmem>>
        %get3A_581 = tpu.memref_squeeze %get3A_580 : memref<1x100x64xi32, #tpu.memory_space<vmem>> -> memref<100x64xi32, #tpu.memory_space<vmem>>
        %get3A_582 = arith.index_cast %add3A_577 : i32 to index
        %get3A_583 = arith.constant 34 : index
        %get3A_584 = tpu.vector_load %get3A_581[%get3A_582, %get3A_583] {strides = array<i32>} : memref<100x64xi32, #tpu.memory_space<vmem>>, vector<16xi32>,
        %bitcast3A_585 = vector.bitcast %get3A_584 : vector<16xi32> to vector<32xbf16>
        %unpack3A_586 = tpu.unpack_subelements %bitcast3A_585, 0 {pack_format = #tpu.pack_format<interleaved>} : vector<32xbf16> -> vector<16xf32>
        %unpack3A_587 = tpu.unpack_subelements %bitcast3A_585, 1 {pack_format = #tpu.pack_format<interleaved>} : vector<32xbf16> -> vector<16xf32>
        %add3A_588 = arith.addf %add3A_532, %unpack3A_586 : vector<16xf32>
        %add3A_589 = arith.addf %add3A_533, %unpack3A_587 : vector<16xf32>
        scf.yield %add3A_546, %add3A_547, %add3A_560, %add3A_561, %add3A_574, %add3A_575, %add3A_588, %add3A_589 : vector<16xf32>, vector<16xf32>, vector<16xf32>, vector<16xf32>, vector<16xf32>, vector<16xf32>, vector<16xf32>, vector<16xf32>
      }
      %scan3A_264 = arith.constant 50 : i32
      %swap3A_265 = arith.index_cast %add3A_223 : i32 to index
      %swap3A_266 = arith.constant 0 : index
      %swap3A_267 = tpu.vector_load %arg8[%swap3A_265, %swap3A_266] {strides = array<i32>} : memref<128x128xf32, #tpu.memory_space<vmem>>, vector<16xf32>,
      tpu.vector_store %arg8[%swap3A_265, %swap3A_266], %scan3A_263#0 {strides = array<i32>} : memref<128x128xf32, #tpu.memory_space<vmem>>, vector<16xf32>,
      %swap3A_268 = arith.index_cast %add3A_223 : i32 to index
      %swap3A_269 = arith.constant 50 : index
      %swap3A_270 = tpu.vector_load %arg8[%swap3A_268, %swap3A_269] {strides = array<i32>} : memref<128x128xf32, #tpu.memory_space<vmem>>, vector<16xf32>,
      tpu.vector_store %arg8[%swap3A_268, %swap3A_269], %scan3A_263#1 {strides = array<i32>} : memref<128x128xf32, #tpu.memory_space<vmem>>, vector<16xf32>,
      %swap3A_271 = arith.index_cast %add3A_223 : i32 to index
      %swap3A_272 = arith.constant 16 : index
      %swap3A_273 = tpu.vector_load %arg8[%swap3A_271, %swap3A_272] {strides = array<i32>} : memref<128x128xf32, #tpu.memory_space<vmem>>, vector<16xf32>,
      tpu.vector_store %arg8[%swap3A_271, %swap3A_272], %scan3A_263#2 {strides = array<i32>} : memref<128x128xf32, #tpu.memory_space<vmem>>, vector<16xf32>,
      %swap3A_274 = arith.index_cast %add3A_223 : i32 to index
      %swap3A_275 = arith.constant 66 : index
      %swap3A_276 = tpu.vector_load %arg8[%swap3A_274, %swap3A_275] {strides = array<i32>} : memref<128x128xf32, #tpu.memory_space<vmem>>, vector<16xf32>,
      tpu.vector_store %arg8[%swap3A_274, %swap3A_275], %scan3A_263#3 {strides = array<i32>} : memref<128x128xf32, #tpu.memory_space<vmem>>, vector<16xf32>,
      %swap3A_277 = arith.index_cast %add3A_223 : i32 to index
      %swap3A_278 = arith.constant 32 : index
      %swap3A_279 = tpu.vector_load %arg8[%swap3A_277, %swap3A_278] {strides = array<i32>} : memref<128x128xf32, #tpu.memory_space<vmem>>, vector<16xf32>,
      tpu.vector_store %arg8[%swap3A_277, %swap3A_278], %scan3A_263#4 {strides = array<i32>} : memref<128x128xf32, #tpu.memory_space<vmem>>, vector<16xf32>,
      %swap3A_280 = arith.index_cast %add3A_223 : i32 to index
      %swap3A_281 = arith.constant 82 : index
      %swap3A_282 = tpu.vector_load %arg8[%swap3A_280, %swap3A_281] {strides = array<i32>} : memref<128x128xf32, #tpu.memory_space<vmem>>, vector<16xf32>,
      tpu.vector_store %arg8[%swap3A_280, %swap3A_281], %scan3A_263#5 {strides = array<i32>} : memref<128x128xf32, #tpu.memory_space<vmem>>, vector<16xf32>,
      %swap3A_283 = arith.index_cast %add3A_223 : i32 to index
      %swap3A_284 = arith.constant 34 : index
      %swap3A_285 = tpu.vector_load %arg8[%swap3A_283, %swap3A_284] {strides = array<i32>} : memref<128x128xf32, #tpu.memory_space<vmem>>, vector<16xf32>,
      tpu.vector_store %arg8[%swap3A_283, %swap3A_284], %scan3A_263#6 {strides = array<i32>} : memref<128x128xf32, #tpu.memory_space<vmem>>, vector<16xf32>,
      %swap3A_286 = arith.index_cast %add3A_223 : i32 to index
      %swap3A_287 = arith.constant 84 : index
      %swap3A_288 = tpu.vector_load %arg8[%swap3A_286, %swap3A_287] {strides = array<i32>} : memref<128x128xf32, #tpu.memory_space<vmem>>, vector<16xf32>,
      tpu.vector_store %arg8[%swap3A_286, %swap3A_287], %scan3A_263#7 {strides = array<i32>} : memref<128x128xf32, #tpu.memory_space<vmem>>, vector<16xf32>,
      %mul3A_289 = arith.constant 4 : i32
      %mul3A_290 = arith.muli %mul3A_289, %scan3A_87 : i32
      %add3A_291 = arith.constant 3 : i32
      %add3A_292 = arith.addi %mul3A_290, %add3A_291 : i32
      %add3A_293 = arith.constant 3 : i32
      %add3A_294 = arith.addi %add3A_292, %add3A_293 : i32
      %lt3A_295 = arith.constant 128 : i32
      %lt3A_296 = arith.cmpi slt, %add3A_294, %lt3A_295 : i32
      %convert_element_type3A_297 = arith.extui %lt3A_296 : i1 to i32
      %cond3A_298 = arith.constant 0 : i32
      %cond3A_299 = arith.cmpi ne, %convert_element_type3A_297, %cond3A_298 : i32
      scf.if %cond3A_299 {
        %add3A_358 = arith.constant 3 : i32
        %add3A_359 = arith.addi %add3A_292, %add3A_358 : i32
        %mul3A_360 = arith.constant 2 : i32
        %mul3A_361 = arith.muli %mul3A_360, %add3A_359 : i32
        %dma_start3A_362 = arith.constant 4 : i32
        %dma_start3A_363 = arith.constant 0 : i32
        %dma_start3A_364 = arith.constant 0 : i32
        %dma_start3A_365 = tpu.memref_slice %arg7[%dma_start3A_362, %dma_start3A_363, %dma_start3A_364] : memref<8x100x64xi32, #tpu.memory_space<vmem>> -> memref<1x100x64xi32, #tpu.memory_space<vmem>>
        %dma_start3A_366 = tpu.memref_squeeze %dma_start3A_365 : memref<1x100x64xi32, #tpu.memory_space<vmem>> -> memref<100x64xi32, #tpu.memory_space<vmem>>
        %dma_start3A_367 = arith.constant 0 : i32
        %dma_start3A_368 = tpu.memref_slice %arg6[%mul3A_361, %dma_start3A_367] : memref<256x100xi32, #tpu.memory_space<vmem>> -> memref<1x100xi32, #tpu.memory_space<vmem>>
        %dma_start3A_369 = tpu.memref_squeeze %dma_start3A_368 : memref<1x100xi32, #tpu.memory_space<vmem>> -> memref<100xi32, #tpu.memory_space<vmem>>
        %dma_start3A_370 = arith.constant 0 : i32
        %dma_start3A_371 = arith.constant 0 : i32
        %dma_start3A_372 = tpu.memref_slice %arg3[%dma_start3A_370, %dma_start3A_371] : memref<100000x64xi32, #tpu.memory_space<hbm>> -> memref<100000x64xi32, #tpu.memory_space<hbm>>
        tpu.enqueue_indirect_dma source(%dma_start3A_372 : memref<100000x64xi32, #tpu.memory_space<hbm>>) target(%dma_start3A_366 : memref<100x64xi32, #tpu.memory_space<vmem>>) offsets(%dma_start3A_369 : memref<100xi32, #tpu.memory_space<vmem>>) semaphore(%arg11 : memref<!tpu.dma_semaphore, #tpu.memory_space<semaphore_mem>>)
        %add3A_373 = arith.constant 1 : i32
        %add3A_374 = arith.addi %mul3A_361, %add3A_373 : i32
        %dma_start3A_375 = arith.constant 5 : i32
        %dma_start3A_376 = arith.constant 0 : i32
        %dma_start3A_377 = arith.constant 0 : i32
        %dma_start3A_378 = tpu.memref_slice %arg7[%dma_start3A_375, %dma_start3A_376, %dma_start3A_377] : memref<8x100x64xi32, #tpu.memory_space<vmem>> -> memref<1x100x64xi32, #tpu.memory_space<vmem>>
        %dma_start3A_379 = tpu.memref_squeeze %dma_start3A_378 : memref<1x100x64xi32, #tpu.memory_space<vmem>> -> memref<100x64xi32, #tpu.memory_space<vmem>>
        %dma_start3A_380 = arith.constant 0 : i32
        %dma_start3A_381 = tpu.memref_slice %arg6[%add3A_374, %dma_start3A_380] : memref<256x100xi32, #tpu.memory_space<vmem>> -> memref<1x100xi32, #tpu.memory_space<vmem>>
        %dma_start3A_382 = tpu.memref_squeeze %dma_start3A_381 : memref<1x100xi32, #tpu.memory_space<vmem>> -> memref<100xi32, #tpu.memory_space<vmem>>
        %dma_start3A_383 = arith.constant 0 : i32
        %dma_start3A_384 = arith.constant 0 : i32
        %dma_start3A_385 = tpu.memref_slice %arg3[%dma_start3A_383, %dma_start3A_384] : memref<100000x64xi32, #tpu.memory_space<hbm>> -> memref<100000x64xi32, #tpu.memory_space<hbm>>
        tpu.enqueue_indirect_dma source(%dma_start3A_385 : memref<100000x64xi32, #tpu.memory_space<hbm>>) target(%dma_start3A_379 : memref<100x64xi32, #tpu.memory_space<vmem>>) offsets(%dma_start3A_382 : memref<100xi32, #tpu.memory_space<vmem>>) semaphore(%arg11 : memref<!tpu.dma_semaphore, #tpu.memory_space<semaphore_mem>>)
      } else {
      }
      %dma_wait3A_300 = arith.constant 0 : i32
      %dma_wait3A_301 = arith.constant 6 : i32
      %dma_wait3A_302 = arith.constant 0 : i32
      %dma_wait3A_303 = arith.constant 0 : i32
      %dma_wait3A_304 = tpu.memref_slice %arg7[%dma_wait3A_301, %dma_wait3A_302, %dma_wait3A_303] : memref<8x100x64xi32, #tpu.memory_space<vmem>> -> memref<1x100x64xi32, #tpu.memory_space<vmem>>
      %dma_wait3A_305 = tpu.memref_squeeze %dma_wait3A_304 : memref<1x100x64xi32, #tpu.memory_space<vmem>> -> memref<100x64xi32, #tpu.memory_space<vmem>>
      %dma_wait3A_306 = arith.constant 0 : i32
      %dma_wait3A_307 = tpu.memref_slice %arg6[%dma_wait3A_300, %dma_wait3A_306] : memref<256x100xi32, #tpu.memory_space<vmem>> -> memref<1x100xi32, #tpu.memory_space<vmem>>
      %dma_wait3A_308 = tpu.memref_squeeze %dma_wait3A_307 : memref<1x100xi32, #tpu.memory_space<vmem>> -> memref<100xi32, #tpu.memory_space<vmem>>
      %dma_wait3A_309 = arith.constant 0 : i32
      %dma_wait3A_310 = arith.constant 0 : i32
      %dma_wait3A_311 = tpu.memref_slice %arg3[%dma_wait3A_309, %dma_wait3A_310] : memref<100000x64xi32, #tpu.memory_space<hbm>> -> memref<100000x64xi32, #tpu.memory_space<hbm>>
      tpu.wait_indirect_dma semaphore(%arg12 : memref<!tpu.dma_semaphore, #tpu.memory_space<semaphore_mem>>) src(%dma_wait3A_311 : memref<100000x64xi32, #tpu.memory_space<hbm>>) dst(%dma_wait3A_305 : memref<100x64xi32, #tpu.memory_space<vmem>>)
      %dma_wait3A_312 = arith.constant 0 : i32
      %dma_wait3A_313 = arith.constant 7 : i32
      %dma_wait3A_314 = arith.constant 0 : i32
      %dma_wait3A_315 = arith.constant 0 : i32
      %dma_wait3A_316 = tpu.memref_slice %arg7[%dma_wait3A_313, %dma_wait3A_314, %dma_wait3A_315] : memref<8x100x64xi32, #tpu.memory_space<vmem>> -> memref<1x100x64xi32, #tpu.memory_space<vmem>>
      %dma_wait3A_317 = tpu.memref_squeeze %dma_wait3A_316 : memref<1x100x64xi32, #tpu.memory_space<vmem>> -> memref<100x64xi32, #tpu.memory_space<vmem>>
      %dma_wait3A_318 = arith.constant 0 : i32
      %dma_wait3A_319 = tpu.memref_slice %arg6[%dma_wait3A_312, %dma_wait3A_318] : memref<256x100xi32, #tpu.memory_space<vmem>> -> memref<1x100xi32, #tpu.memory_space<vmem>>
      %dma_wait3A_320 = tpu.memref_squeeze %dma_wait3A_319 : memref<1x100xi32, #tpu.memory_space<vmem>> -> memref<100xi32, #tpu.memory_space<vmem>>
      %dma_wait3A_321 = arith.constant 0 : i32
      %dma_wait3A_322 = arith.constant 0 : i32
      %dma_wait3A_323 = tpu.memref_slice %arg3[%dma_wait3A_321, %dma_wait3A_322] : memref<100000x64xi32, #tpu.memory_space<hbm>> -> memref<100000x64xi32, #tpu.memory_space<hbm>>
      tpu.wait_indirect_dma semaphore(%arg12 : memref<!tpu.dma_semaphore, #tpu.memory_space<semaphore_mem>>) src(%dma_wait3A_323 : memref<100000x64xi32, #tpu.memory_space<hbm>>) dst(%dma_wait3A_317 : memref<100x64xi32, #tpu.memory_space<vmem>>)
      %broadcast_in_dim3A_324 = arith.constant 0.000000e+00 : f32
      %broadcast_in_dim3A_325 = vector.broadcast %broadcast_in_dim3A_324 : f32 to vector<16xf32>
      %scan3A_326 = arith.constant 6 : i32
      %scan3A_327 = arith.constant 7 : i32
      %scan3A_328 = arith.constant 0 : i32
      %scan3A_329 = arith.constant 50 : i32
      %scan3A_330 = arith.addi %scan3A_328, %scan3A_329 : i32
      %scan3A_331 = arith.constant 1 : i32
      %scan3A_332:8 = scf.for %scan3A_358 = %scan3A_328 to %scan3A_330 step %scan3A_331 iter_args(%scan3A_359 = %broadcast_in_dim3A_325, %scan3A_360 = %broadcast_in_dim3A_325, %scan3A_361 = %broadcast_in_dim3A_325, %scan3A_362 = %broadcast_in_dim3A_325, %scan3A_363 = %broadcast_in_dim3A_325, %scan3A_364 = %broadcast_in_dim3A_325, %scan3A_365 = %broadcast_in_dim3A_325, %scan3A_366 = %broadcast_in_dim3A_325) -> (vector<16xf32>, vector<16xf32>, vector<16xf32>, vector<16xf32>, vector<16xf32>, vector<16xf32>, vector<16xf32>, vector<16xf32>)  : i32 {
        %mul3A_367 = arith.constant 2 : i32
        %mul3A_368 = arith.muli %mul3A_367, %scan3A_358 : i32
        %add3A_369 = arith.constant 0 : i32
        %add3A_370 = arith.addi %mul3A_368, %add3A_369 : i32
        %get3A = arith.constant 0 : i32
        %get3A_371 = arith.constant 0 : i32
        %get3A_372 = tpu.memref_slice %arg7[%scan3A_326, %get3A, %get3A_371] : memref<8x100x64xi32, #tpu.memory_space<vmem>> -> memref<1x100x64xi32, #tpu.memory_space<vmem>>
        %get3A_373 = tpu.memref_squeeze %get3A_372 : memref<1x100x64xi32, #tpu.memory_space<vmem>> -> memref<100x64xi32, #tpu.memory_space<vmem>>
        %get3A_374 = arith.index_cast %add3A_370 : i32 to index
        %get3A_375 = arith.constant 0 : index
        %get3A_376 = tpu.vector_load %get3A_373[%get3A_374, %get3A_375] {strides = array<i32>} : memref<100x64xi32, #tpu.memory_space<vmem>>, vector<16xi32>,
        %bitcast3A = vector.bitcast %get3A_376 : vector<16xi32> to vector<32xbf16>
        %unpack3A = tpu.unpack_subelements %bitcast3A, 0 {pack_format = #tpu.pack_format<interleaved>} : vector<32xbf16> -> vector<16xf32>
        %unpack3A_377 = tpu.unpack_subelements %bitcast3A, 1 {pack_format = #tpu.pack_format<interleaved>} : vector<32xbf16> -> vector<16xf32>
        %add3A_378 = arith.addf %scan3A_359, %unpack3A : vector<16xf32>
        %add3A_379 = arith.addf %scan3A_360, %unpack3A_377 : vector<16xf32>
        %add3A_380 = arith.constant 0 : i32
        %add3A_381 = arith.addi %mul3A_368, %add3A_380 : i32
        %get3A_382 = arith.constant 0 : i32
        %get3A_383 = arith.constant 0 : i32
        %get3A_384 = tpu.memref_slice %arg7[%scan3A_326, %get3A_382, %get3A_383] : memref<8x100x64xi32, #tpu.memory_space<vmem>> -> memref<1x100x64xi32, #tpu.memory_space<vmem>>
        %get3A_385 = tpu.memref_squeeze %get3A_384 : memref<1x100x64xi32, #tpu.memory_space<vmem>> -> memref<100x64xi32, #tpu.memory_space<vmem>>
        %get3A_386 = arith.index_cast %add3A_381 : i32 to index
        %get3A_387 = arith.constant 16 : index
        %get3A_388 = tpu.vector_load %get3A_385[%get3A_386, %get3A_387] {strides = array<i32>} : memref<100x64xi32, #tpu.memory_space<vmem>>, vector<16xi32>,
        %bitcast3A_389 = vector.bitcast %get3A_388 : vector<16xi32> to vector<32xbf16>
        %unpack3A_390 = tpu.unpack_subelements %bitcast3A_389, 0 {pack_format = #tpu.pack_format<interleaved>} : vector<32xbf16> -> vector<16xf32>
        %unpack3A_391 = tpu.unpack_subelements %bitcast3A_389, 1 {pack_format = #tpu.pack_format<interleaved>} : vector<32xbf16> -> vector<16xf32>
        %add3A_392 = arith.addf %scan3A_361, %unpack3A_390 : vector<16xf32>
        %add3A_393 = arith.addf %scan3A_362, %unpack3A_391 : vector<16xf32>
        %add3A_394 = arith.constant 0 : i32
        %add3A_395 = arith.addi %mul3A_368, %add3A_394 : i32
        %get3A_396 = arith.constant 0 : i32
        %get3A_397 = arith.constant 0 : i32
        %get3A_398 = tpu.memref_slice %arg7[%scan3A_326, %get3A_396, %get3A_397] : memref<8x100x64xi32, #tpu.memory_space<vmem>> -> memref<1x100x64xi32, #tpu.memory_space<vmem>>
        %get3A_399 = tpu.memref_squeeze %get3A_398 : memref<1x100x64xi32, #tpu.memory_space<vmem>> -> memref<100x64xi32, #tpu.memory_space<vmem>>
        %get3A_400 = arith.index_cast %add3A_395 : i32 to index
        %get3A_401 = arith.constant 32 : index
        %get3A_402 = tpu.vector_load %get3A_399[%get3A_400, %get3A_401] {strides = array<i32>} : memref<100x64xi32, #tpu.memory_space<vmem>>, vector<16xi32>,
        %bitcast3A_403 = vector.bitcast %get3A_402 : vector<16xi32> to vector<32xbf16>
        %unpack3A_404 = tpu.unpack_subelements %bitcast3A_403, 0 {pack_format = #tpu.pack_format<interleaved>} : vector<32xbf16> -> vector<16xf32>
        %unpack3A_405 = tpu.unpack_subelements %bitcast3A_403, 1 {pack_format = #tpu.pack_format<interleaved>} : vector<32xbf16> -> vector<16xf32>
        %add3A_406 = arith.addf %scan3A_363, %unpack3A_404 : vector<16xf32>
        %add3A_407 = arith.addf %scan3A_364, %unpack3A_405 : vector<16xf32>
        %add3A_408 = arith.constant 0 : i32
        %add3A_409 = arith.addi %mul3A_368, %add3A_408 : i32
        %get3A_410 = arith.constant 0 : i32
        %get3A_411 = arith.constant 0 : i32
        %get3A_412 = tpu.memref_slice %arg7[%scan3A_326, %get3A_410, %get3A_411] : memref<8x100x64xi32, #tpu.memory_space<vmem>> -> memref<1x100x64xi32, #tpu.memory_space<vmem>>
        %get3A_413 = tpu.memref_squeeze %get3A_412 : memref<1x100x64xi32, #tpu.memory_space<vmem>> -> memref<100x64xi32, #tpu.memory_space<vmem>>
        %get3A_414 = arith.index_cast %add3A_409 : i32 to index
        %get3A_415 = arith.constant 34 : index
        %get3A_416 = tpu.vector_load %get3A_413[%get3A_414, %get3A_415] {strides = array<i32>} : memref<100x64xi32, #tpu.memory_space<vmem>>, vector<16xi32>,
        %bitcast3A_417 = vector.bitcast %get3A_416 : vector<16xi32> to vector<32xbf16>
        %unpack3A_418 = tpu.unpack_subelements %bitcast3A_417, 0 {pack_format = #tpu.pack_format<interleaved>} : vector<32xbf16> -> vector<16xf32>
        %unpack3A_419 = tpu.unpack_subelements %bitcast3A_417, 1 {pack_format = #tpu.pack_format<interleaved>} : vector<32xbf16> -> vector<16xf32>
        %add3A_420 = arith.addf %scan3A_365, %unpack3A_418 : vector<16xf32>
        %add3A_421 = arith.addf %scan3A_366, %unpack3A_419 : vector<16xf32>
        %add3A_422 = arith.constant 0 : i32
        %add3A_423 = arith.addi %mul3A_368, %add3A_422 : i32
        %get3A_424 = arith.constant 0 : i32
        %get3A_425 = arith.constant 0 : i32
        %get3A_426 = tpu.memref_slice %arg7[%scan3A_327, %get3A_424, %get3A_425] : memref<8x100x64xi32, #tpu.memory_space<vmem>> -> memref<1x100x64xi32, #tpu.memory_space<vmem>>
        %get3A_427 = tpu.memref_squeeze %get3A_426 : memref<1x100x64xi32, #tpu.memory_space<vmem>> -> memref<100x64xi32, #tpu.memory_space<vmem>>
        %get3A_428 = arith.index_cast %add3A_423 : i32 to index
        %get3A_429 = arith.constant 0 : index
        %get3A_430 = tpu.vector_load %get3A_427[%get3A_428, %get3A_429] {strides = array<i32>} : memref<100x64xi32, #tpu.memory_space<vmem>>, vector<16xi32>,
        %bitcast3A_431 = vector.bitcast %get3A_430 : vector<16xi32> to vector<32xbf16>
        %unpack3A_432 = tpu.unpack_subelements %bitcast3A_431, 0 {pack_format = #tpu.pack_format<interleaved>} : vector<32xbf16> -> vector<16xf32>
        %unpack3A_433 = tpu.unpack_subelements %bitcast3A_431, 1 {pack_format = #tpu.pack_format<interleaved>} : vector<32xbf16> -> vector<16xf32>
        %add3A_434 = arith.addf %add3A_378, %unpack3A_432 : vector<16xf32>
        %add3A_435 = arith.addf %add3A_379, %unpack3A_433 : vector<16xf32>
        %add3A_436 = arith.constant 0 : i32
        %add3A_437 = arith.addi %mul3A_368, %add3A_436 : i32
        %get3A_438 = arith.constant 0 : i32
        %get3A_439 = arith.constant 0 : i32
        %get3A_440 = tpu.memref_slice %arg7[%scan3A_327, %get3A_438, %get3A_439] : memref<8x100x64xi32, #tpu.memory_space<vmem>> -> memref<1x100x64xi32, #tpu.memory_space<vmem>>
        %get3A_441 = tpu.memref_squeeze %get3A_440 : memref<1x100x64xi32, #tpu.memory_space<vmem>> -> memref<100x64xi32, #tpu.memory_space<vmem>>
        %get3A_442 = arith.index_cast %add3A_437 : i32 to index
        %get3A_443 = arith.constant 16 : index
        %get3A_444 = tpu.vector_load %get3A_441[%get3A_442, %get3A_443] {strides = array<i32>} : memref<100x64xi32, #tpu.memory_space<vmem>>, vector<16xi32>,
        %bitcast3A_445 = vector.bitcast %get3A_444 : vector<16xi32> to vector<32xbf16>
        %unpack3A_446 = tpu.unpack_subelements %bitcast3A_445, 0 {pack_format = #tpu.pack_format<interleaved>} : vector<32xbf16> -> vector<16xf32>
        %unpack3A_447 = tpu.unpack_subelements %bitcast3A_445, 1 {pack_format = #tpu.pack_format<interleaved>} : vector<32xbf16> -> vector<16xf32>
        %add3A_448 = arith.addf %add3A_392, %unpack3A_446 : vector<16xf32>
        %add3A_449 = arith.addf %add3A_393, %unpack3A_447 : vector<16xf32>
        %add3A_450 = arith.constant 0 : i32
        %add3A_451 = arith.addi %mul3A_368, %add3A_450 : i32
        %get3A_452 = arith.constant 0 : i32
        %get3A_453 = arith.constant 0 : i32
        %get3A_454 = tpu.memref_slice %arg7[%scan3A_327, %get3A_452, %get3A_453] : memref<8x100x64xi32, #tpu.memory_space<vmem>> -> memref<1x100x64xi32, #tpu.memory_space<vmem>>
        %get3A_455 = tpu.memref_squeeze %get3A_454 : memref<1x100x64xi32, #tpu.memory_space<vmem>> -> memref<100x64xi32, #tpu.memory_space<vmem>>
        %get3A_456 = arith.index_cast %add3A_451 : i32 to index
        %get3A_457 = arith.constant 32 : index
        %get3A_458 = tpu.vector_load %get3A_455[%get3A_456, %get3A_457] {strides = array<i32>} : memref<100x64xi32, #tpu.memory_space<vmem>>, vector<16xi32>,
        %bitcast3A_459 = vector.bitcast %get3A_458 : vector<16xi32> to vector<32xbf16>
        %unpack3A_460 = tpu.unpack_subelements %bitcast3A_459, 0 {pack_format = #tpu.pack_format<interleaved>} : vector<32xbf16> -> vector<16xf32>
        %unpack3A_461 = tpu.unpack_subelements %bitcast3A_459, 1 {pack_format = #tpu.pack_format<interleaved>} : vector<32xbf16> -> vector<16xf32>
        %add3A_462 = arith.addf %add3A_406, %unpack3A_460 : vector<16xf32>
        %add3A_463 = arith.addf %add3A_407, %unpack3A_461 : vector<16xf32>
        %add3A_464 = arith.constant 0 : i32
        %add3A_465 = arith.addi %mul3A_368, %add3A_464 : i32
        %get3A_466 = arith.constant 0 : i32
        %get3A_467 = arith.constant 0 : i32
        %get3A_468 = tpu.memref_slice %arg7[%scan3A_327, %get3A_466, %get3A_467] : memref<8x100x64xi32, #tpu.memory_space<vmem>> -> memref<1x100x64xi32, #tpu.memory_space<vmem>>
        %get3A_469 = tpu.memref_squeeze %get3A_468 : memref<1x100x64xi32, #tpu.memory_space<vmem>> -> memref<100x64xi32, #tpu.memory_space<vmem>>
        %get3A_470 = arith.index_cast %add3A_465 : i32 to index
        %get3A_471 = arith.constant 34 : index
        %get3A_472 = tpu.vector_load %get3A_469[%get3A_470, %get3A_471] {strides = array<i32>} : memref<100x64xi32, #tpu.memory_space<vmem>>, vector<16xi32>,
        %bitcast3A_473 = vector.bitcast %get3A_472 : vector<16xi32> to vector<32xbf16>
        %unpack3A_474 = tpu.unpack_subelements %bitcast3A_473, 0 {pack_format = #tpu.pack_format<interleaved>} : vector<32xbf16> -> vector<16xf32>
        %unpack3A_475 = tpu.unpack_subelements %bitcast3A_473, 1 {pack_format = #tpu.pack_format<interleaved>} : vector<32xbf16> -> vector<16xf32>
        %add3A_476 = arith.addf %add3A_420, %unpack3A_474 : vector<16xf32>
        %add3A_477 = arith.addf %add3A_421, %unpack3A_475 : vector<16xf32>
        %add3A_478 = arith.constant 1 : i32
        %add3A_479 = arith.addi %mul3A_368, %add3A_478 : i32
        %get3A_480 = arith.constant 0 : i32
        %get3A_481 = arith.constant 0 : i32
        %get3A_482 = tpu.memref_slice %arg7[%scan3A_326, %get3A_480, %get3A_481] : memref<8x100x64xi32, #tpu.memory_space<vmem>> -> memref<1x100x64xi32, #tpu.memory_space<vmem>>
        %get3A_483 = tpu.memref_squeeze %get3A_482 : memref<1x100x64xi32, #tpu.memory_space<vmem>> -> memref<100x64xi32, #tpu.memory_space<vmem>>
        %get3A_484 = arith.index_cast %add3A_479 : i32 to index
        %get3A_485 = arith.constant 0 : index
        %get3A_486 = tpu.vector_load %get3A_483[%get3A_484, %get3A_485] {strides = array<i32>} : memref<100x64xi32, #tpu.memory_space<vmem>>, vector<16xi32>,
        %bitcast3A_487 = vector.bitcast %get3A_486 : vector<16xi32> to vector<32xbf16>
        %unpack3A_488 = tpu.unpack_subelements %bitcast3A_487, 0 {pack_format = #tpu.pack_format<interleaved>} : vector<32xbf16> -> vector<16xf32>
        %unpack3A_489 = tpu.unpack_subelements %bitcast3A_487, 1 {pack_format = #tpu.pack_format<interleaved>} : vector<32xbf16> -> vector<16xf32>
        %add3A_490 = arith.addf %add3A_434, %unpack3A_488 : vector<16xf32>
        %add3A_491 = arith.addf %add3A_435, %unpack3A_489 : vector<16xf32>
        %add3A_492 = arith.constant 1 : i32
        %add3A_493 = arith.addi %mul3A_368, %add3A_492 : i32
        %get3A_494 = arith.constant 0 : i32
        %get3A_495 = arith.constant 0 : i32
        %get3A_496 = tpu.memref_slice %arg7[%scan3A_326, %get3A_494, %get3A_495] : memref<8x100x64xi32, #tpu.memory_space<vmem>> -> memref<1x100x64xi32, #tpu.memory_space<vmem>>
        %get3A_497 = tpu.memref_squeeze %get3A_496 : memref<1x100x64xi32, #tpu.memory_space<vmem>> -> memref<100x64xi32, #tpu.memory_space<vmem>>
        %get3A_498 = arith.index_cast %add3A_493 : i32 to index
        %get3A_499 = arith.constant 16 : index
        %get3A_500 = tpu.vector_load %get3A_497[%get3A_498, %get3A_499] {strides = array<i32>} : memref<100x64xi32, #tpu.memory_space<vmem>>, vector<16xi32>,
        %bitcast3A_501 = vector.bitcast %get3A_500 : vector<16xi32> to vector<32xbf16>
        %unpack3A_502 = tpu.unpack_subelements %bitcast3A_501, 0 {pack_format = #tpu.pack_format<interleaved>} : vector<32xbf16> -> vector<16xf32>
        %unpack3A_503 = tpu.unpack_subelements %bitcast3A_501, 1 {pack_format = #tpu.pack_format<interleaved>} : vector<32xbf16> -> vector<16xf32>
        %add3A_504 = arith.addf %add3A_448, %unpack3A_502 : vector<16xf32>
        %add3A_505 = arith.addf %add3A_449, %unpack3A_503 : vector<16xf32>
        %add3A_506 = arith.constant 1 : i32
        %add3A_507 = arith.addi %mul3A_368, %add3A_506 : i32
        %get3A_508 = arith.constant 0 : i32
        %get3A_509 = arith.constant 0 : i32
        %get3A_510 = tpu.memref_slice %arg7[%scan3A_326, %get3A_508, %get3A_509] : memref<8x100x64xi32, #tpu.memory_space<vmem>> -> memref<1x100x64xi32, #tpu.memory_space<vmem>>
        %get3A_511 = tpu.memref_squeeze %get3A_510 : memref<1x100x64xi32, #tpu.memory_space<vmem>> -> memref<100x64xi32, #tpu.memory_space<vmem>>
        %get3A_512 = arith.index_cast %add3A_507 : i32 to index
        %get3A_513 = arith.constant 32 : index
        %get3A_514 = tpu.vector_load %get3A_511[%get3A_512, %get3A_513] {strides = array<i32>} : memref<100x64xi32, #tpu.memory_space<vmem>>, vector<16xi32>,
        %bitcast3A_515 = vector.bitcast %get3A_514 : vector<16xi32> to vector<32xbf16>
        %unpack3A_516 = tpu.unpack_subelements %bitcast3A_515, 0 {pack_format = #tpu.pack_format<interleaved>} : vector<32xbf16> -> vector<16xf32>
        %unpack3A_517 = tpu.unpack_subelements %bitcast3A_515, 1 {pack_format = #tpu.pack_format<interleaved>} : vector<32xbf16> -> vector<16xf32>
        %add3A_518 = arith.addf %add3A_462, %unpack3A_516 : vector<16xf32>
        %add3A_519 = arith.addf %add3A_463, %unpack3A_517 : vector<16xf32>
        %add3A_520 = arith.constant 1 : i32
        %add3A_521 = arith.addi %mul3A_368, %add3A_520 : i32
        %get3A_522 = arith.constant 0 : i32
        %get3A_523 = arith.constant 0 : i32
        %get3A_524 = tpu.memref_slice %arg7[%scan3A_326, %get3A_522, %get3A_523] : memref<8x100x64xi32, #tpu.memory_space<vmem>> -> memref<1x100x64xi32, #tpu.memory_space<vmem>>
        %get3A_525 = tpu.memref_squeeze %get3A_524 : memref<1x100x64xi32, #tpu.memory_space<vmem>> -> memref<100x64xi32, #tpu.memory_space<vmem>>
        %get3A_526 = arith.index_cast %add3A_521 : i32 to index
        %get3A_527 = arith.constant 34 : index
        %get3A_528 = tpu.vector_load %get3A_525[%get3A_526, %get3A_527] {strides = array<i32>} : memref<100x64xi32, #tpu.memory_space<vmem>>, vector<16xi32>,
        %bitcast3A_529 = vector.bitcast %get3A_528 : vector<16xi32> to vector<32xbf16>
        %unpack3A_530 = tpu.unpack_subelements %bitcast3A_529, 0 {pack_format = #tpu.pack_format<interleaved>} : vector<32xbf16> -> vector<16xf32>
        %unpack3A_531 = tpu.unpack_subelements %bitcast3A_529, 1 {pack_format = #tpu.pack_format<interleaved>} : vector<32xbf16> -> vector<16xf32>
        %add3A_532 = arith.addf %add3A_476, %unpack3A_530 : vector<16xf32>
        %add3A_533 = arith.addf %add3A_477, %unpack3A_531 : vector<16xf32>
        %add3A_534 = arith.constant 1 : i32
        %add3A_535 = arith.addi %mul3A_368, %add3A_534 : i32
        %get3A_536 = arith.constant 0 : i32
        %get3A_537 = arith.constant 0 : i32
        %get3A_538 = tpu.memref_slice %arg7[%scan3A_327, %get3A_536, %get3A_537] : memref<8x100x64xi32, #tpu.memory_space<vmem>> -> memref<1x100x64xi32, #tpu.memory_space<vmem>>
        %get3A_539 = tpu.memref_squeeze %get3A_538 : memref<1x100x64xi32, #tpu.memory_space<vmem>> -> memref<100x64xi32, #tpu.memory_space<vmem>>
        %get3A_540 = arith.index_cast %add3A_535 : i32 to index
        %get3A_541 = arith.constant 0 : index
        %get3A_542 = tpu.vector_load %get3A_539[%get3A_540, %get3A_541] {strides = array<i32>} : memref<100x64xi32, #tpu.memory_space<vmem>>, vector<16xi32>,
        %bitcast3A_543 = vector.bitcast %get3A_542 : vector<16xi32> to vector<32xbf16>
        %unpack3A_544 = tpu.unpack_subelements %bitcast3A_543, 0 {pack_format = #tpu.pack_format<interleaved>} : vector<32xbf16> -> vector<16xf32>
        %unpack3A_545 = tpu.unpack_subelements %bitcast3A_543, 1 {pack_format = #tpu.pack_format<interleaved>} : vector<32xbf16> -> vector<16xf32>
        %add3A_546 = arith.addf %add3A_490, %unpack3A_544 : vector<16xf32>
        %add3A_547 = arith.addf %add3A_491, %unpack3A_545 : vector<16xf32>
        %add3A_548 = arith.constant 1 : i32
        %add3A_549 = arith.addi %mul3A_368, %add3A_548 : i32
        %get3A_550 = arith.constant 0 : i32
        %get3A_551 = arith.constant 0 : i32
        %get3A_552 = tpu.memref_slice %arg7[%scan3A_327, %get3A_550, %get3A_551] : memref<8x100x64xi32, #tpu.memory_space<vmem>> -> memref<1x100x64xi32, #tpu.memory_space<vmem>>
        %get3A_553 = tpu.memref_squeeze %get3A_552 : memref<1x100x64xi32, #tpu.memory_space<vmem>> -> memref<100x64xi32, #tpu.memory_space<vmem>>
        %get3A_554 = arith.index_cast %add3A_549 : i32 to index
        %get3A_555 = arith.constant 16 : index
        %get3A_556 = tpu.vector_load %get3A_553[%get3A_554, %get3A_555] {strides = array<i32>} : memref<100x64xi32, #tpu.memory_space<vmem>>, vector<16xi32>,
        %bitcast3A_557 = vector.bitcast %get3A_556 : vector<16xi32> to vector<32xbf16>
        %unpack3A_558 = tpu.unpack_subelements %bitcast3A_557, 0 {pack_format = #tpu.pack_format<interleaved>} : vector<32xbf16> -> vector<16xf32>
        %unpack3A_559 = tpu.unpack_subelements %bitcast3A_557, 1 {pack_format = #tpu.pack_format<interleaved>} : vector<32xbf16> -> vector<16xf32>
        %add3A_560 = arith.addf %add3A_504, %unpack3A_558 : vector<16xf32>
        %add3A_561 = arith.addf %add3A_505, %unpack3A_559 : vector<16xf32>
        %add3A_562 = arith.constant 1 : i32
        %add3A_563 = arith.addi %mul3A_368, %add3A_562 : i32
        %get3A_564 = arith.constant 0 : i32
        %get3A_565 = arith.constant 0 : i32
        %get3A_566 = tpu.memref_slice %arg7[%scan3A_327, %get3A_564, %get3A_565] : memref<8x100x64xi32, #tpu.memory_space<vmem>> -> memref<1x100x64xi32, #tpu.memory_space<vmem>>
        %get3A_567 = tpu.memref_squeeze %get3A_566 : memref<1x100x64xi32, #tpu.memory_space<vmem>> -> memref<100x64xi32, #tpu.memory_space<vmem>>
        %get3A_568 = arith.index_cast %add3A_563 : i32 to index
        %get3A_569 = arith.constant 32 : index
        %get3A_570 = tpu.vector_load %get3A_567[%get3A_568, %get3A_569] {strides = array<i32>} : memref<100x64xi32, #tpu.memory_space<vmem>>, vector<16xi32>,
        %bitcast3A_571 = vector.bitcast %get3A_570 : vector<16xi32> to vector<32xbf16>
        %unpack3A_572 = tpu.unpack_subelements %bitcast3A_571, 0 {pack_format = #tpu.pack_format<interleaved>} : vector<32xbf16> -> vector<16xf32>
        %unpack3A_573 = tpu.unpack_subelements %bitcast3A_571, 1 {pack_format = #tpu.pack_format<interleaved>} : vector<32xbf16> -> vector<16xf32>
        %add3A_574 = arith.addf %add3A_518, %unpack3A_572 : vector<16xf32>
        %add3A_575 = arith.addf %add3A_519, %unpack3A_573 : vector<16xf32>
        %add3A_576 = arith.constant 1 : i32
        %add3A_577 = arith.addi %mul3A_368, %add3A_576 : i32
        %get3A_578 = arith.constant 0 : i32
        %get3A_579 = arith.constant 0 : i32
        %get3A_580 = tpu.memref_slice %arg7[%scan3A_327, %get3A_578, %get3A_579] : memref<8x100x64xi32, #tpu.memory_space<vmem>> -> memref<1x100x64xi32, #tpu.memory_space<vmem>>
        %get3A_581 = tpu.memref_squeeze %get3A_580 : memref<1x100x64xi32, #tpu.memory_space<vmem>> -> memref<100x64xi32, #tpu.memory_space<vmem>>
        %get3A_582 = arith.index_cast %add3A_577 : i32 to index
        %get3A_583 = arith.constant 34 : index
        %get3A_584 = tpu.vector_load %get3A_581[%get3A_582, %get3A_583] {strides = array<i32>} : memref<100x64xi32, #tpu.memory_space<vmem>>, vector<16xi32>,
        %bitcast3A_585 = vector.bitcast %get3A_584 : vector<16xi32> to vector<32xbf16>
        %unpack3A_586 = tpu.unpack_subelements %bitcast3A_585, 0 {pack_format = #tpu.pack_format<interleaved>} : vector<32xbf16> -> vector<16xf32>
        %unpack3A_587 = tpu.unpack_subelements %bitcast3A_585, 1 {pack_format = #tpu.pack_format<interleaved>} : vector<32xbf16> -> vector<16xf32>
        %add3A_588 = arith.addf %add3A_532, %unpack3A_586 : vector<16xf32>
        %add3A_589 = arith.addf %add3A_533, %unpack3A_587 : vector<16xf32>
        scf.yield %add3A_546, %add3A_547, %add3A_560, %add3A_561, %add3A_574, %add3A_575, %add3A_588, %add3A_589 : vector<16xf32>, vector<16xf32>, vector<16xf32>, vector<16xf32>, vector<16xf32>, vector<16xf32>, vector<16xf32>, vector<16xf32>
      }
      %scan3A_333 = arith.constant 50 : i32
      %swap3A_334 = arith.index_cast %add3A_292 : i32 to index
      %swap3A_335 = arith.constant 0 : index
      %swap3A_336 = tpu.vector_load %arg8[%swap3A_334, %swap3A_335] {strides = array<i32>} : memref<128x128xf32, #tpu.memory_space<vmem>>, vector<16xf32>,
      tpu.vector_store %arg8[%swap3A_334, %swap3A_335], %scan3A_332#0 {strides = array<i32>} : memref<128x128xf32, #tpu.memory_space<vmem>>, vector<16xf32>,
      %swap3A_337 = arith.index_cast %add3A_292 : i32 to index
      %swap3A_338 = arith.constant 50 : index
      %swap3A_339 = tpu.vector_load %arg8[%swap3A_337, %swap3A_338] {strides = array<i32>} : memref<128x128xf32, #tpu.memory_space<vmem>>, vector<16xf32>,
      tpu.vector_store %arg8[%swap3A_337, %swap3A_338], %scan3A_332#1 {strides = array<i32>} : memref<128x128xf32, #tpu.memory_space<vmem>>, vector<16xf32>,
      %swap3A_340 = arith.index_cast %add3A_292 : i32 to index
      %swap3A_341 = arith.constant 16 : index
      %swap3A_342 = tpu.vector_load %arg8[%swap3A_340, %swap3A_341] {strides = array<i32>} : memref<128x128xf32, #tpu.memory_space<vmem>>, vector<16xf32>,
      tpu.vector_store %arg8[%swap3A_340, %swap3A_341], %scan3A_332#2 {strides = array<i32>} : memref<128x128xf32, #tpu.memory_space<vmem>>, vector<16xf32>,
      %swap3A_343 = arith.index_cast %add3A_292 : i32 to index
      %swap3A_344 = arith.constant 66 : index
      %swap3A_345 = tpu.vector_load %arg8[%swap3A_343, %swap3A_344] {strides = array<i32>} : memref<128x128xf32, #tpu.memory_space<vmem>>, vector<16xf32>,
      tpu.vector_store %arg8[%swap3A_343, %swap3A_344], %scan3A_332#3 {strides = array<i32>} : memref<128x128xf32, #tpu.memory_space<vmem>>, vector<16xf32>,
      %swap3A_346 = arith.index_cast %add3A_292 : i32 to index
      %swap3A_347 = arith.constant 32 : index
      %swap3A_348 = tpu.vector_load %arg8[%swap3A_346, %swap3A_347] {strides = array<i32>} : memref<128x128xf32, #tpu.memory_space<vmem>>, vector<16xf32>,
      tpu.vector_store %arg8[%swap3A_346, %swap3A_347], %scan3A_332#4 {strides = array<i32>} : memref<128x128xf32, #tpu.memory_space<vmem>>, vector<16xf32>,
      %swap3A_349 = arith.index_cast %add3A_292 : i32 to index
      %swap3A_350 = arith.constant 82 : index
      %swap3A_351 = tpu.vector_load %arg8[%swap3A_349, %swap3A_350] {strides = array<i32>} : memref<128x128xf32, #tpu.memory_space<vmem>>, vector<16xf32>,
      tpu.vector_store %arg8[%swap3A_349, %swap3A_350], %scan3A_332#5 {strides = array<i32>} : memref<128x128xf32, #tpu.memory_space<vmem>>, vector<16xf32>,
      %swap3A_352 = arith.index_cast %add3A_292 : i32 to index
      %swap3A_353 = arith.constant 34 : index
      %swap3A_354 = tpu.vector_load %arg8[%swap3A_352, %swap3A_353] {strides = array<i32>} : memref<128x128xf32, #tpu.memory_space<vmem>>, vector<16xf32>,
      tpu.vector_store %arg8[%swap3A_352, %swap3A_353], %scan3A_332#6 {strides = array<i32>} : memref<128x128xf32, #tpu.memory_space<vmem>>, vector<16xf32>,
      %swap3A_355 = arith.index_cast %add3A_292 : i32 to index
      %swap3A_356 = arith.constant 84 : index
      %swap3A_357 = tpu.vector_load %arg8[%swap3A_355, %swap3A_356] {strides = array<i32>} : memref<128x128xf32, #tpu.memory_space<vmem>>, vector<16xf32>,
      tpu.vector_store %arg8[%swap3A_355, %swap3A_356], %scan3A_332#7 {strides = array<i32>} : memref<128x128xf32, #tpu.memory_space<vmem>>, vector<16xf32>,
    }
    %scan3A_86 = arith.constant 32 : i32
    "tpu.region"() ({
      %run_scoped3A = tpu.sem_alloc : memref<!tpu.dma_semaphore, #tpu.memory_space<semaphore_mem>>
      %dma_start3A_87 = arith.constant 0 : i32
      %dma_start3A_88 = tpu.memref_slice %arg4[%mul3A_4, %dma_start3A_87] : memref<4096x128xf32, #tpu.memory_space<hbm>> -> memref<128x128xf32, #tpu.memory_space<hbm>>
      %dma_start3A_89 = arith.constant 0 : i32
      %dma_start3A_90 = tpu.memref_slice %arg4[%mul3A_4, %dma_start3A_89] : memref<4096x128xf32, #tpu.memory_space<hbm>> -> memref<128x128xf32, #tpu.memory_space<hbm>>
      tpu.enqueue_dma source(%arg8 : memref<128x128xf32, #tpu.memory_space<vmem>>) target(%dma_start3A_90 : memref<128x128xf32, #tpu.memory_space<hbm>>) target_semaphore(%run_scoped3A : memref<!tpu.dma_semaphore, #tpu.memory_space<semaphore_mem>>)
      %dma_wait3A = arith.constant 0 : i32
      %dma_wait3A_91 = tpu.memref_slice %arg4[%mul3A_4, %dma_wait3A] : memref<4096x128xf32, #tpu.memory_space<hbm>> -> memref<128x128xf32, #tpu.memory_space<hbm>>
      %dma_wait3A_92 = arith.constant 0 : i32
      %dma_wait3A_93 = tpu.memref_slice %arg4[%mul3A_4, %dma_wait3A_92] : memref<4096x128xf32, #tpu.memory_space<hbm>> -> memref<128x128xf32, #tpu.memory_space<hbm>>
      tpu.wait_dma2 semaphore(%run_scoped3A : memref<!tpu.dma_semaphore, #tpu.memory_space<semaphore_mem>>) src(%arg8 : memref<128x128xf32, #tpu.memory_space<vmem>>) dst(%dma_wait3A_93 : memref<128x128xf32, #tpu.memory_space<hbm>>)
      tpu.yield
    }) : () -> ()
    return
  }
}

module attributes {stable_mosaic.version = 14 : i64} {
  func.func @_mlp_body(%arg0: memref<4096x128xf32, #tpu.memory_space<vmem>>, %arg1: memref<100x64xf32, #tpu.memory_space<vmem>>, %arg2: memref<1x64xf32, #tpu.memory_space<vmem>>, %arg3: memref<64x5xf32, #tpu.memory_space<vmem>>, %arg4: memref<1x5xf32, #tpu.memory_space<vmem>>, %arg5: memref<4096x5xf32, #tpu.memory_space<vmem>>) attributes {dimension_semantics = [], scalar_prefetch = 0 : i64, scratch_operands = 0 : i64, tpu.core_type = #tpu.core_type<tc>} {
    %get3A = arith.constant 0 : index
    %get3A_0 = arith.constant 0 : index
    %get3A_1 = vector.load %arg0[%get3A, %get3A_0] : memref<4096x128xf32, #tpu.memory_space<vmem>>, vector<4096x100xf32>
    %mul3A = arith.constant 5.000000e-03 : f32
    %mul3A_2 = vector.broadcast %mul3A : f32 to vector<4096x100xf32>
    %mul3A_3 = arith.mulf %get3A_1, %mul3A_2 : vector<4096x100xf32>
    %get3A_4 = arith.constant 0 : index
    %get3A_5 = arith.constant 0 : index
    %get3A_6 = vector.load %arg1[%get3A_4, %get3A_5] : memref<100x64xf32, #tpu.memory_space<vmem>>, vector<100x64xf32>
    %dot_general3A = arith.constant dense<0.000000e+00> : vector<4096x64xf32>
    %dot_general3A_7 = tpu.matmul %mul3A_3, %get3A_6, %dot_general3A {dimension_numbers = #tpu.dot_dimension_numbers<[1], [0], [0], [1], [0, 0, 1, 1], [], []>, transpose_lhs_hint = false} : vector<4096x100xf32>, vector<100x64xf32>, vector<4096x64xf32> -> vector<4096x64xf32>
    %get3A_8 = arith.constant 0 : index
    %get3A_9 = arith.constant 0 : index
    %get3A_10 = vector.load %arg2[%get3A_8, %get3A_9] : memref<1x64xf32, #tpu.memory_space<vmem>>, vector<1x64xf32>
    %add3A = vector.broadcast %get3A_10 : vector<1x64xf32> to vector<4096x64xf32>
    %add3A_11 = arith.addf %dot_general3A_7, %add3A : vector<4096x64xf32>
    %max3A = arith.constant 0.000000e+00 : f32
    %max3A_12 = vector.broadcast %max3A : f32 to vector<4096x64xf32>
    %max3A_13 = arith.maximumf %add3A_11, %max3A_12 : vector<4096x64xf32>
    %get3A_14 = arith.constant 0 : index
    %get3A_15 = arith.constant 0 : index
    %get3A_16 = vector.load %arg3[%get3A_14, %get3A_15] : memref<64x5xf32, #tpu.memory_space<vmem>>, vector<64x5xf32>
    %dot_general3A_17 = arith.constant dense<0.000000e+00> : vector<4096x5xf32>
    %dot_general3A_18 = tpu.matmul %max3A_13, %get3A_16, %dot_general3A_17 {dimension_numbers = #tpu.dot_dimension_numbers<[1], [0], [0], [1], [0, 0, 1, 1], [], []>, transpose_lhs_hint = false} : vector<4096x64xf32>, vector<64x5xf32>, vector<4096x5xf32> -> vector<4096x5xf32>
    %get3A_19 = arith.constant 0 : index
    %get3A_20 = arith.constant 0 : index
    %get3A_21 = vector.load %arg4[%get3A_19, %get3A_20] : memref<1x5xf32, #tpu.memory_space<vmem>>, vector<1x5xf32>
    %add3A_22 = vector.broadcast %get3A_21 : vector<1x5xf32> to vector<4096x5xf32>
    %add3A_23 = arith.addf %dot_general3A_18, %add3A_22 : vector<4096x5xf32>
    %reduce_max3A = arith.constant dense<0xFF800000> : vector<4096xf32>
    %reduce_max3A_24 = vector.multi_reduction <maximumf>, %add3A_23, %reduce_max3A [1] : vector<4096x5xf32> to vector<4096xf32>
    %broadcast_in_dim3A = vector.shape_cast %reduce_max3A_24 : vector<4096xf32> to vector<4096x1xf32>
    %sub3A = vector.broadcast %broadcast_in_dim3A : vector<4096x1xf32> to vector<4096x5xf32>
    %sub3A_25 = arith.subf %add3A_23, %sub3A : vector<4096x5xf32>
    %exp3A = math.exp %sub3A_25 : vector<4096x5xf32>
    %reduce_sum3A = arith.constant dense<0.000000e+00> : vector<4096xf32>
    %reduce_sum3A_26 = vector.multi_reduction <add>, %exp3A, %reduce_sum3A [1] : vector<4096x5xf32> to vector<4096xf32>
    %broadcast_in_dim3A_27 = vector.shape_cast %reduce_sum3A_26 : vector<4096xf32> to vector<4096x1xf32>
    %div3A = vector.broadcast %broadcast_in_dim3A_27 : vector<4096x1xf32> to vector<4096x5xf32>
    %div3A_28 = arith.divf %exp3A, %div3A : vector<4096x5xf32>
    %swap3A = arith.constant 0 : index
    %swap3A_29 = arith.constant 0 : index
    %swap3A_30 = vector.load %arg5[%swap3A, %swap3A_29] : memref<4096x5xf32, #tpu.memory_space<vmem>>, vector<4096x5xf32>
    tpu.vector_store %arg5[%swap3A, %swap3A_29], %div3A_28 {strides = array<i32>} : memref<4096x5xf32, #tpu.memory_space<vmem>>, vector<4096x5xf32>,
    return
  }
}

</mosaic_0001>

<sc_bundles>
// kernel: kernel.4.cloned.1.call-start
scs
__scs_entry_jumppad:
0x0: {  	(pc) =	sbr.rel $0x88, $3  }
0x1: {  	(tag) =	ssettag $0x0;
	lr =	simm.s32 $0x1  }
0x2: {  	[smem:$0x3F9B] =	sst lr;
	_ =	strace $0xD0000000  }
0x3: {  	_ = 	snop  }
0x4: {  	_ = 	snop  }
0x5: {  	_ = 	snop  }
0x6: {  	_ = 	snop  }
0x7: {  	_ = 	snop  }
__scs_overlays_trampoline_lowered:
0x8: {  	[smem:$0x3FAA] =	sst s0  }
0x9: {  	[smem:$0x3FAB] =	sst s1  }
0xa: {  	[smem:$0x3FAC] =	sst s2  }
0xb: {  	[smem:$0x3FAD] =	sst s3  }
0xc: {  	[smem:$0x3FAE] =	sst s4  }
0xd: {  	[smem:$0x3FAF] =	sst s5  }
0xe: {  	[smem:$0x3FB0] =	sst s6  }
0xf: {  	[smem:$0x3FB1] =	sst s7  }
0x10: {  	[smem:$0x3FB2] =	sst s8  }
0x11: {  	[smem:$0x3FB3] =	sst s9;
	s0 =	simm.s32 @!p0 $0x0  }
0x12: {  	s1 =	sld [smem:$0x3F99];
	s0 =	simm.s32 @p0 $0x1  }
0x13: {  	[smem:$0x3FB4] =	sst s0;
	s0 =	simm.s32 @!p1 $0x0  }
0x14: {  	s2 =	sld [smem:$0x3F98];
	s0 =	simm.s32 @p1 $0x1  }
0x15: {  	[smem:$0x3FB5] =	sst s0;
	s0 =	simm.s32 @!p2 $0x0  }
0x16: {  	s3 =	sld [smem:$0x3FDB];
	s0 =	simm.s32 @p2 $0x1  }
0x17: {  	s4 =	simm.s32 $0x1BF5;
	[smem:$0x3FB7] =	sst s0  }
0x18: {  	s0 =	sld [smem:$0x3F9A];
	_ =	swait.ge [sflag:s4], $0x0  }
0x19: {  	s7 =	sld [smem:$0x3F9B]  }
0x1a: {  	s8 =	sadd.s32 $0xFFFFE003, lr  }
0x1b: {  	s9 =	sadd.s32 $0xFFFFFEF7, lr;
	s5 =	simm.s32 $0xFFFFFFFF;
	p2 =	slt.u32 s8, $0xFFFFF086  }
0x1c: {  	p1 =	slt.u32 s9, $0xF7A;
	s5 =	simm.s32 @!p2 $0x0  }
0x1d: {  	s5 =	simm.s32 @p1 $0x1;
	p0 =	seq.s32 s7, s2  }
0x1e: {  	s7 =	smul.u32 @!p0 $0xF7A, s2;
	p2 =	seq.s32 @!p0 s5, $0x0  }
0x1f: {  	s9 =	smul.u32 $0xF7A, s1;
	s8 =	simm.s32 @!p0 $0x1BF5;
	p2 =	por !p2, p0  }
0x20: {  	[sflag:s8] =	ssyncset.s32 @!p0 $0xFFFFF086;
	s6 =	sadd.s32 @!p0 s3, s7;
	s7 =	simm.s32 @!p0 $0x108  }
0x21: {  	s3 =	sadd.s32 s3, s9;
	s6 =	sadd.s32 @!p0 $0x88, s6;
	s7 =	simm.s32 @p2 $0x1082  }
0x22: {  	[simem:s7], [sflag:s8] =	dma.local @!p0 [hbm:s6], $0xF7A  }
0x23: {  	s9 =	sor.u32 $0xD0000000, s2;
	s6 =	simm.s32 $0x108;
	_ =	swait.ge @!p0 [sflag:s8], $0x0  }
0x24: {  	s3 =	sadd.s32 $0x88, s3;
	s6 =	simm.s32 @!p1 $0x1082;
	[sflag:s4] =	ssyncset.s32 $0xFFFFF086  }
0x25: {  	[simem:s6], [sflag:s4] =	dma.local [hbm:s3], $0xF7A  }
0x26: {  	[smem:$0x3F9B] =	sst s1;
	(tag) =	ssettag s2;
	_ =	strace s9  }
0x27: {  	s1 =	sld [smem:$0x3FAB]  }
0x28: {  	s2 =	sld [smem:$0x3FAC]  }
0x29: {  	s4 =	sld [smem:$0x3FAE]  }
0x2a: {  	p0 =	seq.s32 s5, $0x0;
	s5 =	sld [smem:$0x3FAF]  }
0x2b: {  	s6 =	sld [smem:$0x3FB0]  }
0x2c: {  	s7 =	sld [smem:$0x3FB1]  }
0x2d: {  	s3 =	simm.s32 $0x108;
	s8 =	sld [smem:$0x3FB2]  }
0x2e: {  	s3 =	simm.s32 @!p0 $0x1082;
	s9 =	sld [smem:$0x3FB3]  }
0x2f: {  	lr =	sadd.s32 s0, s3;
	s0 =	sld [smem:$0x3FAA]  }
0x30: {  	s3 =	sld [smem:$0x3FAD]  }
0x31: {  	[smem:$0x3FB6] =	sst s10  }
0x32: {  	s10 =	sld [smem:$0x3FB4];
	_ =	sdelay $0x3  }
0x33: {  	p0 =	seq.s32 s10, $0x1;
	s10 =	sld [smem:$0x3FB6];
	_ =	sdelay $0x3  }
0x34: {  	[smem:$0x3FB6] =	sst s10  }
0x35: {  	s10 =	sld [smem:$0x3FB5];
	_ =	sdelay $0x3  }
0x36: {  	p1 =	seq.s32 s10, $0x1;
	s10 =	sld [smem:$0x3FB6];
	_ =	sdelay $0x3  }
0x37: {  	[smem:$0x3FB6] =	sst s10  }
0x38: {  	s10 =	sld [smem:$0x3FB7]  }
0x39: {  	_ = 	snop;
	(pc) =	sbr.ind lr, $3  }
0x3a: {  	_ = 	snop  }
0x3b: {  	_ = 	snop  }
0x3c: {  	p2 =	seq.s32 s10, $0x1;
	s10 =	sld [smem:$0x3FB6]  }
0x3d: {  	_ =	shalt  }
0x3e: {  	_ =	shalt  }
0x3f: {  	_ =	shalt  }
0x40: {  	_ =	shalt  }
0x41: {  	_ =	shalt  }
0x42: {  	_ =	shalt  }
0x43: {  	_ =	shalt  }
0x44: {  	_ =	shalt  }
0x45: {  	_ =	shalt  }
0x46: {  	_ =	shalt  }
0x47: {  	_ =	shalt  }
0x48: {  	_ =	shalt  }
0x49: {  	_ =	shalt  }
0x4a: {  	_ =	shalt  }
0x4b: {  	_ =	shalt  }
0x4c: {  	_ =	shalt  }
0x4d: {  	_ =	shalt  }
0x4e: {  	_ =	shalt  }
0x4f: {  	_ =	shalt  }
0x50: {  	_ =	shalt  }
0x51: {  	_ =	shalt  }
0x52: {  	_ =	shalt  }
0x53: {  	_ =	shalt  }
0x54: {  	_ =	shalt  }
0x55: {  	_ =	shalt  }
0x56: {  	_ =	shalt  }
0x57: {  	_ =	shalt  }
0x58: {  	_ =	shalt  }
0x59: {  	_ =	shalt  }
0x5a: {  	_ =	shalt  }
0x5b: {  	_ =	shalt  }
0x5c: {  	_ =	shalt  }
0x5d: {  	_ =	shalt  }
0x5e: {  	_ =	shalt  }
0x5f: {  	_ =	shalt  }
0x60: {  	_ =	shalt  }
0x61: {  	_ =	shalt  }
0x62: {  	_ =	shalt  }
0x63: {  	_ =	shalt  }
0x64: {  	_ =	shalt  }
0x65: {  	_ =	shalt  }
0x66: {  	_ =	shalt  }
0x67: {  	_ =	shalt  }
0x68: {  	_ =	shalt  }
0x69: {  	_ =	shalt  }
0x6a: {  	_ =	shalt  }
0x6b: {  	_ =	shalt  }
0x6c: {  	_ =	shalt  }
0x6d: {  	_ =	shalt  }
0x6e: {  	_ =	shalt  }
0x6f: {  	_ =	shalt  }
0x70: {  	_ =	shalt  }
0x71: {  	_ =	shalt  }
0x72: {  	_ =	shalt  }
0x73: {  	_ =	shalt  }
0x74: {  	_ =	shalt  }
0x75: {  	_ =	shalt  }
0x76: {  	_ =	shalt  }
0x77: {  	_ =	shalt  }
0x78: {  	_ =	shalt  }
0x79: {  	_ =	shalt  }
0x7a: {  	_ =	shalt  }
0x7b: {  	_ =	shalt  }
0x7c: {  	_ =	shalt  }
0x7d: {  	_ =	shalt  }
0x7e: {  	_ =	shalt  }
0x7f: {  	_ =	shalt  }
0x80: {  	_ =	shalt  }
0x81: {  	_ =	shalt  }
0x82: {  	_ =	shalt  }
0x83: {  	_ =	shalt  }
0x84: {  	_ =	shalt  }
0x85: {  	_ =	shalt  }
0x86: {  	_ =	shalt  }
0x87: {  	_ =	shalt  }
.Lfunc_end0:
.L_simem_size_0:
called_computation_lowered:
.L_overlay_start_0:
0x88: {  	s2 =	sld [smem:$0x3FD9]  }
0x89: {  	s3 =	sld [smem:$0x3FFE];
	_ =	sdelay $0x1  }
0x8a: {  	s1 =	srdreg.scid  }
0x8b: {  	s0 =	sand.u32 $0x1, s1  }
0x8c: {  	s16 =	sshll.u32 s0, $0xA;
	s2 =	sadd.s32 s3, s2  }
0x8d: {  	s2 =	sadd.s32 s2, s16  }
0x8e: {  	[smem:$0x3FC2] =	sst s2  }
0x8f: {  	_ = 	snop  }
0x90: {  	(tm) =	ssettm $0x1  }
0x91: {  	s17 =	sld [smem:$0x3FFB];
	_ =	sdelay $0x3  }
0x92: {  	_ =	strace s17  }
0x93: {  	s2 =	sld [smem:$0x3FFC];
	_ =	sdelay $0x3  }
0x94: {  	_ =	strace s2  }
0x95: {  	s2 =	sld [smem:$0x3FFD];
	_ =	sdelay $0x3  }
0x96: {  	_ =	strace s2  }
0x97: {  	_ =	strace $0x8FFFFFFF  }
0x98: {  	s18 =	sld [smem:$0x3FDB];
	_ =	sdelay $0x1  }
0x99: {  	s19 =	simm.s32 $_scs_section_size  }
0x9a: {  	s4 =	simm.s32 $_size__tile_overlayer_lowered;
	s5 =	simm.s32 $_tile_overlayer_lowered  }
0x9b: {  	s22 =	simm.s32 $0x1BFF;
	s21 =	sshll.u32 s5, $0x1;
	s2 =	sadd.s32 s19, s18  }
0x9c: {  	s6 =	simm.s32 $0x0;
	s20 =	sshll.u32 s4, $0x1;
	s4 =	sadd.s32 s21, s2  }
0x9d: {  	[timem:s6], [sflag:s22] =	dma.local [hbm:s4], s20  }
0x9e: {  	_ =	swait.ge [sflag:s22], s20  }
0x9f: {  	s3 =	ssub.s32 $0x0, s20;
	[sflag:s22] =	ssyncset.done $0x0  }
0xa0: {  	[sflag:s22] =	ssyncadd.s32 s3;
	_ =	sdelay $0x1  }
0xa1: {  	s23 =	simm.s32 $0x1B8B  }
0xa2: {  	_ =	swait.ge [sflag:s23], $0x1  }
0xa3: {  	[sflag:s23] =	ssyncset.done $0x0  }
0xa4: {  	s25 =	simm.s32 $0x1B8E;
	s24 =	sld [smem:$0x3FFE];
	[sflag:s23] =	ssyncadd.s32 $0xFFFFFFFF  }
0xa5: {  	s26 =	simm.s32 $execute0_lowered;
	[smem:$0x3FD2] =	sst s25  }
0xa6: {  	s4 =	sshll.u32 s26, $0x1;
	_ =	strace $0x80000046;
	[dreg:$0x1] =	wrdreg $0xFFFFFFFF  }
0xa7: {  	s28 =	simm.s32 $_size_execute0_lowered;
	s2 =	sadd.s32 s2, s4;
	[dreg:$0x0] =	wrdreg $0x0  }
0xa8: {  	s4 =	sshll.u32 s28, $0x1;
	[dreg:$0x2] =	wrdreg s2  }
0xa9: {  	[dreg:$0x3] =	wrdreg s4  }
0xaa: {  	[dreg:$0x4] =	wrdreg $0xC0  }
0xab: {  	_ =	task [dreg:s6], $0x5FFFF  }
0xac: {  	[dreg:$0x1] =	wrdreg $0xFFFFFFFF  }
0xad: {  	[dreg:$0x0] =	wrdreg $0x60  }
0xae: {  	[dreg:$0x2] =	wrdreg s24  }
0xaf: {  	[dreg:$0x3] =	wrdreg $0x9  }
0xb0: {  	_ =	task.clear_ibuf [dreg:s6], $0x4FFFF;
	_ =	strace $0x90000046  }
0xb1: {  	s29 =	simm.s32 $0x9;
	_ =	strace $0x80000048  }
0xb2: {  	_ =	swait.ge [sflag:s29], $0x1  }
0xb3: {  	[sflag:s29] =	ssyncadd.s32 $0xFFFFFFFF  }
0xb4: {  	_ =	strace $0x90000048  }
0xb5: {  	_ =	sfence  }
0xb6: {  	s30 =	sld [smem:$0x0];
	_ =	sdelay $0x2  }
0xb7: {  	s31 =	sshll.u32 s1, $0xD;
	s1 =	sshrl.u32 s1, $0x2  }
0xb8: {  	s3 =	sand.u32 $0x4000, s31;
	s1 =	sadd.s32 s1, s30  }
0xb9: {  	s0 =	sor.u32 s3, s0;
	s1 =	sshll.u32 s1, $0x11  }
0xba: {  	s0 =	sor.u32 s1, s0  }
0xbb: {  	s0 =	sadd.s32 $0x8F2B, s0  }
0xbc: {  	[sflag:s0] =	ssyncadd.remote.s32 $0x1  }
0xbd: {  	_ =	sfence.sel $0xFFFF  }
0xbe: {  	[dreg:$0x0] =	wrdreg $0xFFFFFFFF;
	(pc) =	sbr.abs _section_cstart, $3  }
0xbf: {  	[dreg:$0x1] =	wrdreg $0xFFFFFFFF  }
0xc0: {  	_ =	task.clear_ibuf [dreg:s6], $0x2FFFF;
	_ =	strace $0x9FFFFFFF  }
0xc1: {  	(tm) =	ssettm $0x7FFFFFFF  }
tec
execute0_lowered:
.L_overlay_start_1:
0x0: {  	(tag) =	ssettag $0x1  }
0x1: {  	s0 =	srdreg.scid  }
0x2: {  	s1 =	stileid.u32;
	s4 =	rddreg [dreg:$0x0]  }
0x3: {  	s2 =	simm.s32 $0x0;
	s7 =	simm.s32 $0x5;
	s8 =	simm.s32 $0x64  }
0x4: {  	s12 =	simm.s32 $0xE900;
	s13 =	simm.s32 $0x68D0;
	s14 =	simm.s32 $0x10200  }
0x5: {  	s15 =	simm.s32 $0x6938;
	s16 =	simm.s32 $0x11B00;
	s17 =	simm.s32 $0x69A0  }
0x6: {  	s18 =	simm.s32 $0x13400;
	s19 =	simm.s32 $0x6A08;
	s20 =	simm.s32 $0x14D00  }
0x7: {  	s21 =	simm.s32 $0x16600;
	s22 =	simm.s32 $0x17F00;
	s23 =	simm.s32 $0x1  }
0x8: {  	s24 =	simm.s32 $0x2;
	s25 =	simm.s32 $0x3;
	s26 =	simm.s32 $0x4  }
0x9: {  	s28 =	simm.s32 $0x19800;
	s0 =	sand.u32 $0x1, s0;
	s1 =	sshll.u32 s1, $0x1  }
0xa: {  	s29 =	simm.s32 $0x0;
	[smem:$0x7FF] =	sst s2;
	s1 =	sor.u32 s0, s1  }
0xb: {  	s0 =	ssub.s32 $0x2, s0;
	s3 =	smul.u32 $0xD00, s1;
	s1 =	sshll.u32 s1, $0xB  }
0xc: {  	_ =	strace $0x80000047;
	s6 =	sshrl.u32 s0, $0x1;
	s1 =	sadd.s32 s1, s4  }
0xd: {  	s0 =	ssub.s32 s0, s6;
	s5 =	sadd.s32 s3, s4;
	s3 =	sadd.s32 $0x1200, s4  }
0xe: {  	s6 =	smax.u32 s0, $0x1;
	s4 =	sadd.s32 $0xC4800, s5;
	s5 =	sadd.s32 $0xDE800, s1  }
.LBB2_1:
0xf: {  	[tilespmem:s2], [sflag:$0x5] =	stream.linear.gather [hbm4b:s4+s2], $0x6800, $0x38;
	[tilespmem:$0x1D800] =	vst v63  }
0x10: {  	_ =	swait.ge [sflag:s7], $0x6800  }
0x11: {  	[sflag:s7] =	ssyncset.done $0x0  }
0x12: {  	s0 =	simm.s32 $0x0;
	[sflag:s7] =	ssyncadd.s32 $0xFFFF9800  }
0x13: {  	v2 =	vld [tilespmem:s0+$0x50]  }
0x14: {  	v4 =	vld [tilespmem:s0+$0x54]  }
0x15: {  	v9 =	vld [tilespmem:s0+$0x0]  }
0x16: {  	v1 =	vld [tilespmem:s0+$0x10]  }
0x17: {  	v0 =	vld [tilespmem:s0+$0x20]  }
0x18: {  	v3 =	vld [tilespmem:s0+$0x30];
	v5 =	vshll.u32 v2, $0x1  }
0x19: {  	vm0 =	vlt.s32 v2, $0xC350;
	v8 =	vshll.u32 v4, $0x1;
	v2 =	vld [tilespmem:s0+$0x40];
	v6 =	vadd.s32 $0xFFFE7961, v5  }
0x1a: {  	v6 =	vsel vm0, v5, v6;
	vm0 =	vlt.s32 v4, $0xC350;
	v4 =	vadd.s32 $0xFFFE7961, v8  }
0x1b: {  	v7 =	vshll.u32 v9, $0x1;
	v5 =	vshll.u32 v1, $0x1;
	[tilespmem:s0+$0x6850] =	vst v6;
	v4 =	vsel vm0, v8, v4  }
0x1c: {  	s1 =	simm.s32 $0x68;
	v11 =	vadd.s32 $0xFFFE7961, v7;
	v8 =	vadd.s32 $0xFFFE7961, v5;
	v6 =	vshll.u32 v0, $0x1;
	[tilespmem:s0+$0x6854] =	vst v4  }
0x1d: {  	s9 =	simm.s32 $0x340;
	vm0 =	vlt.s32 v9, $0xC350;
	v9 =	vshll.u32 v3, $0x1;
	v10 =	vadd.s32 $0xFFFE7961, v6;
	v4 =	vld [tilespmem:s1+$0x50]  }
.LBB2_2:
0x1e: {  	p0 =	sne.s32 s9, $0x19E60;
	v12 =	vld [tilespmem:s1+$0x54];
	vm1 =	vlt.s32 v1, $0xC350;
	v13 =	vadd.s32 $0xFFFE7961, v9;
	v14 =	vshll.u32 v2, $0x1  }
0x1f: {  	vm2 =	vlt.s32 v0, $0xC350;
	vm3 =	vlt.s32 v3, $0xC350;
	v15 =	vld [tilespmem:s1+$0x0];
	v3 =	vadd.s32 $0xFFFE7961, v14  }
0x20: {  	v7 =	vsel vm0, v7, v11;
	vm0 =	vlt.s32 v2, $0xC350;
	v5 =	vsel vm1, v5, v8;
	v1 =	vld [tilespmem:s1+$0x10]  }
0x21: {  	v6 =	vsel vm2, v6, v10;
	v0 =	vld [tilespmem:s1+$0x20];
	[tilespmem:s0+$0x6800] =	vst v7;
	v7 =	vsel vm3, v9, v13;
	v13 =	vsel vm0, v14, v3  }
0x22: {  	v3 =	vld [tilespmem:s1+$0x30];
	v8 =	vshll.u32 v4, $0x1;
	[tilespmem:s0+$0x6810] =	vst v5  }
.Ltmp0:
0x23: {  	vm0 =	vlt.s32 v4, $0xC350;
	v2 =	vld [tilespmem:s1+$0x40];
	v4 =	vadd.s32 $0xFFFE7961, v8;
	v9 =	vshll.u32 v12, $0x1;
	[tilespmem:s0+$0x6820] =	vst v6;
	(pc) =	sbr.rel @p0 .LBB2_2-.Ltmp0, $4  }
0x24: {  	v4 =	vsel vm0, v8, v4;
	vm0 =	vlt.s32 v12, $0xC350;
	v6 =	vadd.s32 $0xFFFE7961, v9;
	[tilespmem:s0+$0x6830] =	vst v7  }
0x25: {  	v7 =	vshll.u32 v15, $0x1;
	v5 =	vshll.u32 v1, $0x1;
	[tilespmem:s1+$0x6850] =	vst v4;
	v4 =	vsel vm0, v9, v6  }
0x26: {  	s10 =	sshra.s32 s9, $0x2;
	v11 =	vadd.s32 $0xFFFE7961, v7;
	v8 =	vadd.s32 $0xFFFE7961, v5;
	v6 =	vshll.u32 v0, $0x1;
	[tilespmem:s1+$0x6854] =	vst v4  }
0x27: {  	s9 =	sadd.s32 $0x1A0, s9;
	vm0 =	vlt.s32 v15, $0xC350;
	v4 =	vld [tilespmem:s10+$0x50];
	v10 =	vadd.s32 $0xFFFE7961, v6;
	v9 =	vshll.u32 v3, $0x1;
	[tilespmem:s0+$0x6840] =	vst v13;
	s0 =	smov.u32 s1;
	s1 =	smov.u32 s10  }
0x28: {  	v12 =	vld [tilespmem:s1+$0x54]  }
0x29: {  	v13 =	vld [tilespmem:s1+$0x0];
	vm1 =	vlt.s32 v1, $0xC350;
	v40 =	vadd.s32 $0xFFFE7961, v9;
	v7 =	vsel vm0, v7, v11  }
0x2a: {  	v14 =	vld [tilespmem:s1+$0x10];
	vm7 =	vlt.s32 v0, $0xC350;
	v42 =	vshll.u32 v2, $0x1;
	vm2 =	vlt.s32 v3, $0xC350  }
0x2b: {  	v41 =	vld [tilespmem:s1+$0x20];
	vm8 =	vlt.s32 v2, $0xC350;
	v43 =	vadd.s32 $0xFFFE7961, v42;
	v5 =	vsel vm1, v5, v8  }
0x2c: {  	[tilespmem:s0+$0x6800] =	vst v7;
	v6 =	vsel vm7, v6, v10;
	v1 =	vsel vm2, v9, v40;
	v45 =	vshll.u32 v4, $0x1  }
0x2d: {  	v44 =	vld [tilespmem:s1+$0x30];
	[tilespmem:s0+$0x6810] =	vst v5;
	v0 =	vsel vm8, v42, v43;
	vm9 =	vlt.s32 v4, $0xC350;
	v47 =	vadd.s32 $0xFFFE7961, v45  }
0x2e: {  	v46 =	vld [tilespmem:s1+$0x40];
	[tilespmem:s0+$0x6820] =	vst v6;
	v48 =	vshll.u32 v12, $0x1;
	vm10 =	vlt.s32 v12, $0xC350;
	v50 =	vshll.u32 v13, $0x1  }
0x2f: {  	[tilespmem:s0+$0x6830] =	vst v1;
	v51 =	vshll.u32 v14, $0x1;
	v4 =	vsel vm9, v45, v47;
	v49 =	vadd.s32 $0xFFFE7961, v48  }
0x30: {  	v54 =	vshll.u32 v41, $0x1;
	vm11 =	vlt.s32 v13, $0xC350;
	[tilespmem:s1+$0x6850] =	vst v4;
	v52 =	vsel vm10, v48, v49  }
0x31: {  	vm12 =	vlt.s32 v14, $0xC350;
	vm13 =	vlt.s32 v41, $0xC350;
	v53 =	vadd.s32 $0xFFFE7961, v50;
	[tilespmem:s1+$0x6854] =	vst v52  }
0x32: {  	v55 =	vadd.s32 $0xFFFE7961, v51;
	v56 =	vadd.s32 $0xFFFE7961, v54;
	v58 =	vsel vm11, v50, v53;
	[tilespmem:s0+$0x6840] =	vst v0  }
0x33: {  	v57 =	vshll.u32 v44, $0x1;
	v60 =	vsel vm12, v51, v55;
	vm14 =	vlt.s32 v44, $0xC350;
	[tilespmem:s1+$0x6800] =	vst v58  }
0x34: {  	v62 =	vsel vm13, v54, v56;
	v59 =	vadd.s32 $0xFFFE7961, v57;
	v61 =	vshll.u32 v46, $0x1;
	[tilespmem:s1+$0x6810] =	vst v60  }
0x35: {  	vm15 =	vlt.s32 v46, $0xC350;
	v63 =	vadd.s32 $0xFFFE7961, v61;
	v1 =	vsel vm14, v57, v59;
	[tilespmem:s1+$0x6820] =	vst v62  }
0x36: {  	v0 =	vsel vm15, v61, v63;
	[tilespmem:s1+$0x6830] =	vst v1  }
0x37: {  	s10 =	simm.s32 $0x6800;
	s11 =	simm.s32 $0xD000;
	[tilespmem:s1+$0x6840] =	vst v0  }
0x38: {  	[tilespmem:s11], [sflag:$0x1] =	stream.indirect.gather [hbm4b:s3+s8], $0x40, s10, s8, $0xb8;
	[tilespmem:$0x1D800] =	vst v63  }
0x39: {  	s31 =	simm.s32 $0x6868  }
0x3a: {  	[tilespmem:s12], [sflag:$0x1] =	stream.indirect.gather [hbm4b:s3+s8], $0x40, s31, s8, $0xb8;
	[tilespmem:$0x1D800] =	vst v63  }
0x3b: {  	_ = 	snop  }
0x3c: {  	[tilespmem:s14], [sflag:$0x2] =	stream.indirect.gather [hbm4b:s3+s8], $0x40, s13, s8, $0xb8;
	[tilespmem:$0x1D800] =	vst v63  }
0x3d: {  	_ = 	snop  }
0x3e: {  	[tilespmem:s16], [sflag:$0x2] =	stream.indirect.gather [hbm4b:s3+s8], $0x40, s15, s8, $0xb8;
	[tilespmem:$0x1D800] =	vst v63  }
0x3f: {  	_ = 	snop  }
0x40: {  	[tilespmem:s18], [sflag:$0x3] =	stream.indirect.gather [hbm4b:s3+s8], $0x40, s17, s8, $0xb8;
	[tilespmem:$0x1D800] =	vst v63  }
0x41: {  	s30 =	simm.s32 $0x0  }
0x42: {  	[tilespmem:s20], [sflag:$0x3] =	stream.indirect.gather [hbm4b:s3+s8], $0x40, s19, s8, $0xb8;
	[tilespmem:$0x1D800] =	vst v63  }
.LBB2_4:
0x43: {  	s31 =	sshllo.u32 s30, $0x2  }
0x44: {  	s0 =	smul.u32 $0x340, s31;
	_ =	sdelay $0x1  }
0x45: {  	s0 =	sshra.s32 s0, $0x2  }
0x46: {  	s1 =	sadd.s32 $0x6800, s0  }
0x47: {  	[tilespmem:s21], [sflag:$0x4] =	stream.indirect.gather [hbm4b:s3+s8], $0x40, s1, s8, $0xb8;
	[tilespmem:$0x1D800] =	vst v63  }
0x48: {  	s0 =	sadd.s32 $0x6868, s0  }
0x49: {  	[tilespmem:s22], [sflag:$0x4] =	stream.indirect.gather [hbm4b:s3+s8], $0x40, s0, s8, $0xb8;
	[tilespmem:$0x1D800] =	vst v63  }
0x4a: {  	_ =	swait.ge [sflag:s23], $0x1900  }
0x4b: {  	[sflag:s23] =	ssyncset.done $0x0  }
0x4c: {  	[sflag:s23] =	ssyncadd.s32 $0xFFFFE700  }
0x4d: {  	_ =	swait.ge [sflag:s23], $0x1900  }
0x4e: {  	[sflag:s23] =	ssyncset.done $0x0  }
0x4f: {  	s0 =	simm.s32 $0x40;
	[sflag:s23] =	ssyncadd.s32 $0xFFFFE700  }
0x50: {  	v0 =	vld [tilespmem:s0+$0xE900]  }
0x51: {  	v1 =	vld [tilespmem:s0+$0xE910]  }
0x52: {  	v2 =	vld [tilespmem:s0+$0xE920]  }
0x53: {  	v4 =	vld [tilespmem:s0+$0xD000]  }
0x54: {  	v8 =	vld [tilespmem:s0+$0xD010]  }
0x55: {  	v10 =	vld [tilespmem:s0+$0xD020]  }
0x56: {  	v11 =	vld [tilespmem:s0+$0xE8C0]  }
0x57: {  	v16 =	vld [tilespmem:s0+$0xCFC0]  }
0x58: {  	v3 =	vimm.f32 $0.0e+00;
	v17 =	vld [tilespmem:s0+$0xCFD0];
	v6 =	vunpack.i.u.bf16.f32 v0;
	v9 =	vunpack.i.l.bf16.f32 v0  }
0x59: {  	v5 =	vunpack.i.u.bf16.f32 v1;
	v7 =	vunpack.i.l.bf16.f32 v1;
	v0 =	vunpack.i.u.bf16.f32 v2  }
0x5a: {  	v24 =	vld [tilespmem:s0+$0xE8D0];
	v13 =	vunpack.i.u.bf16.f32 v4;
	v15 =	vunpack.i.l.bf16.f32 v4;
	v1 =	vunpack.i.l.bf16.f32 v2  }
0x5b: {  	v12 =	vunpack.i.u.bf16.f32 v8;
	v14 =	vunpack.i.l.bf16.f32 v8;
	v2 =	vunpack.i.u.bf16.f32 v10  }
0x5c: {  	v8 =	vunpack.i.u.bf16.f32 v11;
	v11 =	vunpack.i.l.bf16.f32 v11;
	v4 =	vunpack.i.l.bf16.f32 v10  }
0x5d: {  	v18 =	vld [tilespmem:s0+$0xE8E0];
	v10 =	vunpack.i.u.bf16.f32 v16;
	v16 =	vunpack.i.l.bf16.f32 v16;
	v20 =	vunpack.i.u.bf16.f32 v17  }
0x5e: {  	v17 =	vunpack.i.l.bf16.f32 v17;
	v16 =	vadd.f32 v16, v3;
	v10 =	vadd.f32 v10, v3  }
0x5f: {  	v23 =	vunpack.i.u.bf16.f32 v24;
	v19 =	vadd.f32 v17, v3;
	v20 =	vadd.f32 v20, v3;
	v17 =	vld [tilespmem:s0+$0xCFE0]  }
0x60: {  	v24 =	vunpack.i.l.bf16.f32 v24;
	v21 =	vadd.f32 v11, v16;
	v22 =	vadd.f32 v8, v10  }
0x61: {  	s1 =	simm.s32 $0x300;
	v16 =	vld [tilespmem:s0+$0xCFE2];
	v11 =	vimm.f32 $0.0e+00;
	v10 =	vimm.f32 $0.0e+00;
	v8 =	vimm.f32 $0.0e+00  }
.LBB2_5:
0x62: {  	p0 =	sne.s32 s1, $0x6300;
	v19 =	vadd.f32 v24, v19;
	v20 =	vadd.f32 v23, v20;
	v23 =	vunpack.i.u.bf16.f32 v18  }
0x63: {  	v18 =	vunpack.i.l.bf16.f32 v18;
	v24 =	vld [tilespmem:s0+$0xE8E2];
	v15 =	vadd.f32 v15, v21;
	v13 =	vadd.f32 v13, v22  }
0x64: {  	v21 =	vunpack.i.u.bf16.f32 v17;
	v14 =	vadd.f32 v14, v19;
	v12 =	vadd.f32 v12, v20  }
0x65: {  	s9 =	sshra.s32 s1, $0x2;
	v17 =	vunpack.i.l.bf16.f32 v17;
	v19 =	vld [tilespmem:s0+$0xD022];
	v20 =	vadd.f32 v9, v15;
	v22 =	vadd.f32 v6, v13  }
0x66: {  	v9 =	vld [tilespmem:s9+$0xE900];
	v6 =	vunpack.i.u.bf16.f32 v16;
	v25 =	vadd.f32 v7, v14;
	v26 =	vadd.f32 v5, v12  }
0x67: {  	v3 =	vadd.f32 v17, v3;
	v5 =	vadd.f32 v21, v11;
	v7 =	vunpack.i.l.bf16.f32 v16;
	v12 =	vld [tilespmem:s0+$0xE922];
	s0 =	smov.u32 s9  }
0x68: {  	v7 =	vadd.f32 v7, v10;
	v6 =	vadd.f32 v6, v8;
	v13 =	vld [tilespmem:s0+$0xE910];
	v8 =	vunpack.i.u.bf16.f32 v24  }
0x69: {  	v3 =	vadd.f32 v18, v3;
	v5 =	vadd.f32 v23, v5;
	v10 =	vunpack.i.l.bf16.f32 v24;
	v14 =	vld [tilespmem:s0+$0xE920]  }
0x6a: {  	v7 =	vadd.f32 v10, v7;
	v6 =	vadd.f32 v8, v6;
	v15 =	vld [tilespmem:s0+$0xD000];
	v8 =	vunpack.i.u.bf16.f32 v19  }
0x6b: {  	v3 =	vadd.f32 v4, v3;
	v2 =	vadd.f32 v2, v5;
	v4 =	vunpack.i.l.bf16.f32 v19;
	v16 =	vld [tilespmem:s0+$0xD010]  }
0x6c: {  	v4 =	vadd.f32 v4, v7;
	v5 =	vadd.f32 v8, v6;
	v17 =	vld [tilespmem:s0+$0xD020];
	v6 =	vunpack.i.u.bf16.f32 v12  }
0x6d: {  	v3 =	vadd.f32 v1, v3;
	v11 =	vadd.f32 v0, v2;
	v0 =	vunpack.i.l.bf16.f32 v12;
	v18 =	vld [tilespmem:s0+$0xE8C0]  }
0x6e: {  	v10 =	vadd.f32 v0, v4;
	v8 =	vadd.f32 v6, v5;
	v19 =	vld [tilespmem:s0+$0xCFC0]  }
0x6f: {  	v6 =	vunpack.i.u.bf16.f32 v9;
	v9 =	vunpack.i.l.bf16.f32 v9;
	v21 =	vld [tilespmem:s0+$0xCFD0]  }
0x70: {  	v5 =	vunpack.i.u.bf16.f32 v13;
	v7 =	vunpack.i.l.bf16.f32 v13;
	v0 =	vunpack.i.u.bf16.f32 v14  }
0x71: {  	v1 =	vunpack.i.l.bf16.f32 v14;
	v13 =	vunpack.i.u.bf16.f32 v15;
	v15 =	vunpack.i.l.bf16.f32 v15;
	v24 =	vld [tilespmem:s0+$0xE8D0]  }
0x72: {  	v12 =	vunpack.i.u.bf16.f32 v16;
	v14 =	vunpack.i.l.bf16.f32 v16;
	v2 =	vunpack.i.u.bf16.f32 v17  }
.Ltmp1:
0x73: {  	v4 =	vunpack.i.l.bf16.f32 v17;
	v27 =	vunpack.i.u.bf16.f32 v18;
	v28 =	vunpack.i.l.bf16.f32 v18;
	v18 =	vld [tilespmem:s0+$0xE8E0];
	(pc) =	sbr.rel @p0 .LBB2_5-.Ltmp1, $4  }
0x74: {  	v16 =	vunpack.i.u.bf16.f32 v19;
	v17 =	vunpack.i.l.bf16.f32 v19;
	v23 =	vunpack.i.u.bf16.f32 v21  }
0x75: {  	v29 =	vadd.f32 v17, v20;
	v22 =	vadd.f32 v16, v22;
	v16 =	vunpack.i.l.bf16.f32 v21;
	v17 =	vld [tilespmem:s0+$0xCFE0]  }
0x76: {  	v19 =	vadd.f32 v16, v25;
	v20 =	vadd.f32 v23, v26;
	v23 =	vunpack.i.u.bf16.f32 v24  }
0x77: {  	s1 =	sadd.s32 $0x200, s1;
	v21 =	vadd.f32 v28, v29;
	v22 =	vadd.f32 v27, v22;
	v24 =	vunpack.i.l.bf16.f32 v24;
	v16 =	vld [tilespmem:s0+$0xCFE2]  }
0x78: {  	v19 =	vadd.f32 v24, v19;
	v20 =	vadd.f32 v23, v20  }
0x79: {  	v23 =	vunpack.i.u.bf16.f32 v18;
	v15 =	vadd.f32 v15, v21;
	v13 =	vadd.f32 v13, v22  }
0x7a: {  	v18 =	vunpack.i.l.bf16.f32 v18;
	v21 =	vld [tilespmem:s0+$0xE8E2];
	v14 =	vadd.f32 v14, v19;
	v12 =	vadd.f32 v12, v20  }
0x7b: {  	v19 =	vunpack.i.l.bf16.f32 v17;
	v9 =	vadd.f32 v9, v15;
	v6 =	vadd.f32 v6, v13  }
0x7c: {  	v13 =	vunpack.i.u.bf16.f32 v17;
	v15 =	vld [tilespmem:s0+$0xD022];
	v3 =	vadd.f32 v19, v3;
	v7 =	vadd.f32 v7, v14  }
0x7d: {  	v5 =	vadd.f32 v5, v12;
	v11 =	vadd.f32 v13, v11;
	v12 =	vunpack.i.l.bf16.f32 v16  }
0x7e: {  	s11 =	sshll.u32 s30, $0x9;
	v13 =	vunpack.i.u.bf16.f32 v16;
	v14 =	vld [tilespmem:s0+$0xE922];
	v10 =	vadd.f32 v12, v10;
	v3 =	vadd.f32 v18, v3  }
0x7f: {  	s1 =	sand.u32 $0x3FFFFE00, s11;
	v8 =	vadd.f32 v13, v8;
	v11 =	vadd.f32 v23, v11;
	v12 =	vunpack.i.l.bf16.f32 v21  }
0x80: {  	[tilespmem:s1+$0x19800] =	vst v9;
	v13 =	vunpack.i.u.bf16.f32 v21;
	v10 =	vadd.f32 v12, v10;
	v3 =	vadd.f32 v4, v3  }
0x81: {  	[tilespmem:s1+$0x19832] =	vst v6;
	v4 =	vadd.f32 v13, v8;
	v2 =	vadd.f32 v2, v11;
	v8 =	vunpack.i.l.bf16.f32 v15  }
0x82: {  	[tilespmem:s1+$0x19810] =	vst v7;
	v6 =	vunpack.i.u.bf16.f32 v15;
	v8 =	vadd.f32 v8, v10;
	v1 =	vadd.f32 v1, v3  }
0x83: {  	p0 =	seq.s32 s30, $0x1F;
	[tilespmem:s1+$0x19842] =	vst v5;
	v3 =	vadd.f32 v6, v4;
	v0 =	vadd.f32 v0, v2;
	v2 =	vunpack.i.l.bf16.f32 v14  }
0x84: {  	s0 =	smul.u32 @!p0 $0xD00, s30;
	v4 =	vunpack.i.u.bf16.f32 v14;
	v2 =	vadd.f32 v2, v8;
	[tilespmem:s1+$0x19820] =	vst v1  }
0x85: {  	v1 =	vadd.f32 v4, v3;
	[tilespmem:s1+$0x19852] =	vst v0  }
0x86: {  	s0 =	sshra.s32 @!p0 s0, $0x2;
	[tilespmem:s1+$0x19822] =	vst v2  }
0x87: {  	s10 =	simm.s32 @!p0 $0x64;
	s11 =	simm.s32 @!p0 $0xD000;
	s9 =	sadd.s32 @!p0 $0x6B40, s0;
	[tilespmem:s1+$0x19854] =	vst v1  }
0x88: {  	[tilespmem:s11], [sflag:$0x1] =	stream.indirect.gather @!p0 [hbm4b:s3+s10], $0x40, s9, s10, $0xb8;
	[tilespmem:$0x1D800] =	vst v63  }
0x89: {  	s9 =	sadd.s32 @!p0 $0x6BA8, s0;
	s11 =	simm.s32 @!p0 $0xE900  }
0x8a: {  	[tilespmem:s11], [sflag:$0x1] =	stream.indirect.gather @!p0 [hbm4b:s3+s10], $0x40, s9, s10, $0xb8;
	[tilespmem:$0x1D800] =	vst v63  }
0x8b: {  	_ =	swait.ge [sflag:s24], $0x1900  }
0x8c: {  	[sflag:s24] =	ssyncset.done $0x0  }
0x8d: {  	[sflag:s24] =	ssyncadd.s32 $0xFFFFE700  }
0x8e: {  	_ =	swait.ge [sflag:s24], $0x1900  }
0x8f: {  	[sflag:s24] =	ssyncset.done $0x0  }
0x90: {  	s9 =	simm.s32 $0x0;
	[sflag:s24] =	ssyncadd.s32 $0xFFFFE700  }
0x91: {  	v0 =	vld [tilespmem:s9+$0x11B40]  }
0x92: {  	v1 =	vld [tilespmem:s9+$0x11B50]  }
0x93: {  	v2 =	vld [tilespmem:s9+$0x11B60]  }
0x94: {  	v4 =	vld [tilespmem:s9+$0x10240]  }
0x95: {  	v8 =	vld [tilespmem:s9+$0x10250]  }
0x96: {  	v10 =	vld [tilespmem:s9+$0x10260]  }
0x97: {  	v11 =	vld [tilespmem:s9+$0x11B00]  }
0x98: {  	v16 =	vld [tilespmem:s9+$0x10200]  }
0x99: {  	v3 =	vimm.f32 $0.0e+00;
	v17 =	vld [tilespmem:s9+$0x10210];
	v6 =	vunpack.i.u.bf16.f32 v0;
	v9 =	vunpack.i.l.bf16.f32 v0  }
0x9a: {  	v5 =	vunpack.i.u.bf16.f32 v1;
	v7 =	vunpack.i.l.bf16.f32 v1;
	v0 =	vunpack.i.u.bf16.f32 v2  }
0x9b: {  	v24 =	vld [tilespmem:s9+$0x11B10];
	v13 =	vunpack.i.u.bf16.f32 v4;
	v15 =	vunpack.i.l.bf16.f32 v4;
	v1 =	vunpack.i.l.bf16.f32 v2  }
0x9c: {  	v12 =	vunpack.i.u.bf16.f32 v8;
	v14 =	vunpack.i.l.bf16.f32 v8;
	v2 =	vunpack.i.u.bf16.f32 v10  }
0x9d: {  	v8 =	vunpack.i.u.bf16.f32 v11;
	v11 =	vunpack.i.l.bf16.f32 v11;
	v4 =	vunpack.i.l.bf16.f32 v10  }
0x9e: {  	v18 =	vld [tilespmem:s9+$0x11B20];
	v10 =	vunpack.i.u.bf16.f32 v16;
	v16 =	vunpack.i.l.bf16.f32 v16;
	v20 =	vunpack.i.u.bf16.f32 v17  }
0x9f: {  	v17 =	vunpack.i.l.bf16.f32 v17;
	v16 =	vadd.f32 v16, v3;
	v10 =	vadd.f32 v10, v3  }
0xa0: {  	v23 =	vunpack.i.u.bf16.f32 v24;
	v19 =	vadd.f32 v17, v3;
	v20 =	vadd.f32 v20, v3;
	v17 =	vld [tilespmem:s9+$0x10220]  }
0xa1: {  	v24 =	vunpack.i.l.bf16.f32 v24;
	v21 =	vadd.f32 v11, v16;
	v22 =	vadd.f32 v8, v10  }
0xa2: {  	s10 =	simm.s32 $0x200;
	v16 =	vld [tilespmem:s9+$0x10222];
	v11 =	vimm.f32 $0.0e+00;
	v10 =	vimm.f32 $0.0e+00;
	v8 =	vimm.f32 $0.0e+00  }
.LBB2_7:
0xa3: {  	p1 =	sne.s32 s10, $0x6200;
	v19 =	vadd.f32 v24, v19;
	v20 =	vadd.f32 v23, v20;
	v23 =	vunpack.i.u.bf16.f32 v18  }
0xa4: {  	v18 =	vunpack.i.l.bf16.f32 v18;
	v24 =	vld [tilespmem:s9+$0x11B22];
	v15 =	vadd.f32 v15, v21;
	v13 =	vadd.f32 v13, v22  }
0xa5: {  	v21 =	vunpack.i.u.bf16.f32 v17;
	v14 =	vadd.f32 v14, v19;
	v12 =	vadd.f32 v12, v20  }
0xa6: {  	s11 =	sshra.s32 s10, $0x2;
	v17 =	vunpack.i.l.bf16.f32 v17;
	v19 =	vld [tilespmem:s9+$0x10262];
	v20 =	vadd.f32 v9, v15;
	v22 =	vadd.f32 v6, v13  }
0xa7: {  	v9 =	vld [tilespmem:s11+$0x11B40];
	v6 =	vunpack.i.u.bf16.f32 v16;
	v25 =	vadd.f32 v7, v14;
	v26 =	vadd.f32 v5, v12  }
0xa8: {  	v3 =	vadd.f32 v17, v3;
	v5 =	vadd.f32 v21, v11;
	v7 =	vunpack.i.l.bf16.f32 v16;
	v12 =	vld [tilespmem:s9+$0x11B62];
	s9 =	smov.u32 s11  }
0xa9: {  	v7 =	vadd.f32 v7, v10;
	v6 =	vadd.f32 v6, v8;
	v13 =	vld [tilespmem:s9+$0x11B50];
	v8 =	vunpack.i.u.bf16.f32 v24  }
0xaa: {  	v3 =	vadd.f32 v18, v3;
	v5 =	vadd.f32 v23, v5;
	v10 =	vunpack.i.l.bf16.f32 v24;
	v14 =	vld [tilespmem:s9+$0x11B60]  }
0xab: {  	v7 =	vadd.f32 v10, v7;
	v6 =	vadd.f32 v8, v6;
	v15 =	vld [tilespmem:s9+$0x10240];
	v8 =	vunpack.i.u.bf16.f32 v19  }
0xac: {  	v3 =	vadd.f32 v4, v3;
	v2 =	vadd.f32 v2, v5;
	v4 =	vunpack.i.l.bf16.f32 v19;
	v16 =	vld [tilespmem:s9+$0x10250]  }
0xad: {  	v4 =	vadd.f32 v4, v7;
	v5 =	vadd.f32 v8, v6;
	v17 =	vld [tilespmem:s9+$0x10260];
	v6 =	vunpack.i.u.bf16.f32 v12  }
0xae: {  	v3 =	vadd.f32 v1, v3;
	v11 =	vadd.f32 v0, v2;
	v0 =	vunpack.i.l.bf16.f32 v12;
	v18 =	vld [tilespmem:s9+$0x11B00]  }
0xaf: {  	v10 =	vadd.f32 v0, v4;
	v8 =	vadd.f32 v6, v5;
	v19 =	vld [tilespmem:s9+$0x10200]  }
0xb0: {  	v6 =	vunpack.i.u.bf16.f32 v9;
	v9 =	vunpack.i.l.bf16.f32 v9;
	v21 =	vld [tilespmem:s9+$0x10210]  }
0xb1: {  	v5 =	vunpack.i.u.bf16.f32 v13;
	v7 =	vunpack.i.l.bf16.f32 v13;
	v0 =	vunpack.i.u.bf16.f32 v14  }
0xb2: {  	v1 =	vunpack.i.l.bf16.f32 v14;
	v13 =	vunpack.i.u.bf16.f32 v15;
	v15 =	vunpack.i.l.bf16.f32 v15;
	v24 =	vld [tilespmem:s9+$0x11B10]  }
0xb3: {  	v12 =	vunpack.i.u.bf16.f32 v16;
	v14 =	vunpack.i.l.bf16.f32 v16;
	v2 =	vunpack.i.u.bf16.f32 v17  }
.Ltmp2:
0xb4: {  	v4 =	vunpack.i.l.bf16.f32 v17;
	v27 =	vunpack.i.u.bf16.f32 v18;
	v28 =	vunpack.i.l.bf16.f32 v18;
	v18 =	vld [tilespmem:s9+$0x11B20];
	(pc) =	sbr.rel @p1 .LBB2_7-.Ltmp2, $4  }
0xb5: {  	v16 =	vunpack.i.u.bf16.f32 v19;
	v17 =	vunpack.i.l.bf16.f32 v19;
	v23 =	vunpack.i.u.bf16.f32 v21  }
0xb6: {  	v29 =	vadd.f32 v17, v20;
	v22 =	vadd.f32 v16, v22;
	v16 =	vunpack.i.l.bf16.f32 v21;
	v17 =	vld [tilespmem:s9+$0x10220]  }
0xb7: {  	v19 =	vadd.f32 v16, v25;
	v20 =	vadd.f32 v23, v26;
	v23 =	vunpack.i.u.bf16.f32 v24  }
0xb8: {  	s10 =	sadd.s32 $0x200, s10;
	v21 =	vadd.f32 v28, v29;
	v22 =	vadd.f32 v27, v22;
	v24 =	vunpack.i.l.bf16.f32 v24;
	v16 =	vld [tilespmem:s9+$0x10222]  }
0xb9: {  	v19 =	vadd.f32 v24, v19;
	v20 =	vadd.f32 v23, v20  }
0xba: {  	v23 =	vunpack.i.u.bf16.f32 v18;
	v15 =	vadd.f32 v15, v21;
	v13 =	vadd.f32 v13, v22  }
0xbb: {  	v18 =	vunpack.i.l.bf16.f32 v18;
	v21 =	vld [tilespmem:s9+$0x11B22];
	v14 =	vadd.f32 v14, v19;
	v12 =	vadd.f32 v12, v20  }
0xbc: {  	v19 =	vunpack.i.l.bf16.f32 v17;
	v9 =	vadd.f32 v9, v15;
	v6 =	vadd.f32 v6, v13  }
0xbd: {  	v13 =	vunpack.i.u.bf16.f32 v17;
	v15 =	vld [tilespmem:s9+$0x10262];
	v3 =	vadd.f32 v19, v3;
	v7 =	vadd.f32 v7, v14  }
0xbe: {  	v5 =	vadd.f32 v5, v12;
	v11 =	vadd.f32 v13, v11;
	v12 =	vunpack.i.l.bf16.f32 v16  }
0xbf: {  	v13 =	vunpack.i.u.bf16.f32 v16;
	v14 =	vld [tilespmem:s9+$0x11B62];
	v10 =	vadd.f32 v12, v10;
	v3 =	vadd.f32 v18, v3  }
0xc0: {  	v8 =	vadd.f32 v13, v8;
	v11 =	vadd.f32 v23, v11;
	v12 =	vunpack.i.l.bf16.f32 v21  }
0xc1: {  	[tilespmem:s1+$0x19880] =	vst v9;
	v13 =	vunpack.i.u.bf16.f32 v21;
	v10 =	vadd.f32 v12, v10;
	v3 =	vadd.f32 v4, v3  }
0xc2: {  	[tilespmem:s1+$0x198B2] =	vst v6;
	v4 =	vadd.f32 v13, v8;
	v2 =	vadd.f32 v2, v11;
	v8 =	vunpack.i.l.bf16.f32 v15  }
0xc3: {  	[tilespmem:s1+$0x19890] =	vst v7;
	v6 =	vunpack.i.u.bf16.f32 v15;
	v8 =	vadd.f32 v8, v10;
	v1 =	vadd.f32 v1, v3  }
0xc4: {  	[tilespmem:s1+$0x198C2] =	vst v5;
	v3 =	vadd.f32 v6, v4;
	v0 =	vadd.f32 v0, v2;
	v2 =	vunpack.i.l.bf16.f32 v14  }
0xc5: {  	v4 =	vunpack.i.u.bf16.f32 v14;
	v2 =	vadd.f32 v2, v8;
	[tilespmem:s1+$0x198A0] =	vst v1  }
0xc6: {  	v1 =	vadd.f32 v4, v3;
	[tilespmem:s1+$0x198D2] =	vst v0  }
0xc7: {  	[tilespmem:s1+$0x198A2] =	vst v2  }
0xc8: {  	s10 =	simm.s32 @!p0 $0x64;
	s11 =	simm.s32 @!p0 $0x10200;
	s9 =	sadd.s32 @!p0 $0x6C10, s0;
	[tilespmem:s1+$0x198D4] =	vst v1  }
0xc9: {  	[tilespmem:s11], [sflag:$0x2] =	stream.indirect.gather @!p0 [hbm4b:s3+s10], $0x40, s9, s10, $0xb8;
	[tilespmem:$0x1D800] =	vst v63  }
0xca: {  	s9 =	sadd.s32 @!p0 $0x6C78, s0;
	s11 =	simm.s32 @!p0 $0x11B00  }
0xcb: {  	[tilespmem:s11], [sflag:$0x2] =	stream.indirect.gather @!p0 [hbm4b:s3+s10], $0x40, s9, s10, $0xb8;
	[tilespmem:$0x1D800] =	vst v63  }
0xcc: {  	_ =	swait.ge [sflag:s25], $0x1900  }
0xcd: {  	[sflag:s25] =	ssyncset.done $0x0  }
0xce: {  	[sflag:s25] =	ssyncadd.s32 $0xFFFFE700  }
0xcf: {  	_ =	swait.ge [sflag:s25], $0x1900  }
0xd0: {  	[sflag:s25] =	ssyncset.done $0x0  }
0xd1: {  	s9 =	simm.s32 $0x0;
	[sflag:s25] =	ssyncadd.s32 $0xFFFFE700  }
0xd2: {  	v0 =	vld [tilespmem:s9+$0x14D40]  }
0xd3: {  	v1 =	vld [tilespmem:s9+$0x14D50]  }
0xd4: {  	v2 =	vld [tilespmem:s9+$0x14D60]  }
0xd5: {  	v4 =	vld [tilespmem:s9+$0x13440]  }
0xd6: {  	v8 =	vld [tilespmem:s9+$0x13450]  }
0xd7: {  	v10 =	vld [tilespmem:s9+$0x13460]  }
0xd8: {  	v11 =	vld [tilespmem:s9+$0x14D00]  }
0xd9: {  	v16 =	vld [tilespmem:s9+$0x13400]  }
0xda: {  	v3 =	vimm.f32 $0.0e+00;
	v17 =	vld [tilespmem:s9+$0x13410];
	v6 =	vunpack.i.u.bf16.f32 v0;
	v9 =	vunpack.i.l.bf16.f32 v0  }
0xdb: {  	v5 =	vunpack.i.u.bf16.f32 v1;
	v7 =	vunpack.i.l.bf16.f32 v1;
	v0 =	vunpack.i.u.bf16.f32 v2  }
0xdc: {  	v24 =	vld [tilespmem:s9+$0x14D10];
	v13 =	vunpack.i.u.bf16.f32 v4;
	v15 =	vunpack.i.l.bf16.f32 v4;
	v1 =	vunpack.i.l.bf16.f32 v2  }
0xdd: {  	v12 =	vunpack.i.u.bf16.f32 v8;
	v14 =	vunpack.i.l.bf16.f32 v8;
	v2 =	vunpack.i.u.bf16.f32 v10  }
0xde: {  	v8 =	vunpack.i.u.bf16.f32 v11;
	v11 =	vunpack.i.l.bf16.f32 v11;
	v4 =	vunpack.i.l.bf16.f32 v10  }
0xdf: {  	v18 =	vld [tilespmem:s9+$0x14D20];
	v10 =	vunpack.i.u.bf16.f32 v16;
	v16 =	vunpack.i.l.bf16.f32 v16;
	v20 =	vunpack.i.u.bf16.f32 v17  }
0xe0: {  	v17 =	vunpack.i.l.bf16.f32 v17;
	v16 =	vadd.f32 v16, v3;
	v10 =	vadd.f32 v10, v3  }
0xe1: {  	v23 =	vunpack.i.u.bf16.f32 v24;
	v19 =	vadd.f32 v17, v3;
	v20 =	vadd.f32 v20, v3;
	v17 =	vld [tilespmem:s9+$0x13420]  }
0xe2: {  	v24 =	vunpack.i.l.bf16.f32 v24;
	v21 =	vadd.f32 v11, v16;
	v22 =	vadd.f32 v8, v10  }
0xe3: {  	s10 =	simm.s32 $0x200;
	v16 =	vld [tilespmem:s9+$0x13422];
	v11 =	vimm.f32 $0.0e+00;
	v10 =	vimm.f32 $0.0e+00;
	v8 =	vimm.f32 $0.0e+00  }
.LBB2_9:
0xe4: {  	p1 =	sne.s32 s10, $0x6200;
	v19 =	vadd.f32 v24, v19;
	v20 =	vadd.f32 v23, v20;
	v23 =	vunpack.i.u.bf16.f32 v18  }
0xe5: {  	v18 =	vunpack.i.l.bf16.f32 v18;
	v24 =	vld [tilespmem:s9+$0x14D22];
	v15 =	vadd.f32 v15, v21;
	v13 =	vadd.f32 v13, v22  }
0xe6: {  	v21 =	vunpack.i.u.bf16.f32 v17;
	v14 =	vadd.f32 v14, v19;
	v12 =	vadd.f32 v12, v20  }
0xe7: {  	s11 =	sshra.s32 s10, $0x2;
	v17 =	vunpack.i.l.bf16.f32 v17;
	v19 =	vld [tilespmem:s9+$0x13462];
	v20 =	vadd.f32 v9, v15;
	v22 =	vadd.f32 v6, v13  }
0xe8: {  	v9 =	vld [tilespmem:s11+$0x14D40];
	v6 =	vunpack.i.u.bf16.f32 v16;
	v25 =	vadd.f32 v7, v14;
	v26 =	vadd.f32 v5, v12  }
0xe9: {  	v3 =	vadd.f32 v17, v3;
	v5 =	vadd.f32 v21, v11;
	v7 =	vunpack.i.l.bf16.f32 v16;
	v12 =	vld [tilespmem:s9+$0x14D62];
	s9 =	smov.u32 s11  }
0xea: {  	v7 =	vadd.f32 v7, v10;
	v6 =	vadd.f32 v6, v8;
	v13 =	vld [tilespmem:s9+$0x14D50];
	v8 =	vunpack.i.u.bf16.f32 v24  }
0xeb: {  	v3 =	vadd.f32 v18, v3;
	v5 =	vadd.f32 v23, v5;
	v10 =	vunpack.i.l.bf16.f32 v24;
	v14 =	vld [tilespmem:s9+$0x14D60]  }
0xec: {  	v7 =	vadd.f32 v10, v7;
	v6 =	vadd.f32 v8, v6;
	v15 =	vld [tilespmem:s9+$0x13440];
	v8 =	vunpack.i.u.bf16.f32 v19  }
0xed: {  	v3 =	vadd.f32 v4, v3;
	v2 =	vadd.f32 v2, v5;
	v4 =	vunpack.i.l.bf16.f32 v19;
	v16 =	vld [tilespmem:s9+$0x13450]  }
0xee: {  	v4 =	vadd.f32 v4, v7;
	v5 =	vadd.f32 v8, v6;
	v17 =	vld [tilespmem:s9+$0x13460];
	v6 =	vunpack.i.u.bf16.f32 v12  }
0xef: {  	v3 =	vadd.f32 v1, v3;
	v11 =	vadd.f32 v0, v2;
	v0 =	vunpack.i.l.bf16.f32 v12;
	v18 =	vld [tilespmem:s9+$0x14D00]  }
0xf0: {  	v10 =	vadd.f32 v0, v4;
	v8 =	vadd.f32 v6, v5;
	v19 =	vld [tilespmem:s9+$0x13400]  }
0xf1: {  	v6 =	vunpack.i.u.bf16.f32 v9;
	v9 =	vunpack.i.l.bf16.f32 v9;
	v21 =	vld [tilespmem:s9+$0x13410]  }
0xf2: {  	v5 =	vunpack.i.u.bf16.f32 v13;
	v7 =	vunpack.i.l.bf16.f32 v13;
	v0 =	vunpack.i.u.bf16.f32 v14  }
0xf3: {  	v1 =	vunpack.i.l.bf16.f32 v14;
	v13 =	vunpack.i.u.bf16.f32 v15;
	v15 =	vunpack.i.l.bf16.f32 v15;
	v24 =	vld [tilespmem:s9+$0x14D10]  }
0xf4: {  	v12 =	vunpack.i.u.bf16.f32 v16;
	v14 =	vunpack.i.l.bf16.f32 v16;
	v2 =	vunpack.i.u.bf16.f32 v17  }
.Ltmp3:
0xf5: {  	v4 =	vunpack.i.l.bf16.f32 v17;
	v27 =	vunpack.i.u.bf16.f32 v18;
	v28 =	vunpack.i.l.bf16.f32 v18;
	v18 =	vld [tilespmem:s9+$0x14D20];
	(pc) =	sbr.rel @p1 .LBB2_9-.Ltmp3, $4  }
0xf6: {  	v16 =	vunpack.i.u.bf16.f32 v19;
	v17 =	vunpack.i.l.bf16.f32 v19;
	v23 =	vunpack.i.u.bf16.f32 v21  }
0xf7: {  	v29 =	vadd.f32 v17, v20;
	v22 =	vadd.f32 v16, v22;
	v16 =	vunpack.i.l.bf16.f32 v21;
	v17 =	vld [tilespmem:s9+$0x13420]  }
0xf8: {  	v19 =	vadd.f32 v16, v25;
	v20 =	vadd.f32 v23, v26;
	v23 =	vunpack.i.u.bf16.f32 v24  }
0xf9: {  	s10 =	sadd.s32 $0x200, s10;
	v21 =	vadd.f32 v28, v29;
	v22 =	vadd.f32 v27, v22;
	v24 =	vunpack.i.l.bf16.f32 v24;
	v16 =	vld [tilespmem:s9+$0x13422]  }
0xfa: {  	v19 =	vadd.f32 v24, v19;
	v20 =	vadd.f32 v23, v20  }
0xfb: {  	v23 =	vunpack.i.u.bf16.f32 v18;
	v15 =	vadd.f32 v15, v21;
	v13 =	vadd.f32 v13, v22  }
0xfc: {  	v18 =	vunpack.i.l.bf16.f32 v18;
	v21 =	vld [tilespmem:s9+$0x14D22];
	v14 =	vadd.f32 v14, v19;
	v12 =	vadd.f32 v12, v20  }
0xfd: {  	v19 =	vunpack.i.l.bf16.f32 v17;
	v9 =	vadd.f32 v9, v15;
	v6 =	vadd.f32 v6, v13  }
0xfe: {  	v13 =	vunpack.i.u.bf16.f32 v17;
	v15 =	vld [tilespmem:s9+$0x13462];
	v3 =	vadd.f32 v19, v3;
	v7 =	vadd.f32 v7, v14  }
0xff: {  	v5 =	vadd.f32 v5, v12;
	v11 =	vadd.f32 v13, v11;
	v12 =	vunpack.i.l.bf16.f32 v16  }
0x100: {  	v13 =	vunpack.i.u.bf16.f32 v16;
	v14 =	vld [tilespmem:s9+$0x14D62];
	v10 =	vadd.f32 v12, v10;
	v3 =	vadd.f32 v18, v3  }
0x101: {  	v8 =	vadd.f32 v13, v8;
	v11 =	vadd.f32 v23, v11;
	v12 =	vunpack.i.l.bf16.f32 v21  }
0x102: {  	[tilespmem:s1+$0x19900] =	vst v9;
	v13 =	vunpack.i.u.bf16.f32 v21;
	v10 =	vadd.f32 v12, v10;
	v3 =	vadd.f32 v4, v3  }
0x103: {  	[tilespmem:s1+$0x19932] =	vst v6;
	v4 =	vadd.f32 v13, v8;
	v2 =	vadd.f32 v2, v11;
	v8 =	vunpack.i.l.bf16.f32 v15  }
0x104: {  	[tilespmem:s1+$0x19910] =	vst v7;
	v6 =	vunpack.i.u.bf16.f32 v15;
	v8 =	vadd.f32 v8, v10;
	v1 =	vadd.f32 v1, v3  }
0x105: {  	[tilespmem:s1+$0x19942] =	vst v5;
	v3 =	vadd.f32 v6, v4;
	v0 =	vadd.f32 v0, v2;
	v2 =	vunpack.i.l.bf16.f32 v14  }
0x106: {  	v4 =	vunpack.i.u.bf16.f32 v14;
	v2 =	vadd.f32 v2, v8;
	[tilespmem:s1+$0x19920] =	vst v1  }
0x107: {  	v1 =	vadd.f32 v4, v3;
	[tilespmem:s1+$0x19952] =	vst v0  }
0x108: {  	[tilespmem:s1+$0x19922] =	vst v2  }
0x109: {  	s10 =	simm.s32 @!p0 $0x13400;
	s9 =	simm.s32 @!p0 $0x64;
	[tilespmem:s1+$0x19954] =	vst v1;
	s1 =	sadd.s32 @!p0 $0x6CE0, s0  }
0x10a: {  	[tilespmem:s10], [sflag:$0x3] =	stream.indirect.gather @!p0 [hbm4b:s3+s9], $0x40, s1, s9, $0xb8;
	[tilespmem:$0x1D800] =	vst v63  }
0x10b: {  	s0 =	sadd.s32 @!p0 $0x6D48, s0;
	s1 =	simm.s32 @!p0 $0x14D00  }
0x10c: {  	[tilespmem:s1], [sflag:$0x3] =	stream.indirect.gather @!p0 [hbm4b:s3+s9], $0x40, s0, s9, $0xb8;
	[tilespmem:$0x1D800] =	vst v63  }
0x10d: {  	_ =	swait.ge [sflag:s26], $0x1900  }
0x10e: {  	[sflag:s26] =	ssyncset.done $0x0  }
0x10f: {  	[sflag:s26] =	ssyncadd.s32 $0xFFFFE700  }
0x110: {  	_ =	swait.ge [sflag:s26], $0x1900  }
0x111: {  	[sflag:s26] =	ssyncset.done $0x0  }
0x112: {  	s0 =	simm.s32 $0x0;
	[sflag:s26] =	ssyncadd.s32 $0xFFFFE700  }
0x113: {  	v0 =	vld [tilespmem:s0+$0x17F40]  }
0x114: {  	v1 =	vld [tilespmem:s0+$0x17F50]  }
0x115: {  	v2 =	vld [tilespmem:s0+$0x17F60]  }
0x116: {  	v4 =	vld [tilespmem:s0+$0x16640]  }
0x117: {  	v8 =	vld [tilespmem:s0+$0x16650]  }
0x118: {  	v10 =	vld [tilespmem:s0+$0x16660]  }
0x119: {  	v11 =	vld [tilespmem:s0+$0x17F00]  }
0x11a: {  	v16 =	vld [tilespmem:s0+$0x16600]  }
0x11b: {  	v3 =	vimm.f32 $0.0e+00;
	v17 =	vld [tilespmem:s0+$0x16610];
	v6 =	vunpack.i.u.bf16.f32 v0;
	v9 =	vunpack.i.l.bf16.f32 v0  }
0x11c: {  	v5 =	vunpack.i.u.bf16.f32 v1;
	v7 =	vunpack.i.l.bf16.f32 v1;
	v0 =	vunpack.i.u.bf16.f32 v2  }
0x11d: {  	v24 =	vld [tilespmem:s0+$0x17F10];
	v13 =	vunpack.i.u.bf16.f32 v4;
	v15 =	vunpack.i.l.bf16.f32 v4;
	v1 =	vunpack.i.l.bf16.f32 v2  }
0x11e: {  	v12 =	vunpack.i.u.bf16.f32 v8;
	v14 =	vunpack.i.l.bf16.f32 v8;
	v2 =	vunpack.i.u.bf16.f32 v10  }
0x11f: {  	v8 =	vunpack.i.u.bf16.f32 v11;
	v11 =	vunpack.i.l.bf16.f32 v11;
	v4 =	vunpack.i.l.bf16.f32 v10  }
0x120: {  	v18 =	vld [tilespmem:s0+$0x17F20];
	v10 =	vunpack.i.u.bf16.f32 v16;
	v16 =	vunpack.i.l.bf16.f32 v16;
	v20 =	vunpack.i.u.bf16.f32 v17  }
0x121: {  	v17 =	vunpack.i.l.bf16.f32 v17;
	v16 =	vadd.f32 v16, v3;
	v10 =	vadd.f32 v10, v3  }
0x122: {  	v23 =	vunpack.i.u.bf16.f32 v24;
	v19 =	vadd.f32 v17, v3;
	v20 =	vadd.f32 v20, v3;
	v17 =	vld [tilespmem:s0+$0x16620]  }
0x123: {  	v24 =	vunpack.i.l.bf16.f32 v24;
	v21 =	vadd.f32 v11, v16;
	v22 =	vadd.f32 v8, v10  }
0x124: {  	s1 =	simm.s32 $0x200;
	v16 =	vld [tilespmem:s0+$0x16622];
	v11 =	vimm.f32 $0.0e+00;
	v10 =	vimm.f32 $0.0e+00;
	v8 =	vimm.f32 $0.0e+00  }
.LBB2_11:
0x125: {  	p0 =	sne.s32 s1, $0x6200;
	v19 =	vadd.f32 v24, v19;
	v20 =	vadd.f32 v23, v20;
	v23 =	vunpack.i.u.bf16.f32 v18  }
0x126: {  	v18 =	vunpack.i.l.bf16.f32 v18;
	v24 =	vld [tilespmem:s0+$0x17F22];
	v15 =	vadd.f32 v15, v21;
	v13 =	vadd.f32 v13, v22  }
0x127: {  	v21 =	vunpack.i.u.bf16.f32 v17;
	v14 =	vadd.f32 v14, v19;
	v12 =	vadd.f32 v12, v20  }
0x128: {  	s9 =	sshra.s32 s1, $0x2;
	v17 =	vunpack.i.l.bf16.f32 v17;
	v19 =	vld [tilespmem:s0+$0x16662];
	v20 =	vadd.f32 v9, v15;
	v22 =	vadd.f32 v6, v13  }
0x129: {  	v9 =	vld [tilespmem:s9+$0x17F40];
	v6 =	vunpack.i.u.bf16.f32 v16;
	v25 =	vadd.f32 v7, v14;
	v26 =	vadd.f32 v5, v12  }
0x12a: {  	v3 =	vadd.f32 v17, v3;
	v5 =	vadd.f32 v21, v11;
	v7 =	vunpack.i.l.bf16.f32 v16;
	v12 =	vld [tilespmem:s0+$0x17F62];
	s0 =	smov.u32 s9  }
0x12b: {  	v7 =	vadd.f32 v7, v10;
	v6 =	vadd.f32 v6, v8;
	v13 =	vld [tilespmem:s0+$0x17F50];
	v8 =	vunpack.i.u.bf16.f32 v24  }
0x12c: {  	v3 =	vadd.f32 v18, v3;
	v5 =	vadd.f32 v23, v5;
	v10 =	vunpack.i.l.bf16.f32 v24;
	v14 =	vld [tilespmem:s0+$0x17F60]  }
0x12d: {  	v7 =	vadd.f32 v10, v7;
	v6 =	vadd.f32 v8, v6;
	v15 =	vld [tilespmem:s0+$0x16640];
	v8 =	vunpack.i.u.bf16.f32 v19  }
0x12e: {  	v3 =	vadd.f32 v4, v3;
	v2 =	vadd.f32 v2, v5;
	v4 =	vunpack.i.l.bf16.f32 v19;
	v16 =	vld [tilespmem:s0+$0x16650]  }
0x12f: {  	v4 =	vadd.f32 v4, v7;
	v5 =	vadd.f32 v8, v6;
	v17 =	vld [tilespmem:s0+$0x16660];
	v6 =	vunpack.i.u.bf16.f32 v12  }
0x130: {  	v3 =	vadd.f32 v1, v3;
	v11 =	vadd.f32 v0, v2;
	v0 =	vunpack.i.l.bf16.f32 v12;
	v18 =	vld [tilespmem:s0+$0x17F00]  }
0x131: {  	v10 =	vadd.f32 v0, v4;
	v8 =	vadd.f32 v6, v5;
	v19 =	vld [tilespmem:s0+$0x16600]  }
0x132: {  	v6 =	vunpack.i.u.bf16.f32 v9;
	v9 =	vunpack.i.l.bf16.f32 v9;
	v21 =	vld [tilespmem:s0+$0x16610]  }
0x133: {  	v5 =	vunpack.i.u.bf16.f32 v13;
	v7 =	vunpack.i.l.bf16.f32 v13;
	v0 =	vunpack.i.u.bf16.f32 v14  }
0x134: {  	v1 =	vunpack.i.l.bf16.f32 v14;
	v13 =	vunpack.i.u.bf16.f32 v15;
	v15 =	vunpack.i.l.bf16.f32 v15;
	v24 =	vld [tilespmem:s0+$0x17F10]  }
0x135: {  	v12 =	vunpack.i.u.bf16.f32 v16;
	v14 =	vunpack.i.l.bf16.f32 v16;
	v2 =	vunpack.i.u.bf16.f32 v17  }
.Ltmp4:
0x136: {  	v4 =	vunpack.i.l.bf16.f32 v17;
	v27 =	vunpack.i.u.bf16.f32 v18;
	v28 =	vunpack.i.l.bf16.f32 v18;
	v18 =	vld [tilespmem:s0+$0x17F20];
	(pc) =	sbr.rel @p0 .LBB2_11-.Ltmp4, $4  }
0x137: {  	v16 =	vunpack.i.u.bf16.f32 v19;
	v17 =	vunpack.i.l.bf16.f32 v19;
	v23 =	vunpack.i.u.bf16.f32 v21  }
0x138: {  	v29 =	vadd.f32 v17, v20;
	v22 =	vadd.f32 v16, v22;
	v16 =	vunpack.i.l.bf16.f32 v21;
	v17 =	vld [tilespmem:s0+$0x16620]  }
0x139: {  	v19 =	vadd.f32 v16, v25;
	v20 =	vadd.f32 v23, v26;
	v23 =	vunpack.i.u.bf16.f32 v24  }
0x13a: {  	s1 =	sadd.s32 $0x200, s1;
	v21 =	vadd.f32 v28, v29;
	v22 =	vadd.f32 v27, v22;
	v24 =	vunpack.i.l.bf16.f32 v24;
	v16 =	vld [tilespmem:s0+$0x16622]  }
0x13b: {  	v19 =	vadd.f32 v24, v19;
	v20 =	vadd.f32 v23, v20  }
0x13c: {  	v46 =	vunpack.i.u.bf16.f32 v18;
	v15 =	vadd.f32 v15, v21;
	v13 =	vadd.f32 v13, v22  }
0x13d: {  	v48 =	vld [tilespmem:s0+$0x17F22];
	v14 =	vadd.f32 v14, v19;
	v12 =	vadd.f32 v12, v20;
	v49 =	vunpack.i.l.bf16.f32 v17  }
0x13e: {  	v50 =	vunpack.i.u.bf16.f32 v17;
	v9 =	vadd.f32 v9, v15;
	v6 =	vadd.f32 v6, v13  }
0x13f: {  	v47 =	vunpack.i.l.bf16.f32 v18;
	v51 =	vld [tilespmem:s0+$0x16662];
	v3 =	vadd.f32 v49, v3;
	v11 =	vadd.f32 v50, v11  }
0x140: {  	v7 =	vadd.f32 v7, v14;
	v5 =	vadd.f32 v5, v12;
	v52 =	vunpack.i.l.bf16.f32 v16  }
0x141: {  	v54 =	vld [tilespmem:s0+$0x17F62];
	s31 =	sshll.u32 s31, $0x7;
	v53 =	vunpack.i.u.bf16.f32 v16;
	v10 =	vadd.f32 v52, v10;
	v3 =	vadd.f32 v47, v3  }
0x142: {  	s0 =	sand.u32 $0x3FFFFF80, s31;
	v8 =	vadd.f32 v53, v8;
	v11 =	vadd.f32 v46, v11;
	v55 =	vunpack.i.l.bf16.f32 v48  }
0x143: {  	v56 =	vunpack.i.u.bf16.f32 v48;
	[tilespmem:s0+$0x19800] =	vst v9;
	v10 =	vadd.f32 v55, v10;
	v3 =	vadd.f32 v4, v3  }
0x144: {  	s30 =	sadd.s32 $0x1, s30;
	v58 =	vunpack.i.l.bf16.f32 v51;
	[tilespmem:s0+$0x19832] =	vst v6;
	v57 =	vadd.f32 v56, v8;
	v2 =	vadd.f32 v2, v11  }
0x145: {  	p0 =	sne.s32 s30, $0x20;
	v59 =	vunpack.i.u.bf16.f32 v51;
	[tilespmem:s0+$0x19810] =	vst v7;
	v8 =	vadd.f32 v58, v10;
	v1 =	vadd.f32 v1, v3  }
.Ltmp5:
0x146: {  	v61 =	vunpack.i.l.bf16.f32 v54;
	[tilespmem:s0+$0x19842] =	vst v5;
	v60 =	vadd.f32 v59, v57;
	v0 =	vadd.f32 v0, v2;
	(pc) =	sbr.rel @p0 .LBB2_4-.Ltmp5, $4  }
0x147: {  	v62 =	vunpack.i.u.bf16.f32 v54;
	v2 =	vadd.f32 v61, v8;
	[tilespmem:s0+$0x19820] =	vst v1  }
0x148: {  	v63 =	vadd.f32 v62, v60;
	[tilespmem:s0+$0x19852] =	vst v0  }
0x149: {  	[tilespmem:s0+$0x19822] =	vst v2  }
0x14a: {  	[tilespmem:s0+$0x19854] =	vst v63  }
0x14b: {  	s29 =	sadd.s32 $0x1, s29  }
0x14c: {  	p0 =	sne.s32 s29, s6  }
.Ltmp6:
0x14d: {  	_ = 	snop;
	(pc) =	sbr.rel @p0 .LBB2_1-.Ltmp6, $4  }
0x14e: {  	[hbm4b:s5+s2] =	stream.linear.scatter [tilespmem:s28], [sflag:$0x5], $0x4000, $0x38;
	[tilespmem:$0x1D800] =	vst v63  }
0x14f: {  	_ =	swait.ge [sflag:s7], $0x4000  }
0x150: {  	[sflag:s7] =	ssyncset.done $0x0  }
0x151: {  	[sflag:s7] =	ssyncadd.s32 $0xFFFFC000  }
0x152: {  	_ =	sfence.sel $0x180000  }
0x153: {  	[bflag:$0x0] =	sbarrier.arrive $0xFFFF  }
0x154: {  	_ =	strace $0x90000047  }
0x155: {  	s0 =	stileid.u32;
	[bflag:$0x2] =	sbarrier.arrive $0xFFFF  }
0x156: {  	p0 =	sne.s32 s0, $0x0;
	s0 =	rddreg [dreg:$0x1]  }
0x157: {  	s0 =	sadd.s32 @!p0 $0x100000, s0  }
0x158: {  	[sflag:s0] =	ssyncadd.tile.s32 @!p0 $0x1;
	_ =	shalt  }
.Lfunc_end2:
_tile_overlayer_lowered:
.L_overlay_start_2:
0x159: {  	(tag) =	ssettag $0x2  }
0x15a: {  	s0 =	rddreg [dreg:$0x0];
	s2 =	stileid.u32  }
0x15b: {  	s1 =	rddreg [dreg:$0x1];
	p0 =	sne.s32 s2, $0x0  }
0x15c: {  	s3 =	rddreg [dreg:$0x2];
	[bflag:$0x3] =	sbarrier.arrive $0xFFFF;
	s2 =	simm.s32 @!p0 $0x1C05  }
0x15d: {  	[timem:s3], [sflag:s2] =	dma.local @!p0 [hbm:s0], s1  }
0x15e: {  	s0 =	simm.s32 @!p0 $0x5  }
0x15f: {  	_ =	swait.ge @!p0 [sflag:s0], s1  }
0x160: {  	s1 =	ssub.s32 @!p0 $0x0, s1;
	[sflag:s0] =	ssyncset.done @!p0 $0x0  }
0x161: {  	[sflag:s0] =	ssyncadd.s32 @!p0 s1  }
0x162: {  	[bflag:$0x3] =	sbarrier.arrive $0xFFFF  }
0x163: {  	_ =	shalt  }

</sc_bundles>
